<compile_context>
chip_gen: v7x
topology: tpu7x:2x2x1
jax: 0.10.2.dev20260603
libtpu: 0.0.44.dev20260713+nightly
codegen_flags: <defaults>
</compile_context>

<pallas_src>
import functools

import jax
import jax.numpy as jnp
from jax import lax
from jax.experimental import pallas as pl
from jax.experimental.pallas import tpu as pltpu
from jax.experimental.pallas import tpu_sc as plsc

N = 10000
NPAD = 10240
D = 128
E = 320000
CH = 128
NTILES = 32
CPT = 80
CPT0 = 128
CPT1 = 32
NCHUNK = NTILES * CPT
EPAD = NCHUNK * CH
RPT = NPAD // 16
BS = 16
MAP_LEN = 128

_mesh = plsc.VectorSubcoreMesh(
    core_axis_name="c", subcore_axis_name="s", num_cores=2, num_subcores=16)


def _zero_acc(z128_hbm, rows, acc_sh, s):
    pltpu.sync_copy(z128_hbm, rows)
    for k in range(RPT // CH):
        pltpu.sync_copy(rows, acc_sh.at[pl.ds(s * RPT + k * CH, CH)])


def _msg_body(h_hbm, src_hbm, dst_hbm, z128_hbm, acc_out,
              sv0, sv1, dv0, dv1, rows0, rows1, acc_sh, isem, gsem):
    c = lax.axis_index("c")
    s = lax.axis_index("s")
    nchunk = jnp.where(c == 0, CPT0, CPT1)
    base0 = jnp.where(c == 0, s * CPT0, 16 * CPT0 + s * CPT1) * CH
    sv = (sv0, sv1)
    dv = (dv0, dv1)
    rows = (rows0, rows1)

    _zero_acc(z128_hbm, rows0, acc_sh, s)
    plsc.subcore_barrier()

    def issue_idx(cix, p):
        a = pltpu.async_copy(src_hbm.at[pl.ds(base0 + cix * CH, CH)], sv[p], isem)
        b = pltpu.async_copy(dst_hbm.at[pl.ds(base0 + cix * CH, CH)], dv[p], isem)
        return a, b

    def wait_idx(p):
        pltpu.make_async_copy(src_hbm.at[pl.ds(0, CH)], sv[p], isem).wait()
        pltpu.make_async_copy(dst_hbm.at[pl.ds(0, CH)], dv[p], isem).wait()

    def issue_gather(p):
        return pltpu.async_copy(h_hbm.at[sv[p]], rows[p], gsem)

    def wait_gather(p):
        pltpu.make_async_copy(h_hbm.at[pl.ds(0, CH)], rows[p], gsem).wait()

    def scatter(p):
        pltpu.sync_copy(rows[p], acc_sh.at[dv[p]], add=True)

    @pl.when(nchunk > 0)
    def _run():
        a0, b0 = issue_idx(0, 0)
        a0.wait()
        b0.wait()
        issue_gather(0)
        issue_idx(1, 1)

        def body(t, carry):
            wait_idx(1)
            issue_gather(1)
            wait_gather(0)
            scatter(0)
            issue_idx(2 * t + 2, 0)
            wait_idx(0)
            issue_gather(0)
            wait_gather(1)
            scatter(1)
            issue_idx(2 * t + 3, 1)
            return carry

        lax.fori_loop(0, nchunk // 2 - 1, body, 0)
        wait_idx(1)
        issue_gather(1)
        wait_gather(0)
        scatter(0)
        wait_gather(1)
        scatter(1)

    plsc.subcore_barrier()

    for k in range(RPT // CH):
        r0 = s * RPT + k * CH
        pltpu.sync_copy(acc_sh.at[pl.ds(r0, CH)], rows0)
        pltpu.sync_copy(rows0, acc_out.at[c, pl.ds(r0, CH)])


_msg_seg = pl.kernel(
    _msg_body,
    out_type=jax.ShapeDtypeStruct((2, NPAD, D), jnp.float32),
    mesh=_mesh,
    scratch_types=[
        pltpu.VMEM((CH,), jnp.int32),
        pltpu.VMEM((CH,), jnp.int32),
        pltpu.VMEM((CH,), jnp.int32),
        pltpu.VMEM((CH,), jnp.int32),
        pltpu.VMEM((CH, D), jnp.float32),
        pltpu.VMEM((CH, D), jnp.float32),
        pltpu.VMEM_SHARED((NPAD, D), jnp.float32),
        pltpu.SemaphoreType.DMA,
        pltpu.SemaphoreType.DMA,
    ],
)


def _cnt_body(dst_hbm, z128_hbm, o128_hbm, acc_out,
              dv0, dv1, rows, acc_sh, isem):
    c = lax.axis_index("c")
    s = lax.axis_index("s")
    wid = s * 2 + c
    base0 = wid * CPT * CH
    dv = (dv0, dv1)

    _zero_acc(z128_hbm, rows, acc_sh, s)
    pltpu.sync_copy(o128_hbm, rows)
    plsc.subcore_barrier()

    def issue_idx(cix, p):
        pltpu.async_copy(dst_hbm.at[pl.ds(base0 + cix * CH, CH)], dv[p], isem)

    def wait_idx(p):
        pltpu.make_async_copy(dst_hbm.at[pl.ds(0, CH)], dv[p], isem).wait()

    issue_idx(0, 0)
    issue_idx(1, 1)

    def body(t, carry):
        wait_idx(0)
        pltpu.sync_copy(rows, acc_sh.at[dv0], add=True)
        issue_idx(2 * t + 2, 0)
        wait_idx(1)
        pltpu.sync_copy(rows, acc_sh.at[dv1], add=True)
        issue_idx(2 * t + 3, 1)
        return carry

    lax.fori_loop(0, CPT // 2 - 1, body, 0)
    wait_idx(0)
    pltpu.sync_copy(rows, acc_sh.at[dv0], add=True)
    wait_idx(1)
    pltpu.sync_copy(rows, acc_sh.at[dv1], add=True)
    plsc.subcore_barrier()

    for k in range(RPT // CH):
        r0 = s * RPT + k * CH
        pltpu.sync_copy(acc_sh.at[pl.ds(r0, CH)], rows)
        pltpu.sync_copy(rows, acc_out.at[c, pl.ds(r0, CH)])


_cnt_seg = pl.kernel(
    _cnt_body,
    out_type=jax.ShapeDtypeStruct((2, NPAD, D), jnp.float32),
    mesh=_mesh,
    scratch_types=[
        pltpu.VMEM((CH,), jnp.int32),
        pltpu.VMEM((CH,), jnp.int32),
        pltpu.VMEM((CH, D), jnp.float32),
        pltpu.VMEM_SHARED((NPAD, D), jnp.float32),
        pltpu.SemaphoreType.DMA,
    ],
)


def _gather_body(h_hbm, idx_hbm, out_hbm, idxv, rows, sem):
    c = lax.axis_index("c")
    s = lax.axis_index("s")
    base = s * MAP_LEN + c * 64
    pltpu.sync_copy(idx_hbm.at[pl.ds(base, 64)], idxv)
    pltpu.async_copy(h_hbm.at[idxv], rows, sem).wait()
    pltpu.sync_copy(rows, out_hbm.at[pl.ds(base, 64)])


_local_gather = pl.kernel(
    _gather_body,
    out_type=jax.ShapeDtypeStruct((BS * MAP_LEN, D), jnp.float32),
    mesh=_mesh,
    scratch_types=[
        pltpu.VMEM((64,), jnp.int32),
        pltpu.VMEM((64, D), jnp.float32),
        pltpu.SemaphoreType.DMA,
    ],
)


_BLK = 512
_GRID = NPAD // _BLK


def _row_spec(last=D):
    return pl.BlockSpec((_BLK, last), lambda i: (i, 0))


def _w_spec():
    return pl.BlockSpec((D, D), lambda i: (0, 0))


def _b_spec():
    return pl.BlockSpec((1, D), lambda i: (0, 0))


def _msg_spec(last=D):
    return pl.BlockSpec((2, _BLK, last), lambda i: (0, i, 0))


def _tc1_body(x_ref, wp_ref, bp_ref, o_ref):
    o_ref[...] = jnp.maximum(
        jnp.dot(x_ref[...], wp_ref[...], preferred_element_type=jnp.float32)
        + bp_ref[...], 0.0)


_tc1 = pl.pallas_call(
    _tc1_body,
    grid=(_GRID,),
    in_specs=[_row_spec(), _w_spec(), _b_spec()],
    out_specs=_row_spec(),
    out_shape=jax.ShapeDtypeStruct((NPAD, D), jnp.float32),
)


def _mean(m_ref, c_ref):
    cnt = c_ref[0] + c_ref[1]
    inv = 1.0 / jnp.maximum(cnt[:, 0:1], 1.0)
    return (m_ref[0] + m_ref[1]) * inv


def _tc2_body(m_ref, c_ref, x_ref, wl_ref, bl_ref, wr_ref, wp_ref, bp_ref,
              hmid_ref, h2p_ref):
    mean = _mean(m_ref, c_ref)
    hmid = jnp.maximum(
        jnp.dot(mean, wl_ref[...], preferred_element_type=jnp.float32)
        + bl_ref[...]
        + jnp.dot(x_ref[...], wr_ref[...], preferred_element_type=jnp.float32),
        0.0)
    hmid_ref[...] = hmid
    h2p_ref[...] = jnp.maximum(
        jnp.dot(hmid, wp_ref[...], preferred_element_type=jnp.float32)
        + bp_ref[...], 0.0)


_tc2 = pl.pallas_call(
    _tc2_body,
    grid=(_GRID,),
    in_specs=[_msg_spec(), _msg_spec(), _row_spec(),
              _w_spec(), _b_spec(), _w_spec(), _w_spec(), _b_spec()],
    out_specs=[_row_spec(), _row_spec()],
    out_shape=[jax.ShapeDtypeStruct((NPAD, D), jnp.float32),
               jax.ShapeDtypeStruct((NPAD, D), jnp.float32)],
)


def _tc3_body(m_ref, c_ref, h_ref, wl_ref, bl_ref, wr_ref, wf_ref, bf_ref,
              o_ref):
    mean = _mean(m_ref, c_ref)
    h4 = jnp.maximum(
        jnp.dot(mean, wl_ref[...], preferred_element_type=jnp.float32)
        + bl_ref[...]
        + jnp.dot(h_ref[...], wr_ref[...], preferred_element_type=jnp.float32),
        0.0)
    o_ref[...] = (
        jnp.dot(h4, wf_ref[...], preferred_element_type=jnp.float32)
        + bf_ref[...])


_tc3 = pl.pallas_call(
    _tc3_body,
    grid=(_GRID,),
    in_specs=[_msg_spec(), _msg_spec(), _row_spec(),
              _w_spec(), _b_spec(), _w_spec(), _w_spec(), _b_spec()],
    out_specs=_row_spec(),
    out_shape=jax.ShapeDtypeStruct((NPAD, D), jnp.float32),
)


def kernel(x, edge_index, map_id, node_id,
           Wp1, bp1, Wl1, bl1, Wr1,
           Wp2, bp2, Wl2, bl2, Wr2,
           Wf, bf):
    xp = jnp.pad(x, ((0, NPAD - N), (0, 0)))
    src = edge_index[0]
    dst = edge_index[1]
    npad_e = EPAD - E
    srcp = jnp.concatenate([src, jnp.zeros((npad_e,), jnp.int32)])
    dstp = jnp.concatenate(
        [dst, N + (jnp.arange(npad_e, dtype=jnp.int32) % (NPAD - N))])
    z128 = jnp.zeros((CH, D), jnp.float32)
    o128 = jnp.ones((CH, D), jnp.float32)

    cnt = _cnt_seg(dstp, z128, o128)
    h1p = _tc1(xp, Wp1.T, bp1.reshape(1, D))
    msg1 = _msg_seg(h1p, srcp, dstp, z128)
    hmid, h2p = _tc2(msg1, cnt, xp, Wl1.T, bl1.reshape(1, D), Wr1.T,
                     Wp2.T, bp2.reshape(1, D))
    msg2 = _msg_seg(h2p, srcp, dstp, z128)
    hfin = _tc3(msg2, cnt, hmid, Wl2.T, bl2.reshape(1, D), Wr2.T,
                Wf.T, bf.reshape(1, D))
    flat_idx = (
        jnp.arange(BS, dtype=jnp.int32)[:, None] * (N // BS) + map_id
    ).reshape(-1)
    local_feat = _local_gather(hfin, flat_idx)
    return (local_feat, hfin[:N])

# --- scband reference (transcript-rebuilt; emitter-appended) ---
"""Pipeline reference for scband-encoder-73598559584739 (READ-ONLY COPY).

The authoritative reference and input builder live on the scoring server;
editing this copy changes nothing except your own understanding.
"""

import jax, jax.numpy as jnp
import numpy as np

N_NODES = 10000
N_EDGES = 320000
BS = 16
NUM_NODES_PER_GRAPH = 625
MAP_LEN = 128
INP_LEN = 128
DEC_HID = 128
EMB = 128


def _w(key, shape, scale=0.05):
    return jax.random.normal(key, shape, dtype=jnp.float32) * scale


def setup_inputs(seed: int = 0) -> dict:
    key = jax.random.key(seed)
    ks = jax.random.split(key, 20)
    x = jax.random.normal(ks[0], (N_NODES, INP_LEN), dtype=jnp.float32)
    edge_index = jax.random.randint(ks[1], (2, N_EDGES), 0, N_NODES, dtype=jnp.int64 if jax.config.jax_enable_x64 else jnp.int32).astype(jnp.int32)
    map_id = jax.random.randint(ks[2], (BS, MAP_LEN), 0, NUM_NODES_PER_GRAPH).astype(jnp.int32)
    node_id = jnp.arange(BS, dtype=jnp.int32)
    # SAGEConv layer 1 (project=True): lin (projection), lin_l (on aggregated), lin_r (root, no bias)
    Wp1 = _w(ks[3], (INP_LEN, INP_LEN)); bp1 = jnp.zeros((INP_LEN,), jnp.float32)
    Wl1 = _w(ks[4], (DEC_HID, INP_LEN)); bl1 = jnp.zeros((DEC_HID,), jnp.float32)
    Wr1 = _w(ks[5], (DEC_HID, INP_LEN))
    # SAGEConv layer 2
    Wp2 = _w(ks[6], (DEC_HID, DEC_HID)); bp2 = jnp.zeros((DEC_HID,), jnp.float32)
    Wl2 = _w(ks[7], (EMB, DEC_HID)); bl2 = jnp.zeros((EMB,), jnp.float32)
    Wr2 = _w(ks[8], (EMB, DEC_HID))
    # final linear rep_dim -> rep_dim
    Wf = _w(ks[9], (EMB, EMB)); bf = jnp.zeros((EMB,), jnp.float32)
    return {"x": x, "edge_index": edge_index, "map_id": map_id, "node_id": node_id,
            "Wp1": Wp1, "bp1": bp1, "Wl1": Wl1, "bl1": bl1, "Wr1": Wr1,
            "Wp2": Wp2, "bp2": bp2, "Wl2": Wl2, "bl2": bl2, "Wr2": Wr2,
            "Wf": Wf, "bf": bf}


def _sage_conv(x, src, dst, n, Wp, bp, Wl, bl, Wr):
    # project=True: source features are projected + relu; root features are NOT projected
    h = jax.nn.relu(x @ Wp.T + bp)
    msg_sum = jax.ops.segment_sum(h[src], dst, num_segments=n)
    cnt = jax.ops.segment_sum(jnp.ones((src.shape[0], 1), dtype=x.dtype), dst, num_segments=n)
    mean = msg_sum / jnp.clip(cnt, 1.0)
    return mean @ Wl.T + bl + x @ Wr.T


def reference(x, edge_index, map_id, node_id,
              Wp1, bp1, Wl1, bl1, Wr1,
              Wp2, bp2, Wl2, bl2, Wr2,
              Wf, bf):
    n = x.shape[0]
    src = edge_index[0]
    dst = edge_index[1]
    h = jax.nn.relu(_sage_conv(x, src, dst, n, Wp1, bp1, Wl1, bl1, Wr1))
    h = jax.nn.relu(_sage_conv(h, src, dst, n, Wp2, bp2, Wl2, bl2, Wr2))
    h = h.reshape(n, -1)
    h = h @ Wf.T + bf
    bs = node_id.shape[0]
    num_nodes = n // bs
    rep = h.shape[-1]
    h3 = h.reshape(bs, num_nodes, rep)
    local_feat = jnp.take_along_axis(h3, map_id[:, :, None], axis=1).reshape(-1, rep)
    return (local_feat, h)

if __name__ == "__main__":
    import jax
    _d = setup_inputs()
    print(jax.jit(kernel)(*tuple(_d.values())))

</pallas_src>

<mosaic_0001>
#map = affine_map<(d0, d1) -> (0, 0)>
#map1 = affine_map<(d0, d1) -> (0)>
#map2 = affine_map<(d0, d1) -> (0, 0, 0)>
module attributes {stable_mosaic.version = 14 : i64} {
  func.func @_msg_body(%arg0: i32, %arg1: i32, %arg2: memref<10240x128xf32, #tpu.memory_space<hbm>>, %arg3: memref<327680xi32, #tpu.memory_space<hbm>>, %arg4: memref<327680xi32, #tpu.memory_space<hbm>>, %arg5: memref<128x128xf32, #tpu.memory_space<hbm>>, %arg6: memref<2x10240x128xf32, #tpu.memory_space<hbm>>, %arg7: memref<128xi32, #tpu.memory_space<vmem>>, %arg8: memref<128xi32, #tpu.memory_space<vmem>>, %arg9: memref<128xi32, #tpu.memory_space<vmem>>, %arg10: memref<128xi32, #tpu.memory_space<vmem>>, %arg11: memref<128x128xf32, #tpu.memory_space<vmem>>, %arg12: memref<128x128xf32, #tpu.memory_space<vmem>>, %arg13: memref<10240x128xf32, #tpu.memory_space<vmem_shared>>, %arg14: memref<!tpu.dma_semaphore, #tpu.memory_space<semaphore_mem>>, %arg15: memref<!tpu.dma_semaphore, #tpu.memory_space<semaphore_mem>>) attributes {dimension_semantics = [#tpu.dimension_semantics<core_parallel>, #tpu.dimension_semantics<subcore_parallel>], iteration_bounds = array<i64: 2, 16>, scalar_prefetch = 0 : i64, scratch_operands = 9 : i64, tpu.core_type = #tpu.core_type<sc_vector_subcore>, window_params = [{transform_indices = #map}, {transform_indices = #map1}, {transform_indices = #map1}, {transform_indices = #map}, {transform_indices = #map2}]} {
    %eq3A = arith.constant 0 : i32
    %eq3A_0 = arith.cmpi eq, %arg0, %eq3A : i32
    %jit3A = arith.constant 128 : i32
    %jit3A_1 = arith.constant 32 : i32
    %select_n3A = arith.select %eq3A_0, %jit3A, %jit3A_1 : i32
    %eq3A_2 = arith.constant 0 : i32
    %eq3A_3 = arith.cmpi eq, %arg0, %eq3A_2 : i32
    %mul3A = arith.constant 128 : i32
    %mul3A_4 = arith.muli %arg1, %mul3A : i32
    %mul3A_5 = arith.constant 32 : i32
    %mul3A_6 = arith.muli %arg1, %mul3A_5 : i32
    %add3A = arith.constant 2048 : i32
    %add3A_7 = arith.addi %add3A, %mul3A_6 : i32
    %select_n3A_8 = arith.select %eq3A_3, %mul3A_4, %add3A_7 : i32
    %mul3A_9 = arith.constant 128 : i32
    %mul3A_10 = arith.muli %select_n3A_8, %mul3A_9 : i32
    "tpu.region"() ({
      %run_scoped3A = tpu.sem_alloc : memref<!tpu.dma_semaphore, #tpu.memory_space<semaphore_mem>>
      tpu.enqueue_dma source(%arg5 : memref<128x128xf32, #tpu.memory_space<hbm>>) target(%arg11 : memref<128x128xf32, #tpu.memory_space<vmem>>) target_semaphore(%run_scoped3A : memref<!tpu.dma_semaphore, #tpu.memory_space<semaphore_mem>>)
      tpu.wait_dma2 semaphore(%run_scoped3A : memref<!tpu.dma_semaphore, #tpu.memory_space<semaphore_mem>>) src(%arg5 : memref<128x128xf32, #tpu.memory_space<hbm>>) dst(%arg11 : memref<128x128xf32, #tpu.memory_space<vmem>>)
      tpu.yield
    }) : () -> ()
    %mul3A_11 = arith.constant 640 : i32
    %mul3A_12 = arith.muli %arg1, %mul3A_11 : i32
    %add3A_13 = arith.constant 0 : i32
    %add3A_14 = arith.addi %mul3A_12, %add3A_13 : i32
    "tpu.region"() ({
      %run_scoped3A = tpu.sem_alloc : memref<!tpu.dma_semaphore, #tpu.memory_space<semaphore_mem>>
      %dma_start3A = arith.constant 0 : i32
      %dma_start3A_54 = tpu.memref_slice %arg13[%add3A_14, %dma_start3A] : memref<10240x128xf32, #tpu.memory_space<vmem_shared>> -> memref<128x128xf32, #tpu.memory_space<vmem_shared>>
      %dma_start3A_55 = arith.constant 0 : i32
      %dma_start3A_56 = tpu.memref_slice %arg13[%add3A_14, %dma_start3A_55] : memref<10240x128xf32, #tpu.memory_space<vmem_shared>> -> memref<128x128xf32, #tpu.memory_space<vmem_shared>>
      tpu.enqueue_dma source(%arg11 : memref<128x128xf32, #tpu.memory_space<vmem>>) target(%dma_start3A_56 : memref<128x128xf32, #tpu.memory_space<vmem_shared>>) target_semaphore(%run_scoped3A : memref<!tpu.dma_semaphore, #tpu.memory_space<semaphore_mem>>)
      %dma_wait3A = arith.constant 0 : i32
      %dma_wait3A_57 = tpu.memref_slice %arg13[%add3A_14, %dma_wait3A] : memref<10240x128xf32, #tpu.memory_space<vmem_shared>> -> memref<128x128xf32, #tpu.memory_space<vmem_shared>>
      %dma_wait3A_58 = arith.constant 0 : i32
      %dma_wait3A_59 = tpu.memref_slice %arg13[%add3A_14, %dma_wait3A_58] : memref<10240x128xf32, #tpu.memory_space<vmem_shared>> -> memref<128x128xf32, #tpu.memory_space<vmem_shared>>
      tpu.wait_dma2 semaphore(%run_scoped3A : memref<!tpu.dma_semaphore, #tpu.memory_space<semaphore_mem>>) src(%arg11 : memref<128x128xf32, #tpu.memory_space<vmem>>) dst(%dma_wait3A_59 : memref<128x128xf32, #tpu.memory_space<vmem_shared>>)
      tpu.yield
    }) : () -> ()
    %mul3A_15 = arith.constant 640 : i32
    %mul3A_16 = arith.muli %arg1, %mul3A_15 : i32
    %add3A_17 = arith.constant 128 : i32
    %add3A_18 = arith.addi %mul3A_16, %add3A_17 : i32
    "tpu.region"() ({
      %run_scoped3A = tpu.sem_alloc : memref<!tpu.dma_semaphore, #tpu.memory_space<semaphore_mem>>
      %dma_start3A = arith.constant 0 : i32
      %dma_start3A_54 = tpu.memref_slice %arg13[%add3A_18, %dma_start3A] : memref<10240x128xf32, #tpu.memory_space<vmem_shared>> -> memref<128x128xf32, #tpu.memory_space<vmem_shared>>
      %dma_start3A_55 = arith.constant 0 : i32
      %dma_start3A_56 = tpu.memref_slice %arg13[%add3A_18, %dma_start3A_55] : memref<10240x128xf32, #tpu.memory_space<vmem_shared>> -> memref<128x128xf32, #tpu.memory_space<vmem_shared>>
      tpu.enqueue_dma source(%arg11 : memref<128x128xf32, #tpu.memory_space<vmem>>) target(%dma_start3A_56 : memref<128x128xf32, #tpu.memory_space<vmem_shared>>) target_semaphore(%run_scoped3A : memref<!tpu.dma_semaphore, #tpu.memory_space<semaphore_mem>>)
      %dma_wait3A = arith.constant 0 : i32
      %dma_wait3A_57 = tpu.memref_slice %arg13[%add3A_18, %dma_wait3A] : memref<10240x128xf32, #tpu.memory_space<vmem_shared>> -> memref<128x128xf32, #tpu.memory_space<vmem_shared>>
      %dma_wait3A_58 = arith.constant 0 : i32
      %dma_wait3A_59 = tpu.memref_slice %arg13[%add3A_18, %dma_wait3A_58] : memref<10240x128xf32, #tpu.memory_space<vmem_shared>> -> memref<128x128xf32, #tpu.memory_space<vmem_shared>>
      tpu.wait_dma2 semaphore(%run_scoped3A : memref<!tpu.dma_semaphore, #tpu.memory_space<semaphore_mem>>) src(%arg11 : memref<128x128xf32, #tpu.memory_space<vmem>>) dst(%dma_wait3A_59 : memref<128x128xf32, #tpu.memory_space<vmem_shared>>)
      tpu.yield
    }) : () -> ()
    %mul3A_19 = arith.constant 640 : i32
    %mul3A_20 = arith.muli %arg1, %mul3A_19 : i32
    %add3A_21 = arith.constant 256 : i32
    %add3A_22 = arith.addi %mul3A_20, %add3A_21 : i32
    "tpu.region"() ({
      %run_scoped3A = tpu.sem_alloc : memref<!tpu.dma_semaphore, #tpu.memory_space<semaphore_mem>>
      %dma_start3A = arith.constant 0 : i32
      %dma_start3A_54 = tpu.memref_slice %arg13[%add3A_22, %dma_start3A] : memref<10240x128xf32, #tpu.memory_space<vmem_shared>> -> memref<128x128xf32, #tpu.memory_space<vmem_shared>>
      %dma_start3A_55 = arith.constant 0 : i32
      %dma_start3A_56 = tpu.memref_slice %arg13[%add3A_22, %dma_start3A_55] : memref<10240x128xf32, #tpu.memory_space<vmem_shared>> -> memref<128x128xf32, #tpu.memory_space<vmem_shared>>
      tpu.enqueue_dma source(%arg11 : memref<128x128xf32, #tpu.memory_space<vmem>>) target(%dma_start3A_56 : memref<128x128xf32, #tpu.memory_space<vmem_shared>>) target_semaphore(%run_scoped3A : memref<!tpu.dma_semaphore, #tpu.memory_space<semaphore_mem>>)
      %dma_wait3A = arith.constant 0 : i32
      %dma_wait3A_57 = tpu.memref_slice %arg13[%add3A_22, %dma_wait3A] : memref<10240x128xf32, #tpu.memory_space<vmem_shared>> -> memref<128x128xf32, #tpu.memory_space<vmem_shared>>
      %dma_wait3A_58 = arith.constant 0 : i32
      %dma_wait3A_59 = tpu.memref_slice %arg13[%add3A_22, %dma_wait3A_58] : memref<10240x128xf32, #tpu.memory_space<vmem_shared>> -> memref<128x128xf32, #tpu.memory_space<vmem_shared>>
      tpu.wait_dma2 semaphore(%run_scoped3A : memref<!tpu.dma_semaphore, #tpu.memory_space<semaphore_mem>>) src(%arg11 : memref<128x128xf32, #tpu.memory_space<vmem>>) dst(%dma_wait3A_59 : memref<128x128xf32, #tpu.memory_space<vmem_shared>>)
      tpu.yield
    }) : () -> ()
    %mul3A_23 = arith.constant 640 : i32
    %mul3A_24 = arith.muli %arg1, %mul3A_23 : i32
    %add3A_25 = arith.constant 384 : i32
    %add3A_26 = arith.addi %mul3A_24, %add3A_25 : i32
    "tpu.region"() ({
      %run_scoped3A = tpu.sem_alloc : memref<!tpu.dma_semaphore, #tpu.memory_space<semaphore_mem>>
      %dma_start3A = arith.constant 0 : i32
      %dma_start3A_54 = tpu.memref_slice %arg13[%add3A_26, %dma_start3A] : memref<10240x128xf32, #tpu.memory_space<vmem_shared>> -> memref<128x128xf32, #tpu.memory_space<vmem_shared>>
      %dma_start3A_55 = arith.constant 0 : i32
      %dma_start3A_56 = tpu.memref_slice %arg13[%add3A_26, %dma_start3A_55] : memref<10240x128xf32, #tpu.memory_space<vmem_shared>> -> memref<128x128xf32, #tpu.memory_space<vmem_shared>>
      tpu.enqueue_dma source(%arg11 : memref<128x128xf32, #tpu.memory_space<vmem>>) target(%dma_start3A_56 : memref<128x128xf32, #tpu.memory_space<vmem_shared>>) target_semaphore(%run_scoped3A : memref<!tpu.dma_semaphore, #tpu.memory_space<semaphore_mem>>)
      %dma_wait3A = arith.constant 0 : i32
      %dma_wait3A_57 = tpu.memref_slice %arg13[%add3A_26, %dma_wait3A] : memref<10240x128xf32, #tpu.memory_space<vmem_shared>> -> memref<128x128xf32, #tpu.memory_space<vmem_shared>>
      %dma_wait3A_58 = arith.constant 0 : i32
      %dma_wait3A_59 = tpu.memref_slice %arg13[%add3A_26, %dma_wait3A_58] : memref<10240x128xf32, #tpu.memory_space<vmem_shared>> -> memref<128x128xf32, #tpu.memory_space<vmem_shared>>
      tpu.wait_dma2 semaphore(%run_scoped3A : memref<!tpu.dma_semaphore, #tpu.memory_space<semaphore_mem>>) src(%arg11 : memref<128x128xf32, #tpu.memory_space<vmem>>) dst(%dma_wait3A_59 : memref<128x128xf32, #tpu.memory_space<vmem_shared>>)
      tpu.yield
    }) : () -> ()
    %mul3A_27 = arith.constant 640 : i32
    %mul3A_28 = arith.muli %arg1, %mul3A_27 : i32
    %add3A_29 = arith.constant 512 : i32
    %add3A_30 = arith.addi %mul3A_28, %add3A_29 : i32
    "tpu.region"() ({
      %run_scoped3A = tpu.sem_alloc : memref<!tpu.dma_semaphore, #tpu.memory_space<semaphore_mem>>
      %dma_start3A = arith.constant 0 : i32
      %dma_start3A_54 = tpu.memref_slice %arg13[%add3A_30, %dma_start3A] : memref<10240x128xf32, #tpu.memory_space<vmem_shared>> -> memref<128x128xf32, #tpu.memory_space<vmem_shared>>
      %dma_start3A_55 = arith.constant 0 : i32
      %dma_start3A_56 = tpu.memref_slice %arg13[%add3A_30, %dma_start3A_55] : memref<10240x128xf32, #tpu.memory_space<vmem_shared>> -> memref<128x128xf32, #tpu.memory_space<vmem_shared>>
      tpu.enqueue_dma source(%arg11 : memref<128x128xf32, #tpu.memory_space<vmem>>) target(%dma_start3A_56 : memref<128x128xf32, #tpu.memory_space<vmem_shared>>) target_semaphore(%run_scoped3A : memref<!tpu.dma_semaphore, #tpu.memory_space<semaphore_mem>>)
      %dma_wait3A = arith.constant 0 : i32
      %dma_wait3A_57 = tpu.memref_slice %arg13[%add3A_30, %dma_wait3A] : memref<10240x128xf32, #tpu.memory_space<vmem_shared>> -> memref<128x128xf32, #tpu.memory_space<vmem_shared>>
      %dma_wait3A_58 = arith.constant 0 : i32
      %dma_wait3A_59 = tpu.memref_slice %arg13[%add3A_30, %dma_wait3A_58] : memref<10240x128xf32, #tpu.memory_space<vmem_shared>> -> memref<128x128xf32, #tpu.memory_space<vmem_shared>>
      tpu.wait_dma2 semaphore(%run_scoped3A : memref<!tpu.dma_semaphore, #tpu.memory_space<semaphore_mem>>) src(%arg11 : memref<128x128xf32, #tpu.memory_space<vmem>>) dst(%dma_wait3A_59 : memref<128x128xf32, #tpu.memory_space<vmem_shared>>)
      tpu.yield
    }) : () -> ()
    %barrier3A = arith.constant 0 : index
    tpu.barrier barrier_id(%barrier3A)
    %gt3A = arith.constant 0 : i32
    %gt3A_31 = arith.cmpi sgt, %select_n3A, %gt3A : i32
    %convert_element_type3A = arith.extui %gt3A_31 : i1 to i32
    %cond3A = arith.constant 0 : i32
    %cond3A_32 = arith.cmpi ne, %convert_element_type3A, %cond3A : i32
    scf.if %cond3A_32 {
      %add3A_54 = arith.constant 0 : i32
      %add3A_55 = arith.addi %mul3A_10, %add3A_54 : i32
      %dma_start3A = tpu.memref_slice %arg3[%add3A_55] : memref<327680xi32, #tpu.memory_space<hbm>> -> memref<128xi32, #tpu.memory_space<hbm>>
      %dma_start3A_56 = tpu.memref_slice %arg3[%add3A_55] : memref<327680xi32, #tpu.memory_space<hbm>> -> memref<128xi32, #tpu.memory_space<hbm>>
      tpu.enqueue_dma source(%dma_start3A_56 : memref<128xi32, #tpu.memory_space<hbm>>) target(%arg7 : memref<128xi32, #tpu.memory_space<vmem>>) target_semaphore(%arg14 : memref<!tpu.dma_semaphore, #tpu.memory_space<semaphore_mem>>)
      %add3A_57 = arith.constant 0 : i32
      %add3A_58 = arith.addi %mul3A_10, %add3A_57 : i32
      %dma_start3A_59 = tpu.memref_slice %arg4[%add3A_58] : memref<327680xi32, #tpu.memory_space<hbm>> -> memref<128xi32, #tpu.memory_space<hbm>>
      %dma_start3A_60 = tpu.memref_slice %arg4[%add3A_58] : memref<327680xi32, #tpu.memory_space<hbm>> -> memref<128xi32, #tpu.memory_space<hbm>>
      tpu.enqueue_dma source(%dma_start3A_60 : memref<128xi32, #tpu.memory_space<hbm>>) target(%arg9 : memref<128xi32, #tpu.memory_space<vmem>>) target_semaphore(%arg14 : memref<!tpu.dma_semaphore, #tpu.memory_space<semaphore_mem>>)
      %dma_wait3A = tpu.memref_slice %arg3[%add3A_55] : memref<327680xi32, #tpu.memory_space<hbm>> -> memref<128xi32, #tpu.memory_space<hbm>>
      %dma_wait3A_61 = tpu.memref_slice %arg3[%add3A_55] : memref<327680xi32, #tpu.memory_space<hbm>> -> memref<128xi32, #tpu.memory_space<hbm>>
      tpu.wait_dma2 semaphore(%arg14 : memref<!tpu.dma_semaphore, #tpu.memory_space<semaphore_mem>>) src(%dma_wait3A_61 : memref<128xi32, #tpu.memory_space<hbm>>) dst(%arg7 : memref<128xi32, #tpu.memory_space<vmem>>)
      %dma_wait3A_62 = tpu.memref_slice %arg4[%add3A_58] : memref<327680xi32, #tpu.memory_space<hbm>> -> memref<128xi32, #tpu.memory_space<hbm>>
      %dma_wait3A_63 = tpu.memref_slice %arg4[%add3A_58] : memref<327680xi32, #tpu.memory_space<hbm>> -> memref<128xi32, #tpu.memory_space<hbm>>
      tpu.wait_dma2 semaphore(%arg14 : memref<!tpu.dma_semaphore, #tpu.memory_space<semaphore_mem>>) src(%dma_wait3A_63 : memref<128xi32, #tpu.memory_space<hbm>>) dst(%arg9 : memref<128xi32, #tpu.memory_space<vmem>>)
      %dma_start3A_64 = arith.constant 0 : i32
      %dma_start3A_65 = arith.constant 0 : i32
      %dma_start3A_66 = tpu.memref_slice %arg2[%dma_start3A_64, %dma_start3A_65] : memref<10240x128xf32, #tpu.memory_space<hbm>> -> memref<10240x128xf32, #tpu.memory_space<hbm>>
      tpu.enqueue_indirect_dma source(%dma_start3A_66 : memref<10240x128xf32, #tpu.memory_space<hbm>>) target(%arg11 : memref<128x128xf32, #tpu.memory_space<vmem>>) offsets(%arg7 : memref<128xi32, #tpu.memory_space<vmem>>) semaphore(%arg15 : memref<!tpu.dma_semaphore, #tpu.memory_space<semaphore_mem>>)
      %add3A_67 = arith.constant 128 : i32
      %add3A_68 = arith.addi %mul3A_10, %add3A_67 : i32
      %dma_start3A_69 = tpu.memref_slice %arg3[%add3A_68] : memref<327680xi32, #tpu.memory_space<hbm>> -> memref<128xi32, #tpu.memory_space<hbm>>
      %dma_start3A_70 = tpu.memref_slice %arg3[%add3A_68] : memref<327680xi32, #tpu.memory_space<hbm>> -> memref<128xi32, #tpu.memory_space<hbm>>
      tpu.enqueue_dma source(%dma_start3A_70 : memref<128xi32, #tpu.memory_space<hbm>>) target(%arg8 : memref<128xi32, #tpu.memory_space<vmem>>) target_semaphore(%arg14 : memref<!tpu.dma_semaphore, #tpu.memory_space<semaphore_mem>>)
      %add3A_71 = arith.constant 128 : i32
      %add3A_72 = arith.addi %mul3A_10, %add3A_71 : i32
      %dma_start3A_73 = tpu.memref_slice %arg4[%add3A_72] : memref<327680xi32, #tpu.memory_space<hbm>> -> memref<128xi32, #tpu.memory_space<hbm>>
      %dma_start3A_74 = tpu.memref_slice %arg4[%add3A_72] : memref<327680xi32, #tpu.memory_space<hbm>> -> memref<128xi32, #tpu.memory_space<hbm>>
      tpu.enqueue_dma source(%dma_start3A_74 : memref<128xi32, #tpu.memory_space<hbm>>) target(%arg10 : memref<128xi32, #tpu.memory_space<vmem>>) target_semaphore(%arg14 : memref<!tpu.dma_semaphore, #tpu.memory_space<semaphore_mem>>)
      %jit3A_75 = arith.constant 2 : i32
      %div3A = arith.divsi %select_n3A, %jit3A_75 : i32
      %sign3A = arith.constant 0 : i32
      %sign3A_76 = arith.cmpi sgt, %select_n3A, %sign3A : i32
      %sign3A_77 = arith.extui %sign3A_76 : i1 to i32
      %sign3A_78 = arith.constant 0 : i32
      %sign3A_79 = arith.cmpi slt, %select_n3A, %sign3A_78 : i32
      %sign3A_80 = arith.extui %sign3A_79 : i1 to i32
      %sign3A_81 = arith.subi %sign3A_77, %sign3A_80 : i32
      %sign3A_82 = arith.constant 0 : i32
      %sign3A_83 = arith.cmpi sgt, %jit3A_75, %sign3A_82 : i32
      %sign3A_84 = arith.extui %sign3A_83 : i1 to i32
      %sign3A_85 = arith.constant 0 : i32
      %sign3A_86 = arith.cmpi slt, %jit3A_75, %sign3A_85 : i32
      %sign3A_87 = arith.extui %sign3A_86 : i1 to i32
      %sign3A_88 = arith.subi %sign3A_84, %sign3A_87 : i32
      %ne3A = arith.cmpi ne, %sign3A_81, %sign3A_88 : i32
      %rem3A = arith.remsi %select_n3A, %jit3A_75 : i32
      %ne3A_89 = arith.constant 0 : i32
      %ne3A_90 = arith.cmpi ne, %rem3A, %ne3A_89 : i32
      %and3A = arith.andi %ne3A, %ne3A_90 : i1
      %sub3A = arith.constant 1 : i32
      %sub3A_91 = arith.subi %div3A, %sub3A : i32
      %select_n3A_92 = arith.select %and3A, %sub3A_91, %div3A : i32
      %sub3A_93 = arith.constant 1 : i32
      %sub3A_94 = arith.subi %select_n3A_92, %sub3A_93 : i32
      %while3A = arith.constant 0 : i32
      %while3A_95 = arith.constant 0 : i32
      %while3A_96 = arith.subi %sub3A_94, %while3A_95 : i32
      %while3A_97 = arith.addi %while3A_95, %while3A_96 : i32
      %while3A_98 = arith.constant 1 : i32
      %while3A_99 = arith.divsi %while3A_96, %while3A_98 : i32
      %while3A_100 = arith.muli %while3A_99, %while3A_98 : i32
      %while3A_101 = arith.addi %while3A_95, %while3A_100 : i32
      %while3A_102 = arith.constant 1 : i32
      scf.for %while3A_127 = %while3A_95 to %while3A_101 step %while3A_102  : i32 {
        %dma_wait3A_128 = arith.constant 0 : i32
        %dma_wait3A_129 = tpu.memref_slice %arg3[%dma_wait3A_128] : memref<327680xi32, #tpu.memory_space<hbm>> -> memref<128xi32, #tpu.memory_space<hbm>>
        %dma_wait3A_130 = arith.constant 0 : i32
        %dma_wait3A_131 = tpu.memref_slice %arg3[%dma_wait3A_130] : memref<327680xi32, #tpu.memory_space<hbm>> -> memref<128xi32, #tpu.memory_space<hbm>>
        tpu.wait_dma2 semaphore(%arg14 : memref<!tpu.dma_semaphore, #tpu.memory_space<semaphore_mem>>) src(%dma_wait3A_131 : memref<128xi32, #tpu.memory_space<hbm>>) dst(%arg8 : memref<128xi32, #tpu.memory_space<vmem>>)
        %dma_wait3A_132 = arith.constant 0 : i32
        %dma_wait3A_133 = tpu.memref_slice %arg4[%dma_wait3A_132] : memref<327680xi32, #tpu.memory_space<hbm>> -> memref<128xi32, #tpu.memory_space<hbm>>
        %dma_wait3A_134 = arith.constant 0 : i32
        %dma_wait3A_135 = tpu.memref_slice %arg4[%dma_wait3A_134] : memref<327680xi32, #tpu.memory_space<hbm>> -> memref<128xi32, #tpu.memory_space<hbm>>
        tpu.wait_dma2 semaphore(%arg14 : memref<!tpu.dma_semaphore, #tpu.memory_space<semaphore_mem>>) src(%dma_wait3A_135 : memref<128xi32, #tpu.memory_space<hbm>>) dst(%arg10 : memref<128xi32, #tpu.memory_space<vmem>>)
        %dma_start3A_136 = arith.constant 0 : i32
        %dma_start3A_137 = arith.constant 0 : i32
        %dma_start3A_138 = tpu.memref_slice %arg2[%dma_start3A_136, %dma_start3A_137] : memref<10240x128xf32, #tpu.memory_space<hbm>> -> memref<10240x128xf32, #tpu.memory_space<hbm>>
        tpu.enqueue_indirect_dma source(%dma_start3A_138 : memref<10240x128xf32, #tpu.memory_space<hbm>>) target(%arg12 : memref<128x128xf32, #tpu.memory_space<vmem>>) offsets(%arg8 : memref<128xi32, #tpu.memory_space<vmem>>) semaphore(%arg15 : memref<!tpu.dma_semaphore, #tpu.memory_space<semaphore_mem>>)
        %dma_wait3A_139 = arith.constant 0 : i32
        %dma_wait3A_140 = arith.constant 0 : i32
        %dma_wait3A_141 = tpu.memref_slice %arg2[%dma_wait3A_139, %dma_wait3A_140] : memref<10240x128xf32, #tpu.memory_space<hbm>> -> memref<128x128xf32, #tpu.memory_space<hbm>>
        %dma_wait3A_142 = arith.constant 0 : i32
        %dma_wait3A_143 = arith.constant 0 : i32
        %dma_wait3A_144 = tpu.memref_slice %arg2[%dma_wait3A_142, %dma_wait3A_143] : memref<10240x128xf32, #tpu.memory_space<hbm>> -> memref<128x128xf32, #tpu.memory_space<hbm>>
        tpu.wait_dma2 semaphore(%arg15 : memref<!tpu.dma_semaphore, #tpu.memory_space<semaphore_mem>>) src(%dma_wait3A_144 : memref<128x128xf32, #tpu.memory_space<hbm>>) dst(%arg11 : memref<128x128xf32, #tpu.memory_space<vmem>>)
        "tpu.region"() ({
          %run_scoped3A = tpu.sem_alloc : memref<!tpu.dma_semaphore, #tpu.memory_space<semaphore_mem>>
          %dma_start3A_190 = arith.constant 0 : i32
          %dma_start3A_191 = arith.constant 0 : i32
          %dma_start3A_192 = tpu.memref_slice %arg13[%dma_start3A_190, %dma_start3A_191] : memref<10240x128xf32, #tpu.memory_space<vmem_shared>> -> memref<10240x128xf32, #tpu.memory_space<vmem_shared>>
          tpu.enqueue_indirect_dma source(%arg11 : memref<128x128xf32, #tpu.memory_space<vmem>>) target(%dma_start3A_192 : memref<10240x128xf32, #tpu.memory_space<vmem_shared>>) offsets(%arg9 : memref<128xi32, #tpu.memory_space<vmem>>) semaphore(%run_scoped3A : memref<!tpu.dma_semaphore, #tpu.memory_space<semaphore_mem>>) {add = true}
          %dma_wait3A_193 = arith.constant 0 : i32
          %dma_wait3A_194 = arith.constant 0 : i32
          %dma_wait3A_195 = tpu.memref_slice %arg13[%dma_wait3A_193, %dma_wait3A_194] : memref<10240x128xf32, #tpu.memory_space<vmem_shared>> -> memref<10240x128xf32, #tpu.memory_space<vmem_shared>>
          tpu.wait_indirect_dma semaphore(%run_scoped3A : memref<!tpu.dma_semaphore, #tpu.memory_space<semaphore_mem>>) src(%arg11 : memref<128x128xf32, #tpu.memory_space<vmem>>) dst(%dma_wait3A_195 : memref<10240x128xf32, #tpu.memory_space<vmem_shared>>)
          tpu.yield
        }) : () -> ()
        %mul3A_145 = arith.constant 2 : i32
        %mul3A_146 = arith.muli %mul3A_145, %while3A_127 : i32
        %add3A_147 = arith.constant 2 : i32
        %add3A_148 = arith.addi %mul3A_146, %add3A_147 : i32
        %mul3A_149 = arith.constant 128 : i32
        %mul3A_150 = arith.muli %add3A_148, %mul3A_149 : i32
        %add3A_151 = arith.addi %mul3A_10, %mul3A_150 : i32
        %dma_start3A_152 = tpu.memref_slice %arg3[%add3A_151] : memref<327680xi32, #tpu.memory_space<hbm>> -> memref<128xi32, #tpu.memory_space<hbm>>
        %dma_start3A_153 = tpu.memref_slice %arg3[%add3A_151] : memref<327680xi32, #tpu.memory_space<hbm>> -> memref<128xi32, #tpu.memory_space<hbm>>
        tpu.enqueue_dma source(%dma_start3A_153 : memref<128xi32, #tpu.memory_space<hbm>>) target(%arg7 : memref<128xi32, #tpu.memory_space<vmem>>) target_semaphore(%arg14 : memref<!tpu.dma_semaphore, #tpu.memory_space<semaphore_mem>>)
        %mul3A_154 = arith.constant 128 : i32
        %mul3A_155 = arith.muli %add3A_148, %mul3A_154 : i32
        %add3A_156 = arith.addi %mul3A_10, %mul3A_155 : i32
        %dma_start3A_157 = tpu.memref_slice %arg4[%add3A_156] : memref<327680xi32, #tpu.memory_space<hbm>> -> memref<128xi32, #tpu.memory_space<hbm>>
        %dma_start3A_158 = tpu.memref_slice %arg4[%add3A_156] : memref<327680xi32, #tpu.memory_space<hbm>> -> memref<128xi32, #tpu.memory_space<hbm>>
        tpu.enqueue_dma source(%dma_start3A_158 : memref<128xi32, #tpu.memory_space<hbm>>) target(%arg9 : memref<128xi32, #tpu.memory_space<vmem>>) target_semaphore(%arg14 : memref<!tpu.dma_semaphore, #tpu.memory_space<semaphore_mem>>)
        %dma_wait3A_159 = arith.constant 0 : i32
        %dma_wait3A_160 = tpu.memref_slice %arg3[%dma_wait3A_159] : memref<327680xi32, #tpu.memory_space<hbm>> -> memref<128xi32, #tpu.memory_space<hbm>>
        %dma_wait3A_161 = arith.constant 0 : i32
        %dma_wait3A_162 = tpu.memref_slice %arg3[%dma_wait3A_161] : memref<327680xi32, #tpu.memory_space<hbm>> -> memref<128xi32, #tpu.memory_space<hbm>>
        tpu.wait_dma2 semaphore(%arg14 : memref<!tpu.dma_semaphore, #tpu.memory_space<semaphore_mem>>) src(%dma_wait3A_162 : memref<128xi32, #tpu.memory_space<hbm>>) dst(%arg7 : memref<128xi32, #tpu.memory_space<vmem>>)
        %dma_wait3A_163 = arith.constant 0 : i32
        %dma_wait3A_164 = tpu.memref_slice %arg4[%dma_wait3A_163] : memref<327680xi32, #tpu.memory_space<hbm>> -> memref<128xi32, #tpu.memory_space<hbm>>
        %dma_wait3A_165 = arith.constant 0 : i32
        %dma_wait3A_166 = tpu.memref_slice %arg4[%dma_wait3A_165] : memref<327680xi32, #tpu.memory_space<hbm>> -> memref<128xi32, #tpu.memory_space<hbm>>
        tpu.wait_dma2 semaphore(%arg14 : memref<!tpu.dma_semaphore, #tpu.memory_space<semaphore_mem>>) src(%dma_wait3A_166 : memref<128xi32, #tpu.memory_space<hbm>>) dst(%arg9 : memref<128xi32, #tpu.memory_space<vmem>>)
        %dma_start3A_167 = arith.constant 0 : i32
        %dma_start3A_168 = arith.constant 0 : i32
        %dma_start3A_169 = tpu.memref_slice %arg2[%dma_start3A_167, %dma_start3A_168] : memref<10240x128xf32, #tpu.memory_space<hbm>> -> memref<10240x128xf32, #tpu.memory_space<hbm>>
        tpu.enqueue_indirect_dma source(%dma_start3A_169 : memref<10240x128xf32, #tpu.memory_space<hbm>>) target(%arg11 : memref<128x128xf32, #tpu.memory_space<vmem>>) offsets(%arg7 : memref<128xi32, #tpu.memory_space<vmem>>) semaphore(%arg15 : memref<!tpu.dma_semaphore, #tpu.memory_space<semaphore_mem>>)
        %dma_wait3A_170 = arith.constant 0 : i32
        %dma_wait3A_171 = arith.constant 0 : i32
        %dma_wait3A_172 = tpu.memref_slice %arg2[%dma_wait3A_170, %dma_wait3A_171] : memref<10240x128xf32, #tpu.memory_space<hbm>> -> memref<128x128xf32, #tpu.memory_space<hbm>>
        %dma_wait3A_173 = arith.constant 0 : i32
        %dma_wait3A_174 = arith.constant 0 : i32
        %dma_wait3A_175 = tpu.memref_slice %arg2[%dma_wait3A_173, %dma_wait3A_174] : memref<10240x128xf32, #tpu.memory_space<hbm>> -> memref<128x128xf32, #tpu.memory_space<hbm>>
        tpu.wait_dma2 semaphore(%arg15 : memref<!tpu.dma_semaphore, #tpu.memory_space<semaphore_mem>>) src(%dma_wait3A_175 : memref<128x128xf32, #tpu.memory_space<hbm>>) dst(%arg12 : memref<128x128xf32, #tpu.memory_space<vmem>>)
        "tpu.region"() ({
          %run_scoped3A = tpu.sem_alloc : memref<!tpu.dma_semaphore, #tpu.memory_space<semaphore_mem>>
          %dma_start3A_190 = arith.constant 0 : i32
          %dma_start3A_191 = arith.constant 0 : i32
          %dma_start3A_192 = tpu.memref_slice %arg13[%dma_start3A_190, %dma_start3A_191] : memref<10240x128xf32, #tpu.memory_space<vmem_shared>> -> memref<10240x128xf32, #tpu.memory_space<vmem_shared>>
          tpu.enqueue_indirect_dma source(%arg12 : memref<128x128xf32, #tpu.memory_space<vmem>>) target(%dma_start3A_192 : memref<10240x128xf32, #tpu.memory_space<vmem_shared>>) offsets(%arg10 : memref<128xi32, #tpu.memory_space<vmem>>) semaphore(%run_scoped3A : memref<!tpu.dma_semaphore, #tpu.memory_space<semaphore_mem>>) {add = true}
          %dma_wait3A_193 = arith.constant 0 : i32
          %dma_wait3A_194 = arith.constant 0 : i32
          %dma_wait3A_195 = tpu.memref_slice %arg13[%dma_wait3A_193, %dma_wait3A_194] : memref<10240x128xf32, #tpu.memory_space<vmem_shared>> -> memref<10240x128xf32, #tpu.memory_space<vmem_shared>>
          tpu.wait_indirect_dma semaphore(%run_scoped3A : memref<!tpu.dma_semaphore, #tpu.memory_space<semaphore_mem>>) src(%arg12 : memref<128x128xf32, #tpu.memory_space<vmem>>) dst(%dma_wait3A_195 : memref<10240x128xf32, #tpu.memory_space<vmem_shared>>)
          tpu.yield
        }) : () -> ()
        %mul3A_176 = arith.constant 2 : i32
        %mul3A_177 = arith.muli %mul3A_176, %while3A_127 : i32
        %add3A_178 = arith.constant 3 : i32
        %add3A_179 = arith.addi %mul3A_177, %add3A_178 : i32
        %mul3A_180 = arith.constant 128 : i32
        %mul3A_181 = arith.muli %add3A_179, %mul3A_180 : i32
        %add3A_182 = arith.addi %mul3A_10, %mul3A_181 : i32
        %dma_start3A_183 = tpu.memref_slice %arg3[%add3A_182] : memref<327680xi32, #tpu.memory_space<hbm>> -> memref<128xi32, #tpu.memory_space<hbm>>
        %dma_start3A_184 = tpu.memref_slice %arg3[%add3A_182] : memref<327680xi32, #tpu.memory_space<hbm>> -> memref<128xi32, #tpu.memory_space<hbm>>
        tpu.enqueue_dma source(%dma_start3A_184 : memref<128xi32, #tpu.memory_space<hbm>>) target(%arg8 : memref<128xi32, #tpu.memory_space<vmem>>) target_semaphore(%arg14 : memref<!tpu.dma_semaphore, #tpu.memory_space<semaphore_mem>>)
        %mul3A_185 = arith.constant 128 : i32
        %mul3A_186 = arith.muli %add3A_179, %mul3A_185 : i32
        %add3A_187 = arith.addi %mul3A_10, %mul3A_186 : i32
        %dma_start3A_188 = tpu.memref_slice %arg4[%add3A_187] : memref<327680xi32, #tpu.memory_space<hbm>> -> memref<128xi32, #tpu.memory_space<hbm>>
        %dma_start3A_189 = tpu.memref_slice %arg4[%add3A_187] : memref<327680xi32, #tpu.memory_space<hbm>> -> memref<128xi32, #tpu.memory_space<hbm>>
        tpu.enqueue_dma source(%dma_start3A_189 : memref<128xi32, #tpu.memory_space<hbm>>) target(%arg10 : memref<128xi32, #tpu.memory_space<vmem>>) target_semaphore(%arg14 : memref<!tpu.dma_semaphore, #tpu.memory_space<semaphore_mem>>)
      }
      %while3A_103 = arith.constant 1 : i32
      scf.for %while3A_127 = %while3A_101 to %while3A_97 step %while3A_103  : i32 {
        %dma_wait3A_128 = arith.constant 0 : i32
        %dma_wait3A_129 = tpu.memref_slice %arg3[%dma_wait3A_128] : memref<327680xi32, #tpu.memory_space<hbm>> -> memref<128xi32, #tpu.memory_space<hbm>>
        %dma_wait3A_130 = arith.constant 0 : i32
        %dma_wait3A_131 = tpu.memref_slice %arg3[%dma_wait3A_130] : memref<327680xi32, #tpu.memory_space<hbm>> -> memref<128xi32, #tpu.memory_space<hbm>>
        tpu.wait_dma2 semaphore(%arg14 : memref<!tpu.dma_semaphore, #tpu.memory_space<semaphore_mem>>) src(%dma_wait3A_131 : memref<128xi32, #tpu.memory_space<hbm>>) dst(%arg8 : memref<128xi32, #tpu.memory_space<vmem>>)
        %dma_wait3A_132 = arith.constant 0 : i32
        %dma_wait3A_133 = tpu.memref_slice %arg4[%dma_wait3A_132] : memref<327680xi32, #tpu.memory_space<hbm>> -> memref<128xi32, #tpu.memory_space<hbm>>
        %dma_wait3A_134 = arith.constant 0 : i32
        %dma_wait3A_135 = tpu.memref_slice %arg4[%dma_wait3A_134] : memref<327680xi32, #tpu.memory_space<hbm>> -> memref<128xi32, #tpu.memory_space<hbm>>
        tpu.wait_dma2 semaphore(%arg14 : memref<!tpu.dma_semaphore, #tpu.memory_space<semaphore_mem>>) src(%dma_wait3A_135 : memref<128xi32, #tpu.memory_space<hbm>>) dst(%arg10 : memref<128xi32, #tpu.memory_space<vmem>>)
        %dma_start3A_136 = arith.constant 0 : i32
        %dma_start3A_137 = arith.constant 0 : i32
        %dma_start3A_138 = tpu.memref_slice %arg2[%dma_start3A_136, %dma_start3A_137] : memref<10240x128xf32, #tpu.memory_space<hbm>> -> memref<10240x128xf32, #tpu.memory_space<hbm>>
        tpu.enqueue_indirect_dma source(%dma_start3A_138 : memref<10240x128xf32, #tpu.memory_space<hbm>>) target(%arg12 : memref<128x128xf32, #tpu.memory_space<vmem>>) offsets(%arg8 : memref<128xi32, #tpu.memory_space<vmem>>) semaphore(%arg15 : memref<!tpu.dma_semaphore, #tpu.memory_space<semaphore_mem>>)
        %dma_wait3A_139 = arith.constant 0 : i32
        %dma_wait3A_140 = arith.constant 0 : i32
        %dma_wait3A_141 = tpu.memref_slice %arg2[%dma_wait3A_139, %dma_wait3A_140] : memref<10240x128xf32, #tpu.memory_space<hbm>> -> memref<128x128xf32, #tpu.memory_space<hbm>>
        %dma_wait3A_142 = arith.constant 0 : i32
        %dma_wait3A_143 = arith.constant 0 : i32
        %dma_wait3A_144 = tpu.memref_slice %arg2[%dma_wait3A_142, %dma_wait3A_143] : memref<10240x128xf32, #tpu.memory_space<hbm>> -> memref<128x128xf32, #tpu.memory_space<hbm>>
        tpu.wait_dma2 semaphore(%arg15 : memref<!tpu.dma_semaphore, #tpu.memory_space<semaphore_mem>>) src(%dma_wait3A_144 : memref<128x128xf32, #tpu.memory_space<hbm>>) dst(%arg11 : memref<128x128xf32, #tpu.memory_space<vmem>>)
        "tpu.region"() ({
          %run_scoped3A = tpu.sem_alloc : memref<!tpu.dma_semaphore, #tpu.memory_space<semaphore_mem>>
          %dma_start3A_190 = arith.constant 0 : i32
          %dma_start3A_191 = arith.constant 0 : i32
          %dma_start3A_192 = tpu.memref_slice %arg13[%dma_start3A_190, %dma_start3A_191] : memref<10240x128xf32, #tpu.memory_space<vmem_shared>> -> memref<10240x128xf32, #tpu.memory_space<vmem_shared>>
          tpu.enqueue_indirect_dma source(%arg11 : memref<128x128xf32, #tpu.memory_space<vmem>>) target(%dma_start3A_192 : memref<10240x128xf32, #tpu.memory_space<vmem_shared>>) offsets(%arg9 : memref<128xi32, #tpu.memory_space<vmem>>) semaphore(%run_scoped3A : memref<!tpu.dma_semaphore, #tpu.memory_space<semaphore_mem>>) {add = true}
          %dma_wait3A_193 = arith.constant 0 : i32
          %dma_wait3A_194 = arith.constant 0 : i32
          %dma_wait3A_195 = tpu.memref_slice %arg13[%dma_wait3A_193, %dma_wait3A_194] : memref<10240x128xf32, #tpu.memory_space<vmem_shared>> -> memref<10240x128xf32, #tpu.memory_space<vmem_shared>>
          tpu.wait_indirect_dma semaphore(%run_scoped3A : memref<!tpu.dma_semaphore, #tpu.memory_space<semaphore_mem>>) src(%arg11 : memref<128x128xf32, #tpu.memory_space<vmem>>) dst(%dma_wait3A_195 : memref<10240x128xf32, #tpu.memory_space<vmem_shared>>)
          tpu.yield
        }) : () -> ()
        %mul3A_145 = arith.constant 2 : i32
        %mul3A_146 = arith.muli %mul3A_145, %while3A_127 : i32
        %add3A_147 = arith.constant 2 : i32
        %add3A_148 = arith.addi %mul3A_146, %add3A_147 : i32
        %mul3A_149 = arith.constant 128 : i32
        %mul3A_150 = arith.muli %add3A_148, %mul3A_149 : i32
        %add3A_151 = arith.addi %mul3A_10, %mul3A_150 : i32
        %dma_start3A_152 = tpu.memref_slice %arg3[%add3A_151] : memref<327680xi32, #tpu.memory_space<hbm>> -> memref<128xi32, #tpu.memory_space<hbm>>
        %dma_start3A_153 = tpu.memref_slice %arg3[%add3A_151] : memref<327680xi32, #tpu.memory_space<hbm>> -> memref<128xi32, #tpu.memory_space<hbm>>
        tpu.enqueue_dma source(%dma_start3A_153 : memref<128xi32, #tpu.memory_space<hbm>>) target(%arg7 : memref<128xi32, #tpu.memory_space<vmem>>) target_semaphore(%arg14 : memref<!tpu.dma_semaphore, #tpu.memory_space<semaphore_mem>>)
        %mul3A_154 = arith.constant 128 : i32
        %mul3A_155 = arith.muli %add3A_148, %mul3A_154 : i32
        %add3A_156 = arith.addi %mul3A_10, %mul3A_155 : i32
        %dma_start3A_157 = tpu.memref_slice %arg4[%add3A_156] : memref<327680xi32, #tpu.memory_space<hbm>> -> memref<128xi32, #tpu.memory_space<hbm>>
        %dma_start3A_158 = tpu.memref_slice %arg4[%add3A_156] : memref<327680xi32, #tpu.memory_space<hbm>> -> memref<128xi32, #tpu.memory_space<hbm>>
        tpu.enqueue_dma source(%dma_start3A_158 : memref<128xi32, #tpu.memory_space<hbm>>) target(%arg9 : memref<128xi32, #tpu.memory_space<vmem>>) target_semaphore(%arg14 : memref<!tpu.dma_semaphore, #tpu.memory_space<semaphore_mem>>)
        %dma_wait3A_159 = arith.constant 0 : i32
        %dma_wait3A_160 = tpu.memref_slice %arg3[%dma_wait3A_159] : memref<327680xi32, #tpu.memory_space<hbm>> -> memref<128xi32, #tpu.memory_space<hbm>>
        %dma_wait3A_161 = arith.constant 0 : i32
        %dma_wait3A_162 = tpu.memref_slice %arg3[%dma_wait3A_161] : memref<327680xi32, #tpu.memory_space<hbm>> -> memref<128xi32, #tpu.memory_space<hbm>>
        tpu.wait_dma2 semaphore(%arg14 : memref<!tpu.dma_semaphore, #tpu.memory_space<semaphore_mem>>) src(%dma_wait3A_162 : memref<128xi32, #tpu.memory_space<hbm>>) dst(%arg7 : memref<128xi32, #tpu.memory_space<vmem>>)
        %dma_wait3A_163 = arith.constant 0 : i32
        %dma_wait3A_164 = tpu.memref_slice %arg4[%dma_wait3A_163] : memref<327680xi32, #tpu.memory_space<hbm>> -> memref<128xi32, #tpu.memory_space<hbm>>
        %dma_wait3A_165 = arith.constant 0 : i32
        %dma_wait3A_166 = tpu.memref_slice %arg4[%dma_wait3A_165] : memref<327680xi32, #tpu.memory_space<hbm>> -> memref<128xi32, #tpu.memory_space<hbm>>
        tpu.wait_dma2 semaphore(%arg14 : memref<!tpu.dma_semaphore, #tpu.memory_space<semaphore_mem>>) src(%dma_wait3A_166 : memref<128xi32, #tpu.memory_space<hbm>>) dst(%arg9 : memref<128xi32, #tpu.memory_space<vmem>>)
        %dma_start3A_167 = arith.constant 0 : i32
        %dma_start3A_168 = arith.constant 0 : i32
        %dma_start3A_169 = tpu.memref_slice %arg2[%dma_start3A_167, %dma_start3A_168] : memref<10240x128xf32, #tpu.memory_space<hbm>> -> memref<10240x128xf32, #tpu.memory_space<hbm>>
        tpu.enqueue_indirect_dma source(%dma_start3A_169 : memref<10240x128xf32, #tpu.memory_space<hbm>>) target(%arg11 : memref<128x128xf32, #tpu.memory_space<vmem>>) offsets(%arg7 : memref<128xi32, #tpu.memory_space<vmem>>) semaphore(%arg15 : memref<!tpu.dma_semaphore, #tpu.memory_space<semaphore_mem>>)
        %dma_wait3A_170 = arith.constant 0 : i32
        %dma_wait3A_171 = arith.constant 0 : i32
        %dma_wait3A_172 = tpu.memref_slice %arg2[%dma_wait3A_170, %dma_wait3A_171] : memref<10240x128xf32, #tpu.memory_space<hbm>> -> memref<128x128xf32, #tpu.memory_space<hbm>>
        %dma_wait3A_173 = arith.constant 0 : i32
        %dma_wait3A_174 = arith.constant 0 : i32
        %dma_wait3A_175 = tpu.memref_slice %arg2[%dma_wait3A_173, %dma_wait3A_174] : memref<10240x128xf32, #tpu.memory_space<hbm>> -> memref<128x128xf32, #tpu.memory_space<hbm>>
        tpu.wait_dma2 semaphore(%arg15 : memref<!tpu.dma_semaphore, #tpu.memory_space<semaphore_mem>>) src(%dma_wait3A_175 : memref<128x128xf32, #tpu.memory_space<hbm>>) dst(%arg12 : memref<128x128xf32, #tpu.memory_space<vmem>>)
        "tpu.region"() ({
          %run_scoped3A = tpu.sem_alloc : memref<!tpu.dma_semaphore, #tpu.memory_space<semaphore_mem>>
          %dma_start3A_190 = arith.constant 0 : i32
          %dma_start3A_191 = arith.constant 0 : i32
          %dma_start3A_192 = tpu.memref_slice %arg13[%dma_start3A_190, %dma_start3A_191] : memref<10240x128xf32, #tpu.memory_space<vmem_shared>> -> memref<10240x128xf32, #tpu.memory_space<vmem_shared>>
          tpu.enqueue_indirect_dma source(%arg12 : memref<128x128xf32, #tpu.memory_space<vmem>>) target(%dma_start3A_192 : memref<10240x128xf32, #tpu.memory_space<vmem_shared>>) offsets(%arg10 : memref<128xi32, #tpu.memory_space<vmem>>) semaphore(%run_scoped3A : memref<!tpu.dma_semaphore, #tpu.memory_space<semaphore_mem>>) {add = true}
          %dma_wait3A_193 = arith.constant 0 : i32
          %dma_wait3A_194 = arith.constant 0 : i32
          %dma_wait3A_195 = tpu.memref_slice %arg13[%dma_wait3A_193, %dma_wait3A_194] : memref<10240x128xf32, #tpu.memory_space<vmem_shared>> -> memref<10240x128xf32, #tpu.memory_space<vmem_shared>>
          tpu.wait_indirect_dma semaphore(%run_scoped3A : memref<!tpu.dma_semaphore, #tpu.memory_space<semaphore_mem>>) src(%arg12 : memref<128x128xf32, #tpu.memory_space<vmem>>) dst(%dma_wait3A_195 : memref<10240x128xf32, #tpu.memory_space<vmem_shared>>)
          tpu.yield
        }) : () -> ()
        %mul3A_176 = arith.constant 2 : i32
        %mul3A_177 = arith.muli %mul3A_176, %while3A_127 : i32
        %add3A_178 = arith.constant 3 : i32
        %add3A_179 = arith.addi %mul3A_177, %add3A_178 : i32
        %mul3A_180 = arith.constant 128 : i32
        %mul3A_181 = arith.muli %add3A_179, %mul3A_180 : i32
        %add3A_182 = arith.addi %mul3A_10, %mul3A_181 : i32
        %dma_start3A_183 = tpu.memref_slice %arg3[%add3A_182] : memref<327680xi32, #tpu.memory_space<hbm>> -> memref<128xi32, #tpu.memory_space<hbm>>
        %dma_start3A_184 = tpu.memref_slice %arg3[%add3A_182] : memref<327680xi32, #tpu.memory_space<hbm>> -> memref<128xi32, #tpu.memory_space<hbm>>
        tpu.enqueue_dma source(%dma_start3A_184 : memref<128xi32, #tpu.memory_space<hbm>>) target(%arg8 : memref<128xi32, #tpu.memory_space<vmem>>) target_semaphore(%arg14 : memref<!tpu.dma_semaphore, #tpu.memory_space<semaphore_mem>>)
        %mul3A_185 = arith.constant 128 : i32
        %mul3A_186 = arith.muli %add3A_179, %mul3A_185 : i32
        %add3A_187 = arith.addi %mul3A_10, %mul3A_186 : i32
        %dma_start3A_188 = tpu.memref_slice %arg4[%add3A_187] : memref<327680xi32, #tpu.memory_space<hbm>> -> memref<128xi32, #tpu.memory_space<hbm>>
        %dma_start3A_189 = tpu.memref_slice %arg4[%add3A_187] : memref<327680xi32, #tpu.memory_space<hbm>> -> memref<128xi32, #tpu.memory_space<hbm>>
        tpu.enqueue_dma source(%dma_start3A_189 : memref<128xi32, #tpu.memory_space<hbm>>) target(%arg10 : memref<128xi32, #tpu.memory_space<vmem>>) target_semaphore(%arg14 : memref<!tpu.dma_semaphore, #tpu.memory_space<semaphore_mem>>)
      }
      %dma_wait3A_104 = arith.constant 0 : i32
      %dma_wait3A_105 = tpu.memref_slice %arg3[%dma_wait3A_104] : memref<327680xi32, #tpu.memory_space<hbm>> -> memref<128xi32, #tpu.memory_space<hbm>>
      %dma_wait3A_106 = arith.constant 0 : i32
      %dma_wait3A_107 = tpu.memref_slice %arg3[%dma_wait3A_106] : memref<327680xi32, #tpu.memory_space<hbm>> -> memref<128xi32, #tpu.memory_space<hbm>>
      tpu.wait_dma2 semaphore(%arg14 : memref<!tpu.dma_semaphore, #tpu.memory_space<semaphore_mem>>) src(%dma_wait3A_107 : memref<128xi32, #tpu.memory_space<hbm>>) dst(%arg8 : memref<128xi32, #tpu.memory_space<vmem>>)
      %dma_wait3A_108 = arith.constant 0 : i32
      %dma_wait3A_109 = tpu.memref_slice %arg4[%dma_wait3A_108] : memref<327680xi32, #tpu.memory_space<hbm>> -> memref<128xi32, #tpu.memory_space<hbm>>
      %dma_wait3A_110 = arith.constant 0 : i32
      %dma_wait3A_111 = tpu.memref_slice %arg4[%dma_wait3A_110] : memref<327680xi32, #tpu.memory_space<hbm>> -> memref<128xi32, #tpu.memory_space<hbm>>
      tpu.wait_dma2 semaphore(%arg14 : memref<!tpu.dma_semaphore, #tpu.memory_space<semaphore_mem>>) src(%dma_wait3A_111 : memref<128xi32, #tpu.memory_space<hbm>>) dst(%arg10 : memref<128xi32, #tpu.memory_space<vmem>>)
      %dma_start3A_112 = arith.constant 0 : i32
      %dma_start3A_113 = arith.constant 0 : i32
      %dma_start3A_114 = tpu.memref_slice %arg2[%dma_start3A_112, %dma_start3A_113] : memref<10240x128xf32, #tpu.memory_space<hbm>> -> memref<10240x128xf32, #tpu.memory_space<hbm>>
      tpu.enqueue_indirect_dma source(%dma_start3A_114 : memref<10240x128xf32, #tpu.memory_space<hbm>>) target(%arg12 : memref<128x128xf32, #tpu.memory_space<vmem>>) offsets(%arg8 : memref<128xi32, #tpu.memory_space<vmem>>) semaphore(%arg15 : memref<!tpu.dma_semaphore, #tpu.memory_space<semaphore_mem>>)
      %dma_wait3A_115 = arith.constant 0 : i32
      %dma_wait3A_116 = arith.constant 0 : i32
      %dma_wait3A_117 = tpu.memref_slice %arg2[%dma_wait3A_115, %dma_wait3A_116] : memref<10240x128xf32, #tpu.memory_space<hbm>> -> memref<128x128xf32, #tpu.memory_space<hbm>>
      %dma_wait3A_118 = arith.constant 0 : i32
      %dma_wait3A_119 = arith.constant 0 : i32
      %dma_wait3A_120 = tpu.memref_slice %arg2[%dma_wait3A_118, %dma_wait3A_119] : memref<10240x128xf32, #tpu.memory_space<hbm>> -> memref<128x128xf32, #tpu.memory_space<hbm>>
      tpu.wait_dma2 semaphore(%arg15 : memref<!tpu.dma_semaphore, #tpu.memory_space<semaphore_mem>>) src(%dma_wait3A_120 : memref<128x128xf32, #tpu.memory_space<hbm>>) dst(%arg11 : memref<128x128xf32, #tpu.memory_space<vmem>>)
      "tpu.region"() ({
        %run_scoped3A = tpu.sem_alloc : memref<!tpu.dma_semaphore, #tpu.memory_space<semaphore_mem>>
        %dma_start3A_127 = arith.constant 0 : i32
        %dma_start3A_128 = arith.constant 0 : i32
        %dma_start3A_129 = tpu.memref_slice %arg13[%dma_start3A_127, %dma_start3A_128] : memref<10240x128xf32, #tpu.memory_space<vmem_shared>> -> memref<10240x128xf32, #tpu.memory_space<vmem_shared>>
        tpu.enqueue_indirect_dma source(%arg11 : memref<128x128xf32, #tpu.memory_space<vmem>>) target(%dma_start3A_129 : memref<10240x128xf32, #tpu.memory_space<vmem_shared>>) offsets(%arg9 : memref<128xi32, #tpu.memory_space<vmem>>) semaphore(%run_scoped3A : memref<!tpu.dma_semaphore, #tpu.memory_space<semaphore_mem>>) {add = true}
        %dma_wait3A_130 = arith.constant 0 : i32
        %dma_wait3A_131 = arith.constant 0 : i32
        %dma_wait3A_132 = tpu.memref_slice %arg13[%dma_wait3A_130, %dma_wait3A_131] : memref<10240x128xf32, #tpu.memory_space<vmem_shared>> -> memref<10240x128xf32, #tpu.memory_space<vmem_shared>>
        tpu.wait_indirect_dma semaphore(%run_scoped3A : memref<!tpu.dma_semaphore, #tpu.memory_space<semaphore_mem>>) src(%arg11 : memref<128x128xf32, #tpu.memory_space<vmem>>) dst(%dma_wait3A_132 : memref<10240x128xf32, #tpu.memory_space<vmem_shared>>)
        tpu.yield
      }) : () -> ()
      %dma_wait3A_121 = arith.constant 0 : i32
      %dma_wait3A_122 = arith.constant 0 : i32
      %dma_wait3A_123 = tpu.memref_slice %arg2[%dma_wait3A_121, %dma_wait3A_122] : memref<10240x128xf32, #tpu.memory_space<hbm>> -> memref<128x128xf32, #tpu.memory_space<hbm>>
      %dma_wait3A_124 = arith.constant 0 : i32
      %dma_wait3A_125 = arith.constant 0 : i32
      %dma_wait3A_126 = tpu.memref_slice %arg2[%dma_wait3A_124, %dma_wait3A_125] : memref<10240x128xf32, #tpu.memory_space<hbm>> -> memref<128x128xf32, #tpu.memory_space<hbm>>
      tpu.wait_dma2 semaphore(%arg15 : memref<!tpu.dma_semaphore, #tpu.memory_space<semaphore_mem>>) src(%dma_wait3A_126 : memref<128x128xf32, #tpu.memory_space<hbm>>) dst(%arg12 : memref<128x128xf32, #tpu.memory_space<vmem>>)
      "tpu.region"() ({
        %run_scoped3A = tpu.sem_alloc : memref<!tpu.dma_semaphore, #tpu.memory_space<semaphore_mem>>
        %dma_start3A_127 = arith.constant 0 : i32
        %dma_start3A_128 = arith.constant 0 : i32
        %dma_start3A_129 = tpu.memref_slice %arg13[%dma_start3A_127, %dma_start3A_128] : memref<10240x128xf32, #tpu.memory_space<vmem_shared>> -> memref<10240x128xf32, #tpu.memory_space<vmem_shared>>
        tpu.enqueue_indirect_dma source(%arg12 : memref<128x128xf32, #tpu.memory_space<vmem>>) target(%dma_start3A_129 : memref<10240x128xf32, #tpu.memory_space<vmem_shared>>) offsets(%arg10 : memref<128xi32, #tpu.memory_space<vmem>>) semaphore(%run_scoped3A : memref<!tpu.dma_semaphore, #tpu.memory_space<semaphore_mem>>) {add = true}
        %dma_wait3A_130 = arith.constant 0 : i32
        %dma_wait3A_131 = arith.constant 0 : i32
        %dma_wait3A_132 = tpu.memref_slice %arg13[%dma_wait3A_130, %dma_wait3A_131] : memref<10240x128xf32, #tpu.memory_space<vmem_shared>> -> memref<10240x128xf32, #tpu.memory_space<vmem_shared>>
        tpu.wait_indirect_dma semaphore(%run_scoped3A : memref<!tpu.dma_semaphore, #tpu.memory_space<semaphore_mem>>) src(%arg12 : memref<128x128xf32, #tpu.memory_space<vmem>>) dst(%dma_wait3A_132 : memref<10240x128xf32, #tpu.memory_space<vmem_shared>>)
        tpu.yield
      }) : () -> ()
    } else {
    }
    %barrier3A_33 = arith.constant 0 : index
    tpu.barrier barrier_id(%barrier3A_33)
    %mul3A_34 = arith.constant 640 : i32
    %mul3A_35 = arith.muli %arg1, %mul3A_34 : i32
    %add3A_36 = arith.constant 0 : i32
    %add3A_37 = arith.addi %mul3A_35, %add3A_36 : i32
    "tpu.region"() ({
      %run_scoped3A = tpu.sem_alloc : memref<!tpu.dma_semaphore, #tpu.memory_space<semaphore_mem>>
      %dma_start3A = arith.constant 0 : i32
      %dma_start3A_54 = tpu.memref_slice %arg13[%add3A_37, %dma_start3A] : memref<10240x128xf32, #tpu.memory_space<vmem_shared>> -> memref<128x128xf32, #tpu.memory_space<vmem_shared>>
      %dma_start3A_55 = arith.constant 0 : i32
      %dma_start3A_56 = tpu.memref_slice %arg13[%add3A_37, %dma_start3A_55] : memref<10240x128xf32, #tpu.memory_space<vmem_shared>> -> memref<128x128xf32, #tpu.memory_space<vmem_shared>>
      tpu.enqueue_dma source(%dma_start3A_56 : memref<128x128xf32, #tpu.memory_space<vmem_shared>>) target(%arg11 : memref<128x128xf32, #tpu.memory_space<vmem>>) target_semaphore(%run_scoped3A : memref<!tpu.dma_semaphore, #tpu.memory_space<semaphore_mem>>)
      %dma_wait3A = arith.constant 0 : i32
      %dma_wait3A_57 = tpu.memref_slice %arg13[%add3A_37, %dma_wait3A] : memref<10240x128xf32, #tpu.memory_space<vmem_shared>> -> memref<128x128xf32, #tpu.memory_space<vmem_shared>>
      %dma_wait3A_58 = arith.constant 0 : i32
      %dma_wait3A_59 = tpu.memref_slice %arg13[%add3A_37, %dma_wait3A_58] : memref<10240x128xf32, #tpu.memory_space<vmem_shared>> -> memref<128x128xf32, #tpu.memory_space<vmem_shared>>
      tpu.wait_dma2 semaphore(%run_scoped3A : memref<!tpu.dma_semaphore, #tpu.memory_space<semaphore_mem>>) src(%dma_wait3A_59 : memref<128x128xf32, #tpu.memory_space<vmem_shared>>) dst(%arg11 : memref<128x128xf32, #tpu.memory_space<vmem>>)
      tpu.yield
    }) : () -> ()
    "tpu.region"() ({
      %run_scoped3A = tpu.sem_alloc : memref<!tpu.dma_semaphore, #tpu.memory_space<semaphore_mem>>
      %dma_start3A = arith.constant 0 : i32
      %dma_start3A_54 = tpu.memref_slice %arg6[%arg0, %add3A_37, %dma_start3A] : memref<2x10240x128xf32, #tpu.memory_space<hbm>> -> memref<1x128x128xf32, #tpu.memory_space<hbm>>
      %dma_start3A_55 = tpu.memref_squeeze %dma_start3A_54 : memref<1x128x128xf32, #tpu.memory_space<hbm>> -> memref<128x128xf32, #tpu.memory_space<hbm>>
      %dma_start3A_56 = arith.constant 0 : i32
      %dma_start3A_57 = tpu.memref_slice %arg6[%arg0, %add3A_37, %dma_start3A_56] : memref<2x10240x128xf32, #tpu.memory_space<hbm>> -> memref<1x128x128xf32, #tpu.memory_space<hbm>>
      %dma_start3A_58 = tpu.memref_squeeze %dma_start3A_57 : memref<1x128x128xf32, #tpu.memory_space<hbm>> -> memref<128x128xf32, #tpu.memory_space<hbm>>
      tpu.enqueue_dma source(%arg11 : memref<128x128xf32, #tpu.memory_space<vmem>>) target(%dma_start3A_58 : memref<128x128xf32, #tpu.memory_space<hbm>>) target_semaphore(%run_scoped3A : memref<!tpu.dma_semaphore, #tpu.memory_space<semaphore_mem>>)
      %dma_wait3A = arith.constant 0 : i32
      %dma_wait3A_59 = tpu.memref_slice %arg6[%arg0, %add3A_37, %dma_wait3A] : memref<2x10240x128xf32, #tpu.memory_space<hbm>> -> memref<1x128x128xf32, #tpu.memory_space<hbm>>
      %dma_wait3A_60 = tpu.memref_squeeze %dma_wait3A_59 : memref<1x128x128xf32, #tpu.memory_space<hbm>> -> memref<128x128xf32, #tpu.memory_space<hbm>>
      %dma_wait3A_61 = arith.constant 0 : i32
      %dma_wait3A_62 = tpu.memref_slice %arg6[%arg0, %add3A_37, %dma_wait3A_61] : memref<2x10240x128xf32, #tpu.memory_space<hbm>> -> memref<1x128x128xf32, #tpu.memory_space<hbm>>
      %dma_wait3A_63 = tpu.memref_squeeze %dma_wait3A_62 : memref<1x128x128xf32, #tpu.memory_space<hbm>> -> memref<128x128xf32, #tpu.memory_space<hbm>>
      tpu.wait_dma2 semaphore(%run_scoped3A : memref<!tpu.dma_semaphore, #tpu.memory_space<semaphore_mem>>) src(%arg11 : memref<128x128xf32, #tpu.memory_space<vmem>>) dst(%dma_wait3A_63 : memref<128x128xf32, #tpu.memory_space<hbm>>)
      tpu.yield
    }) : () -> ()
    %mul3A_38 = arith.constant 640 : i32
    %mul3A_39 = arith.muli %arg1, %mul3A_38 : i32
    %add3A_40 = arith.constant 128 : i32
    %add3A_41 = arith.addi %mul3A_39, %add3A_40 : i32
    "tpu.region"() ({
      %run_scoped3A = tpu.sem_alloc : memref<!tpu.dma_semaphore, #tpu.memory_space<semaphore_mem>>
      %dma_start3A = arith.constant 0 : i32
      %dma_start3A_54 = tpu.memref_slice %arg13[%add3A_41, %dma_start3A] : memref<10240x128xf32, #tpu.memory_space<vmem_shared>> -> memref<128x128xf32, #tpu.memory_space<vmem_shared>>
      %dma_start3A_55 = arith.constant 0 : i32
      %dma_start3A_56 = tpu.memref_slice %arg13[%add3A_41, %dma_start3A_55] : memref<10240x128xf32, #tpu.memory_space<vmem_shared>> -> memref<128x128xf32, #tpu.memory_space<vmem_shared>>
      tpu.enqueue_dma source(%dma_start3A_56 : memref<128x128xf32, #tpu.memory_space<vmem_shared>>) target(%arg11 : memref<128x128xf32, #tpu.memory_space<vmem>>) target_semaphore(%run_scoped3A : memref<!tpu.dma_semaphore, #tpu.memory_space<semaphore_mem>>)
      %dma_wait3A = arith.constant 0 : i32
      %dma_wait3A_57 = tpu.memref_slice %arg13[%add3A_41, %dma_wait3A] : memref<10240x128xf32, #tpu.memory_space<vmem_shared>> -> memref<128x128xf32, #tpu.memory_space<vmem_shared>>
      %dma_wait3A_58 = arith.constant 0 : i32
      %dma_wait3A_59 = tpu.memref_slice %arg13[%add3A_41, %dma_wait3A_58] : memref<10240x128xf32, #tpu.memory_space<vmem_shared>> -> memref<128x128xf32, #tpu.memory_space<vmem_shared>>
      tpu.wait_dma2 semaphore(%run_scoped3A : memref<!tpu.dma_semaphore, #tpu.memory_space<semaphore_mem>>) src(%dma_wait3A_59 : memref<128x128xf32, #tpu.memory_space<vmem_shared>>) dst(%arg11 : memref<128x128xf32, #tpu.memory_space<vmem>>)
      tpu.yield
    }) : () -> ()
    "tpu.region"() ({
      %run_scoped3A = tpu.sem_alloc : memref<!tpu.dma_semaphore, #tpu.memory_space<semaphore_mem>>
      %dma_start3A = arith.constant 0 : i32
      %dma_start3A_54 = tpu.memref_slice %arg6[%arg0, %add3A_41, %dma_start3A] : memref<2x10240x128xf32, #tpu.memory_space<hbm>> -> memref<1x128x128xf32, #tpu.memory_space<hbm>>
      %dma_start3A_55 = tpu.memref_squeeze %dma_start3A_54 : memref<1x128x128xf32, #tpu.memory_space<hbm>> -> memref<128x128xf32, #tpu.memory_space<hbm>>
      %dma_start3A_56 = arith.constant 0 : i32
      %dma_start3A_57 = tpu.memref_slice %arg6[%arg0, %add3A_41, %dma_start3A_56] : memref<2x10240x128xf32, #tpu.memory_space<hbm>> -> memref<1x128x128xf32, #tpu.memory_space<hbm>>
      %dma_start3A_58 = tpu.memref_squeeze %dma_start3A_57 : memref<1x128x128xf32, #tpu.memory_space<hbm>> -> memref<128x128xf32, #tpu.memory_space<hbm>>
      tpu.enqueue_dma source(%arg11 : memref<128x128xf32, #tpu.memory_space<vmem>>) target(%dma_start3A_58 : memref<128x128xf32, #tpu.memory_space<hbm>>) target_semaphore(%run_scoped3A : memref<!tpu.dma_semaphore, #tpu.memory_space<semaphore_mem>>)
      %dma_wait3A = arith.constant 0 : i32
      %dma_wait3A_59 = tpu.memref_slice %arg6[%arg0, %add3A_41, %dma_wait3A] : memref<2x10240x128xf32, #tpu.memory_space<hbm>> -> memref<1x128x128xf32, #tpu.memory_space<hbm>>
      %dma_wait3A_60 = tpu.memref_squeeze %dma_wait3A_59 : memref<1x128x128xf32, #tpu.memory_space<hbm>> -> memref<128x128xf32, #tpu.memory_space<hbm>>
      %dma_wait3A_61 = arith.constant 0 : i32
      %dma_wait3A_62 = tpu.memref_slice %arg6[%arg0, %add3A_41, %dma_wait3A_61] : memref<2x10240x128xf32, #tpu.memory_space<hbm>> -> memref<1x128x128xf32, #tpu.memory_space<hbm>>
      %dma_wait3A_63 = tpu.memref_squeeze %dma_wait3A_62 : memref<1x128x128xf32, #tpu.memory_space<hbm>> -> memref<128x128xf32, #tpu.memory_space<hbm>>
      tpu.wait_dma2 semaphore(%run_scoped3A : memref<!tpu.dma_semaphore, #tpu.memory_space<semaphore_mem>>) src(%arg11 : memref<128x128xf32, #tpu.memory_space<vmem>>) dst(%dma_wait3A_63 : memref<128x128xf32, #tpu.memory_space<hbm>>)
      tpu.yield
    }) : () -> ()
    %mul3A_42 = arith.constant 640 : i32
    %mul3A_43 = arith.muli %arg1, %mul3A_42 : i32
    %add3A_44 = arith.constant 256 : i32
    %add3A_45 = arith.addi %mul3A_43, %add3A_44 : i32
    "tpu.region"() ({
      %run_scoped3A = tpu.sem_alloc : memref<!tpu.dma_semaphore, #tpu.memory_space<semaphore_mem>>
      %dma_start3A = arith.constant 0 : i32
      %dma_start3A_54 = tpu.memref_slice %arg13[%add3A_45, %dma_start3A] : memref<10240x128xf32, #tpu.memory_space<vmem_shared>> -> memref<128x128xf32, #tpu.memory_space<vmem_shared>>
      %dma_start3A_55 = arith.constant 0 : i32
      %dma_start3A_56 = tpu.memref_slice %arg13[%add3A_45, %dma_start3A_55] : memref<10240x128xf32, #tpu.memory_space<vmem_shared>> -> memref<128x128xf32, #tpu.memory_space<vmem_shared>>
      tpu.enqueue_dma source(%dma_start3A_56 : memref<128x128xf32, #tpu.memory_space<vmem_shared>>) target(%arg11 : memref<128x128xf32, #tpu.memory_space<vmem>>) target_semaphore(%run_scoped3A : memref<!tpu.dma_semaphore, #tpu.memory_space<semaphore_mem>>)
      %dma_wait3A = arith.constant 0 : i32
      %dma_wait3A_57 = tpu.memref_slice %arg13[%add3A_45, %dma_wait3A] : memref<10240x128xf32, #tpu.memory_space<vmem_shared>> -> memref<128x128xf32, #tpu.memory_space<vmem_shared>>
      %dma_wait3A_58 = arith.constant 0 : i32
      %dma_wait3A_59 = tpu.memref_slice %arg13[%add3A_45, %dma_wait3A_58] : memref<10240x128xf32, #tpu.memory_space<vmem_shared>> -> memref<128x128xf32, #tpu.memory_space<vmem_shared>>
      tpu.wait_dma2 semaphore(%run_scoped3A : memref<!tpu.dma_semaphore, #tpu.memory_space<semaphore_mem>>) src(%dma_wait3A_59 : memref<128x128xf32, #tpu.memory_space<vmem_shared>>) dst(%arg11 : memref<128x128xf32, #tpu.memory_space<vmem>>)
      tpu.yield
    }) : () -> ()
    "tpu.region"() ({
      %run_scoped3A = tpu.sem_alloc : memref<!tpu.dma_semaphore, #tpu.memory_space<semaphore_mem>>
      %dma_start3A = arith.constant 0 : i32
      %dma_start3A_54 = tpu.memref_slice %arg6[%arg0, %add3A_45, %dma_start3A] : memref<2x10240x128xf32, #tpu.memory_space<hbm>> -> memref<1x128x128xf32, #tpu.memory_space<hbm>>
      %dma_start3A_55 = tpu.memref_squeeze %dma_start3A_54 : memref<1x128x128xf32, #tpu.memory_space<hbm>> -> memref<128x128xf32, #tpu.memory_space<hbm>>
      %dma_start3A_56 = arith.constant 0 : i32
      %dma_start3A_57 = tpu.memref_slice %arg6[%arg0, %add3A_45, %dma_start3A_56] : memref<2x10240x128xf32, #tpu.memory_space<hbm>> -> memref<1x128x128xf32, #tpu.memory_space<hbm>>
      %dma_start3A_58 = tpu.memref_squeeze %dma_start3A_57 : memref<1x128x128xf32, #tpu.memory_space<hbm>> -> memref<128x128xf32, #tpu.memory_space<hbm>>
      tpu.enqueue_dma source(%arg11 : memref<128x128xf32, #tpu.memory_space<vmem>>) target(%dma_start3A_58 : memref<128x128xf32, #tpu.memory_space<hbm>>) target_semaphore(%run_scoped3A : memref<!tpu.dma_semaphore, #tpu.memory_space<semaphore_mem>>)
      %dma_wait3A = arith.constant 0 : i32
      %dma_wait3A_59 = tpu.memref_slice %arg6[%arg0, %add3A_45, %dma_wait3A] : memref<2x10240x128xf32, #tpu.memory_space<hbm>> -> memref<1x128x128xf32, #tpu.memory_space<hbm>>
      %dma_wait3A_60 = tpu.memref_squeeze %dma_wait3A_59 : memref<1x128x128xf32, #tpu.memory_space<hbm>> -> memref<128x128xf32, #tpu.memory_space<hbm>>
      %dma_wait3A_61 = arith.constant 0 : i32
      %dma_wait3A_62 = tpu.memref_slice %arg6[%arg0, %add3A_45, %dma_wait3A_61] : memref<2x10240x128xf32, #tpu.memory_space<hbm>> -> memref<1x128x128xf32, #tpu.memory_space<hbm>>
      %dma_wait3A_63 = tpu.memref_squeeze %dma_wait3A_62 : memref<1x128x128xf32, #tpu.memory_space<hbm>> -> memref<128x128xf32, #tpu.memory_space<hbm>>
      tpu.wait_dma2 semaphore(%run_scoped3A : memref<!tpu.dma_semaphore, #tpu.memory_space<semaphore_mem>>) src(%arg11 : memref<128x128xf32, #tpu.memory_space<vmem>>) dst(%dma_wait3A_63 : memref<128x128xf32, #tpu.memory_space<hbm>>)
      tpu.yield
    }) : () -> ()
    %mul3A_46 = arith.constant 640 : i32
    %mul3A_47 = arith.muli %arg1, %mul3A_46 : i32
    %add3A_48 = arith.constant 384 : i32
    %add3A_49 = arith.addi %mul3A_47, %add3A_48 : i32
    "tpu.region"() ({
      %run_scoped3A = tpu.sem_alloc : memref<!tpu.dma_semaphore, #tpu.memory_space<semaphore_mem>>
      %dma_start3A = arith.constant 0 : i32
      %dma_start3A_54 = tpu.memref_slice %arg13[%add3A_49, %dma_start3A] : memref<10240x128xf32, #tpu.memory_space<vmem_shared>> -> memref<128x128xf32, #tpu.memory_space<vmem_shared>>
      %dma_start3A_55 = arith.constant 0 : i32
      %dma_start3A_56 = tpu.memref_slice %arg13[%add3A_49, %dma_start3A_55] : memref<10240x128xf32, #tpu.memory_space<vmem_shared>> -> memref<128x128xf32, #tpu.memory_space<vmem_shared>>
      tpu.enqueue_dma source(%dma_start3A_56 : memref<128x128xf32, #tpu.memory_space<vmem_shared>>) target(%arg11 : memref<128x128xf32, #tpu.memory_space<vmem>>) target_semaphore(%run_scoped3A : memref<!tpu.dma_semaphore, #tpu.memory_space<semaphore_mem>>)
      %dma_wait3A = arith.constant 0 : i32
      %dma_wait3A_57 = tpu.memref_slice %arg13[%add3A_49, %dma_wait3A] : memref<10240x128xf32, #tpu.memory_space<vmem_shared>> -> memref<128x128xf32, #tpu.memory_space<vmem_shared>>
      %dma_wait3A_58 = arith.constant 0 : i32
      %dma_wait3A_59 = tpu.memref_slice %arg13[%add3A_49, %dma_wait3A_58] : memref<10240x128xf32, #tpu.memory_space<vmem_shared>> -> memref<128x128xf32, #tpu.memory_space<vmem_shared>>
      tpu.wait_dma2 semaphore(%run_scoped3A : memref<!tpu.dma_semaphore, #tpu.memory_space<semaphore_mem>>) src(%dma_wait3A_59 : memref<128x128xf32, #tpu.memory_space<vmem_shared>>) dst(%arg11 : memref<128x128xf32, #tpu.memory_space<vmem>>)
      tpu.yield
    }) : () -> ()
    "tpu.region"() ({
      %run_scoped3A = tpu.sem_alloc : memref<!tpu.dma_semaphore, #tpu.memory_space<semaphore_mem>>
      %dma_start3A = arith.constant 0 : i32
      %dma_start3A_54 = tpu.memref_slice %arg6[%arg0, %add3A_49, %dma_start3A] : memref<2x10240x128xf32, #tpu.memory_space<hbm>> -> memref<1x128x128xf32, #tpu.memory_space<hbm>>
      %dma_start3A_55 = tpu.memref_squeeze %dma_start3A_54 : memref<1x128x128xf32, #tpu.memory_space<hbm>> -> memref<128x128xf32, #tpu.memory_space<hbm>>
      %dma_start3A_56 = arith.constant 0 : i32
      %dma_start3A_57 = tpu.memref_slice %arg6[%arg0, %add3A_49, %dma_start3A_56] : memref<2x10240x128xf32, #tpu.memory_space<hbm>> -> memref<1x128x128xf32, #tpu.memory_space<hbm>>
      %dma_start3A_58 = tpu.memref_squeeze %dma_start3A_57 : memref<1x128x128xf32, #tpu.memory_space<hbm>> -> memref<128x128xf32, #tpu.memory_space<hbm>>
      tpu.enqueue_dma source(%arg11 : memref<128x128xf32, #tpu.memory_space<vmem>>) target(%dma_start3A_58 : memref<128x128xf32, #tpu.memory_space<hbm>>) target_semaphore(%run_scoped3A : memref<!tpu.dma_semaphore, #tpu.memory_space<semaphore_mem>>)
      %dma_wait3A = arith.constant 0 : i32
      %dma_wait3A_59 = tpu.memref_slice %arg6[%arg0, %add3A_49, %dma_wait3A] : memref<2x10240x128xf32, #tpu.memory_space<hbm>> -> memref<1x128x128xf32, #tpu.memory_space<hbm>>
      %dma_wait3A_60 = tpu.memref_squeeze %dma_wait3A_59 : memref<1x128x128xf32, #tpu.memory_space<hbm>> -> memref<128x128xf32, #tpu.memory_space<hbm>>
      %dma_wait3A_61 = arith.constant 0 : i32
      %dma_wait3A_62 = tpu.memref_slice %arg6[%arg0, %add3A_49, %dma_wait3A_61] : memref<2x10240x128xf32, #tpu.memory_space<hbm>> -> memref<1x128x128xf32, #tpu.memory_space<hbm>>
      %dma_wait3A_63 = tpu.memref_squeeze %dma_wait3A_62 : memref<1x128x128xf32, #tpu.memory_space<hbm>> -> memref<128x128xf32, #tpu.memory_space<hbm>>
      tpu.wait_dma2 semaphore(%run_scoped3A : memref<!tpu.dma_semaphore, #tpu.memory_space<semaphore_mem>>) src(%arg11 : memref<128x128xf32, #tpu.memory_space<vmem>>) dst(%dma_wait3A_63 : memref<128x128xf32, #tpu.memory_space<hbm>>)
      tpu.yield
    }) : () -> ()
    %mul3A_50 = arith.constant 640 : i32
    %mul3A_51 = arith.muli %arg1, %mul3A_50 : i32
    %add3A_52 = arith.constant 512 : i32
    %add3A_53 = arith.addi %mul3A_51, %add3A_52 : i32
    "tpu.region"() ({
      %run_scoped3A = tpu.sem_alloc : memref<!tpu.dma_semaphore, #tpu.memory_space<semaphore_mem>>
      %dma_start3A = arith.constant 0 : i32
      %dma_start3A_54 = tpu.memref_slice %arg13[%add3A_53, %dma_start3A] : memref<10240x128xf32, #tpu.memory_space<vmem_shared>> -> memref<128x128xf32, #tpu.memory_space<vmem_shared>>
      %dma_start3A_55 = arith.constant 0 : i32
      %dma_start3A_56 = tpu.memref_slice %arg13[%add3A_53, %dma_start3A_55] : memref<10240x128xf32, #tpu.memory_space<vmem_shared>> -> memref<128x128xf32, #tpu.memory_space<vmem_shared>>
      tpu.enqueue_dma source(%dma_start3A_56 : memref<128x128xf32, #tpu.memory_space<vmem_shared>>) target(%arg11 : memref<128x128xf32, #tpu.memory_space<vmem>>) target_semaphore(%run_scoped3A : memref<!tpu.dma_semaphore, #tpu.memory_space<semaphore_mem>>)
      %dma_wait3A = arith.constant 0 : i32
      %dma_wait3A_57 = tpu.memref_slice %arg13[%add3A_53, %dma_wait3A] : memref<10240x128xf32, #tpu.memory_space<vmem_shared>> -> memref<128x128xf32, #tpu.memory_space<vmem_shared>>
      %dma_wait3A_58 = arith.constant 0 : i32
      %dma_wait3A_59 = tpu.memref_slice %arg13[%add3A_53, %dma_wait3A_58] : memref<10240x128xf32, #tpu.memory_space<vmem_shared>> -> memref<128x128xf32, #tpu.memory_space<vmem_shared>>
      tpu.wait_dma2 semaphore(%run_scoped3A : memref<!tpu.dma_semaphore, #tpu.memory_space<semaphore_mem>>) src(%dma_wait3A_59 : memref<128x128xf32, #tpu.memory_space<vmem_shared>>) dst(%arg11 : memref<128x128xf32, #tpu.memory_space<vmem>>)
      tpu.yield
    }) : () -> ()
    "tpu.region"() ({
      %run_scoped3A = tpu.sem_alloc : memref<!tpu.dma_semaphore, #tpu.memory_space<semaphore_mem>>
      %dma_start3A = arith.constant 0 : i32
      %dma_start3A_54 = tpu.memref_slice %arg6[%arg0, %add3A_53, %dma_start3A] : memref<2x10240x128xf32, #tpu.memory_space<hbm>> -> memref<1x128x128xf32, #tpu.memory_space<hbm>>
      %dma_start3A_55 = tpu.memref_squeeze %dma_start3A_54 : memref<1x128x128xf32, #tpu.memory_space<hbm>> -> memref<128x128xf32, #tpu.memory_space<hbm>>
      %dma_start3A_56 = arith.constant 0 : i32
      %dma_start3A_57 = tpu.memref_slice %arg6[%arg0, %add3A_53, %dma_start3A_56] : memref<2x10240x128xf32, #tpu.memory_space<hbm>> -> memref<1x128x128xf32, #tpu.memory_space<hbm>>
      %dma_start3A_58 = tpu.memref_squeeze %dma_start3A_57 : memref<1x128x128xf32, #tpu.memory_space<hbm>> -> memref<128x128xf32, #tpu.memory_space<hbm>>
      tpu.enqueue_dma source(%arg11 : memref<128x128xf32, #tpu.memory_space<vmem>>) target(%dma_start3A_58 : memref<128x128xf32, #tpu.memory_space<hbm>>) target_semaphore(%run_scoped3A : memref<!tpu.dma_semaphore, #tpu.memory_space<semaphore_mem>>)
      %dma_wait3A = arith.constant 0 : i32
      %dma_wait3A_59 = tpu.memref_slice %arg6[%arg0, %add3A_53, %dma_wait3A] : memref<2x10240x128xf32, #tpu.memory_space<hbm>> -> memref<1x128x128xf32, #tpu.memory_space<hbm>>
      %dma_wait3A_60 = tpu.memref_squeeze %dma_wait3A_59 : memref<1x128x128xf32, #tpu.memory_space<hbm>> -> memref<128x128xf32, #tpu.memory_space<hbm>>
      %dma_wait3A_61 = arith.constant 0 : i32
      %dma_wait3A_62 = tpu.memref_slice %arg6[%arg0, %add3A_53, %dma_wait3A_61] : memref<2x10240x128xf32, #tpu.memory_space<hbm>> -> memref<1x128x128xf32, #tpu.memory_space<hbm>>
      %dma_wait3A_63 = tpu.memref_squeeze %dma_wait3A_62 : memref<1x128x128xf32, #tpu.memory_space<hbm>> -> memref<128x128xf32, #tpu.memory_space<hbm>>
      tpu.wait_dma2 semaphore(%run_scoped3A : memref<!tpu.dma_semaphore, #tpu.memory_space<semaphore_mem>>) src(%arg11 : memref<128x128xf32, #tpu.memory_space<vmem>>) dst(%dma_wait3A_63 : memref<128x128xf32, #tpu.memory_space<hbm>>)
      tpu.yield
    }) : () -> ()
    return
  }
}

#map = affine_map<(d0, d1) -> (0, 0)>
#map1 = affine_map<(d0, d1) -> (0)>
#map2 = affine_map<(d0, d1) -> (0, 0, 0)>
module attributes {stable_mosaic.version = 14 : i64} {
  func.func @_msg_body(%arg0: i32, %arg1: i32, %arg2: memref<10240x128xf32, #tpu.memory_space<hbm>>, %arg3: memref<327680xi32, #tpu.memory_space<hbm>>, %arg4: memref<327680xi32, #tpu.memory_space<hbm>>, %arg5: memref<128x128xf32, #tpu.memory_space<hbm>>, %arg6: memref<2x10240x128xf32, #tpu.memory_space<hbm>>, %arg7: memref<128xi32, #tpu.memory_space<vmem>>, %arg8: memref<128xi32, #tpu.memory_space<vmem>>, %arg9: memref<128xi32, #tpu.memory_space<vmem>>, %arg10: memref<128xi32, #tpu.memory_space<vmem>>, %arg11: memref<128x128xf32, #tpu.memory_space<vmem>>, %arg12: memref<128x128xf32, #tpu.memory_space<vmem>>, %arg13: memref<10240x128xf32, #tpu.memory_space<vmem_shared>>, %arg14: memref<!tpu.dma_semaphore, #tpu.memory_space<semaphore_mem>>, %arg15: memref<!tpu.dma_semaphore, #tpu.memory_space<semaphore_mem>>) attributes {dimension_semantics = [#tpu.dimension_semantics<core_parallel>, #tpu.dimension_semantics<subcore_parallel>], iteration_bounds = array<i64: 2, 16>, scalar_prefetch = 0 : i64, scratch_operands = 9 : i64, tpu.core_type = #tpu.core_type<sc_vector_subcore>, window_params = [{transform_indices = #map}, {transform_indices = #map1}, {transform_indices = #map1}, {transform_indices = #map}, {transform_indices = #map2}]} {
    %eq3A = arith.constant 0 : i32
    %eq3A_0 = arith.cmpi eq, %arg0, %eq3A : i32
    %jit3A = arith.constant 128 : i32
    %jit3A_1 = arith.constant 32 : i32
    %select_n3A = arith.select %eq3A_0, %jit3A, %jit3A_1 : i32
    %eq3A_2 = arith.constant 0 : i32
    %eq3A_3 = arith.cmpi eq, %arg0, %eq3A_2 : i32
    %mul3A = arith.constant 128 : i32
    %mul3A_4 = arith.muli %arg1, %mul3A : i32
    %mul3A_5 = arith.constant 32 : i32
    %mul3A_6 = arith.muli %arg1, %mul3A_5 : i32
    %add3A = arith.constant 2048 : i32
    %add3A_7 = arith.addi %add3A, %mul3A_6 : i32
    %select_n3A_8 = arith.select %eq3A_3, %mul3A_4, %add3A_7 : i32
    %mul3A_9 = arith.constant 128 : i32
    %mul3A_10 = arith.muli %select_n3A_8, %mul3A_9 : i32
    "tpu.region"() ({
      %run_scoped3A = tpu.sem_alloc : memref<!tpu.dma_semaphore, #tpu.memory_space<semaphore_mem>>
      tpu.enqueue_dma source(%arg5 : memref<128x128xf32, #tpu.memory_space<hbm>>) target(%arg11 : memref<128x128xf32, #tpu.memory_space<vmem>>) target_semaphore(%run_scoped3A : memref<!tpu.dma_semaphore, #tpu.memory_space<semaphore_mem>>)
      tpu.wait_dma2 semaphore(%run_scoped3A : memref<!tpu.dma_semaphore, #tpu.memory_space<semaphore_mem>>) src(%arg5 : memref<128x128xf32, #tpu.memory_space<hbm>>) dst(%arg11 : memref<128x128xf32, #tpu.memory_space<vmem>>)
      tpu.yield
    }) : () -> ()
    %mul3A_11 = arith.constant 640 : i32
    %mul3A_12 = arith.muli %arg1, %mul3A_11 : i32
    %add3A_13 = arith.constant 0 : i32
    %add3A_14 = arith.addi %mul3A_12, %add3A_13 : i32
    "tpu.region"() ({
      %run_scoped3A = tpu.sem_alloc : memref<!tpu.dma_semaphore, #tpu.memory_space<semaphore_mem>>
      %dma_start3A = arith.constant 0 : i32
      %dma_start3A_54 = tpu.memref_slice %arg13[%add3A_14, %dma_start3A] : memref<10240x128xf32, #tpu.memory_space<vmem_shared>> -> memref<128x128xf32, #tpu.memory_space<vmem_shared>>
      %dma_start3A_55 = arith.constant 0 : i32
      %dma_start3A_56 = tpu.memref_slice %arg13[%add3A_14, %dma_start3A_55] : memref<10240x128xf32, #tpu.memory_space<vmem_shared>> -> memref<128x128xf32, #tpu.memory_space<vmem_shared>>
      tpu.enqueue_dma source(%arg11 : memref<128x128xf32, #tpu.memory_space<vmem>>) target(%dma_start3A_56 : memref<128x128xf32, #tpu.memory_space<vmem_shared>>) target_semaphore(%run_scoped3A : memref<!tpu.dma_semaphore, #tpu.memory_space<semaphore_mem>>)
      %dma_wait3A = arith.constant 0 : i32
      %dma_wait3A_57 = tpu.memref_slice %arg13[%add3A_14, %dma_wait3A] : memref<10240x128xf32, #tpu.memory_space<vmem_shared>> -> memref<128x128xf32, #tpu.memory_space<vmem_shared>>
      %dma_wait3A_58 = arith.constant 0 : i32
      %dma_wait3A_59 = tpu.memref_slice %arg13[%add3A_14, %dma_wait3A_58] : memref<10240x128xf32, #tpu.memory_space<vmem_shared>> -> memref<128x128xf32, #tpu.memory_space<vmem_shared>>
      tpu.wait_dma2 semaphore(%run_scoped3A : memref<!tpu.dma_semaphore, #tpu.memory_space<semaphore_mem>>) src(%arg11 : memref<128x128xf32, #tpu.memory_space<vmem>>) dst(%dma_wait3A_59 : memref<128x128xf32, #tpu.memory_space<vmem_shared>>)
      tpu.yield
    }) : () -> ()
    %mul3A_15 = arith.constant 640 : i32
    %mul3A_16 = arith.muli %arg1, %mul3A_15 : i32
    %add3A_17 = arith.constant 128 : i32
    %add3A_18 = arith.addi %mul3A_16, %add3A_17 : i32
    "tpu.region"() ({
      %run_scoped3A = tpu.sem_alloc : memref<!tpu.dma_semaphore, #tpu.memory_space<semaphore_mem>>
      %dma_start3A = arith.constant 0 : i32
      %dma_start3A_54 = tpu.memref_slice %arg13[%add3A_18, %dma_start3A] : memref<10240x128xf32, #tpu.memory_space<vmem_shared>> -> memref<128x128xf32, #tpu.memory_space<vmem_shared>>
      %dma_start3A_55 = arith.constant 0 : i32
      %dma_start3A_56 = tpu.memref_slice %arg13[%add3A_18, %dma_start3A_55] : memref<10240x128xf32, #tpu.memory_space<vmem_shared>> -> memref<128x128xf32, #tpu.memory_space<vmem_shared>>
      tpu.enqueue_dma source(%arg11 : memref<128x128xf32, #tpu.memory_space<vmem>>) target(%dma_start3A_56 : memref<128x128xf32, #tpu.memory_space<vmem_shared>>) target_semaphore(%run_scoped3A : memref<!tpu.dma_semaphore, #tpu.memory_space<semaphore_mem>>)
      %dma_wait3A = arith.constant 0 : i32
      %dma_wait3A_57 = tpu.memref_slice %arg13[%add3A_18, %dma_wait3A] : memref<10240x128xf32, #tpu.memory_space<vmem_shared>> -> memref<128x128xf32, #tpu.memory_space<vmem_shared>>
      %dma_wait3A_58 = arith.constant 0 : i32
      %dma_wait3A_59 = tpu.memref_slice %arg13[%add3A_18, %dma_wait3A_58] : memref<10240x128xf32, #tpu.memory_space<vmem_shared>> -> memref<128x128xf32, #tpu.memory_space<vmem_shared>>
      tpu.wait_dma2 semaphore(%run_scoped3A : memref<!tpu.dma_semaphore, #tpu.memory_space<semaphore_mem>>) src(%arg11 : memref<128x128xf32, #tpu.memory_space<vmem>>) dst(%dma_wait3A_59 : memref<128x128xf32, #tpu.memory_space<vmem_shared>>)
      tpu.yield
    }) : () -> ()
    %mul3A_19 = arith.constant 640 : i32
    %mul3A_20 = arith.muli %arg1, %mul3A_19 : i32
    %add3A_21 = arith.constant 256 : i32
    %add3A_22 = arith.addi %mul3A_20, %add3A_21 : i32
    "tpu.region"() ({
      %run_scoped3A = tpu.sem_alloc : memref<!tpu.dma_semaphore, #tpu.memory_space<semaphore_mem>>
      %dma_start3A = arith.constant 0 : i32
      %dma_start3A_54 = tpu.memref_slice %arg13[%add3A_22, %dma_start3A] : memref<10240x128xf32, #tpu.memory_space<vmem_shared>> -> memref<128x128xf32, #tpu.memory_space<vmem_shared>>
      %dma_start3A_55 = arith.constant 0 : i32
      %dma_start3A_56 = tpu.memref_slice %arg13[%add3A_22, %dma_start3A_55] : memref<10240x128xf32, #tpu.memory_space<vmem_shared>> -> memref<128x128xf32, #tpu.memory_space<vmem_shared>>
      tpu.enqueue_dma source(%arg11 : memref<128x128xf32, #tpu.memory_space<vmem>>) target(%dma_start3A_56 : memref<128x128xf32, #tpu.memory_space<vmem_shared>>) target_semaphore(%run_scoped3A : memref<!tpu.dma_semaphore, #tpu.memory_space<semaphore_mem>>)
      %dma_wait3A = arith.constant 0 : i32
      %dma_wait3A_57 = tpu.memref_slice %arg13[%add3A_22, %dma_wait3A] : memref<10240x128xf32, #tpu.memory_space<vmem_shared>> -> memref<128x128xf32, #tpu.memory_space<vmem_shared>>
      %dma_wait3A_58 = arith.constant 0 : i32
      %dma_wait3A_59 = tpu.memref_slice %arg13[%add3A_22, %dma_wait3A_58] : memref<10240x128xf32, #tpu.memory_space<vmem_shared>> -> memref<128x128xf32, #tpu.memory_space<vmem_shared>>
      tpu.wait_dma2 semaphore(%run_scoped3A : memref<!tpu.dma_semaphore, #tpu.memory_space<semaphore_mem>>) src(%arg11 : memref<128x128xf32, #tpu.memory_space<vmem>>) dst(%dma_wait3A_59 : memref<128x128xf32, #tpu.memory_space<vmem_shared>>)
      tpu.yield
    }) : () -> ()
    %mul3A_23 = arith.constant 640 : i32
    %mul3A_24 = arith.muli %arg1, %mul3A_23 : i32
    %add3A_25 = arith.constant 384 : i32
    %add3A_26 = arith.addi %mul3A_24, %add3A_25 : i32
    "tpu.region"() ({
      %run_scoped3A = tpu.sem_alloc : memref<!tpu.dma_semaphore, #tpu.memory_space<semaphore_mem>>
      %dma_start3A = arith.constant 0 : i32
      %dma_start3A_54 = tpu.memref_slice %arg13[%add3A_26, %dma_start3A] : memref<10240x128xf32, #tpu.memory_space<vmem_shared>> -> memref<128x128xf32, #tpu.memory_space<vmem_shared>>
      %dma_start3A_55 = arith.constant 0 : i32
      %dma_start3A_56 = tpu.memref_slice %arg13[%add3A_26, %dma_start3A_55] : memref<10240x128xf32, #tpu.memory_space<vmem_shared>> -> memref<128x128xf32, #tpu.memory_space<vmem_shared>>
      tpu.enqueue_dma source(%arg11 : memref<128x128xf32, #tpu.memory_space<vmem>>) target(%dma_start3A_56 : memref<128x128xf32, #tpu.memory_space<vmem_shared>>) target_semaphore(%run_scoped3A : memref<!tpu.dma_semaphore, #tpu.memory_space<semaphore_mem>>)
      %dma_wait3A = arith.constant 0 : i32
      %dma_wait3A_57 = tpu.memref_slice %arg13[%add3A_26, %dma_wait3A] : memref<10240x128xf32, #tpu.memory_space<vmem_shared>> -> memref<128x128xf32, #tpu.memory_space<vmem_shared>>
      %dma_wait3A_58 = arith.constant 0 : i32
      %dma_wait3A_59 = tpu.memref_slice %arg13[%add3A_26, %dma_wait3A_58] : memref<10240x128xf32, #tpu.memory_space<vmem_shared>> -> memref<128x128xf32, #tpu.memory_space<vmem_shared>>
      tpu.wait_dma2 semaphore(%run_scoped3A : memref<!tpu.dma_semaphore, #tpu.memory_space<semaphore_mem>>) src(%arg11 : memref<128x128xf32, #tpu.memory_space<vmem>>) dst(%dma_wait3A_59 : memref<128x128xf32, #tpu.memory_space<vmem_shared>>)
      tpu.yield
    }) : () -> ()
    %mul3A_27 = arith.constant 640 : i32
    %mul3A_28 = arith.muli %arg1, %mul3A_27 : i32
    %add3A_29 = arith.constant 512 : i32
    %add3A_30 = arith.addi %mul3A_28, %add3A_29 : i32
    "tpu.region"() ({
      %run_scoped3A = tpu.sem_alloc : memref<!tpu.dma_semaphore, #tpu.memory_space<semaphore_mem>>
      %dma_start3A = arith.constant 0 : i32
      %dma_start3A_54 = tpu.memref_slice %arg13[%add3A_30, %dma_start3A] : memref<10240x128xf32, #tpu.memory_space<vmem_shared>> -> memref<128x128xf32, #tpu.memory_space<vmem_shared>>
      %dma_start3A_55 = arith.constant 0 : i32
      %dma_start3A_56 = tpu.memref_slice %arg13[%add3A_30, %dma_start3A_55] : memref<10240x128xf32, #tpu.memory_space<vmem_shared>> -> memref<128x128xf32, #tpu.memory_space<vmem_shared>>
      tpu.enqueue_dma source(%arg11 : memref<128x128xf32, #tpu.memory_space<vmem>>) target(%dma_start3A_56 : memref<128x128xf32, #tpu.memory_space<vmem_shared>>) target_semaphore(%run_scoped3A : memref<!tpu.dma_semaphore, #tpu.memory_space<semaphore_mem>>)
      %dma_wait3A = arith.constant 0 : i32
      %dma_wait3A_57 = tpu.memref_slice %arg13[%add3A_30, %dma_wait3A] : memref<10240x128xf32, #tpu.memory_space<vmem_shared>> -> memref<128x128xf32, #tpu.memory_space<vmem_shared>>
      %dma_wait3A_58 = arith.constant 0 : i32
      %dma_wait3A_59 = tpu.memref_slice %arg13[%add3A_30, %dma_wait3A_58] : memref<10240x128xf32, #tpu.memory_space<vmem_shared>> -> memref<128x128xf32, #tpu.memory_space<vmem_shared>>
      tpu.wait_dma2 semaphore(%run_scoped3A : memref<!tpu.dma_semaphore, #tpu.memory_space<semaphore_mem>>) src(%arg11 : memref<128x128xf32, #tpu.memory_space<vmem>>) dst(%dma_wait3A_59 : memref<128x128xf32, #tpu.memory_space<vmem_shared>>)
      tpu.yield
    }) : () -> ()
    %barrier3A = arith.constant 0 : index
    tpu.barrier barrier_id(%barrier3A)
    %gt3A = arith.constant 0 : i32
    %gt3A_31 = arith.cmpi sgt, %select_n3A, %gt3A : i32
    %convert_element_type3A = arith.extui %gt3A_31 : i1 to i32
    %cond3A = arith.constant 0 : i32
    %cond3A_32 = arith.cmpi ne, %convert_element_type3A, %cond3A : i32
    scf.if %cond3A_32 {
      %add3A_54 = arith.constant 0 : i32
      %add3A_55 = arith.addi %mul3A_10, %add3A_54 : i32
      %dma_start3A = tpu.memref_slice %arg3[%add3A_55] : memref<327680xi32, #tpu.memory_space<hbm>> -> memref<128xi32, #tpu.memory_space<hbm>>
      %dma_start3A_56 = tpu.memref_slice %arg3[%add3A_55] : memref<327680xi32, #tpu.memory_space<hbm>> -> memref<128xi32, #tpu.memory_space<hbm>>
      tpu.enqueue_dma source(%dma_start3A_56 : memref<128xi32, #tpu.memory_space<hbm>>) target(%arg7 : memref<128xi32, #tpu.memory_space<vmem>>) target_semaphore(%arg14 : memref<!tpu.dma_semaphore, #tpu.memory_space<semaphore_mem>>)
      %add3A_57 = arith.constant 0 : i32
      %add3A_58 = arith.addi %mul3A_10, %add3A_57 : i32
      %dma_start3A_59 = tpu.memref_slice %arg4[%add3A_58] : memref<327680xi32, #tpu.memory_space<hbm>> -> memref<128xi32, #tpu.memory_space<hbm>>
      %dma_start3A_60 = tpu.memref_slice %arg4[%add3A_58] : memref<327680xi32, #tpu.memory_space<hbm>> -> memref<128xi32, #tpu.memory_space<hbm>>
      tpu.enqueue_dma source(%dma_start3A_60 : memref<128xi32, #tpu.memory_space<hbm>>) target(%arg9 : memref<128xi32, #tpu.memory_space<vmem>>) target_semaphore(%arg14 : memref<!tpu.dma_semaphore, #tpu.memory_space<semaphore_mem>>)
      %dma_wait3A = tpu.memref_slice %arg3[%add3A_55] : memref<327680xi32, #tpu.memory_space<hbm>> -> memref<128xi32, #tpu.memory_space<hbm>>
      %dma_wait3A_61 = tpu.memref_slice %arg3[%add3A_55] : memref<327680xi32, #tpu.memory_space<hbm>> -> memref<128xi32, #tpu.memory_space<hbm>>
      tpu.wait_dma2 semaphore(%arg14 : memref<!tpu.dma_semaphore, #tpu.memory_space<semaphore_mem>>) src(%dma_wait3A_61 : memref<128xi32, #tpu.memory_space<hbm>>) dst(%arg7 : memref<128xi32, #tpu.memory_space<vmem>>)
      %dma_wait3A_62 = tpu.memref_slice %arg4[%add3A_58] : memref<327680xi32, #tpu.memory_space<hbm>> -> memref<128xi32, #tpu.memory_space<hbm>>
      %dma_wait3A_63 = tpu.memref_slice %arg4[%add3A_58] : memref<327680xi32, #tpu.memory_space<hbm>> -> memref<128xi32, #tpu.memory_space<hbm>>
      tpu.wait_dma2 semaphore(%arg14 : memref<!tpu.dma_semaphore, #tpu.memory_space<semaphore_mem>>) src(%dma_wait3A_63 : memref<128xi32, #tpu.memory_space<hbm>>) dst(%arg9 : memref<128xi32, #tpu.memory_space<vmem>>)
      %dma_start3A_64 = arith.constant 0 : i32
      %dma_start3A_65 = arith.constant 0 : i32
      %dma_start3A_66 = tpu.memref_slice %arg2[%dma_start3A_64, %dma_start3A_65] : memref<10240x128xf32, #tpu.memory_space<hbm>> -> memref<10240x128xf32, #tpu.memory_space<hbm>>
      tpu.enqueue_indirect_dma source(%dma_start3A_66 : memref<10240x128xf32, #tpu.memory_space<hbm>>) target(%arg11 : memref<128x128xf32, #tpu.memory_space<vmem>>) offsets(%arg7 : memref<128xi32, #tpu.memory_space<vmem>>) semaphore(%arg15 : memref<!tpu.dma_semaphore, #tpu.memory_space<semaphore_mem>>)
      %add3A_67 = arith.constant 128 : i32
      %add3A_68 = arith.addi %mul3A_10, %add3A_67 : i32
      %dma_start3A_69 = tpu.memref_slice %arg3[%add3A_68] : memref<327680xi32, #tpu.memory_space<hbm>> -> memref<128xi32, #tpu.memory_space<hbm>>
      %dma_start3A_70 = tpu.memref_slice %arg3[%add3A_68] : memref<327680xi32, #tpu.memory_space<hbm>> -> memref<128xi32, #tpu.memory_space<hbm>>
      tpu.enqueue_dma source(%dma_start3A_70 : memref<128xi32, #tpu.memory_space<hbm>>) target(%arg8 : memref<128xi32, #tpu.memory_space<vmem>>) target_semaphore(%arg14 : memref<!tpu.dma_semaphore, #tpu.memory_space<semaphore_mem>>)
      %add3A_71 = arith.constant 128 : i32
      %add3A_72 = arith.addi %mul3A_10, %add3A_71 : i32
      %dma_start3A_73 = tpu.memref_slice %arg4[%add3A_72] : memref<327680xi32, #tpu.memory_space<hbm>> -> memref<128xi32, #tpu.memory_space<hbm>>
      %dma_start3A_74 = tpu.memref_slice %arg4[%add3A_72] : memref<327680xi32, #tpu.memory_space<hbm>> -> memref<128xi32, #tpu.memory_space<hbm>>
      tpu.enqueue_dma source(%dma_start3A_74 : memref<128xi32, #tpu.memory_space<hbm>>) target(%arg10 : memref<128xi32, #tpu.memory_space<vmem>>) target_semaphore(%arg14 : memref<!tpu.dma_semaphore, #tpu.memory_space<semaphore_mem>>)
      %jit3A_75 = arith.constant 2 : i32
      %div3A = arith.divsi %select_n3A, %jit3A_75 : i32
      %sign3A = arith.constant 0 : i32
      %sign3A_76 = arith.cmpi sgt, %select_n3A, %sign3A : i32
      %sign3A_77 = arith.extui %sign3A_76 : i1 to i32
      %sign3A_78 = arith.constant 0 : i32
      %sign3A_79 = arith.cmpi slt, %select_n3A, %sign3A_78 : i32
      %sign3A_80 = arith.extui %sign3A_79 : i1 to i32
      %sign3A_81 = arith.subi %sign3A_77, %sign3A_80 : i32
      %sign3A_82 = arith.constant 0 : i32
      %sign3A_83 = arith.cmpi sgt, %jit3A_75, %sign3A_82 : i32
      %sign3A_84 = arith.extui %sign3A_83 : i1 to i32
      %sign3A_85 = arith.constant 0 : i32
      %sign3A_86 = arith.cmpi slt, %jit3A_75, %sign3A_85 : i32
      %sign3A_87 = arith.extui %sign3A_86 : i1 to i32
      %sign3A_88 = arith.subi %sign3A_84, %sign3A_87 : i32
      %ne3A = arith.cmpi ne, %sign3A_81, %sign3A_88 : i32
      %rem3A = arith.remsi %select_n3A, %jit3A_75 : i32
      %ne3A_89 = arith.constant 0 : i32
      %ne3A_90 = arith.cmpi ne, %rem3A, %ne3A_89 : i32
      %and3A = arith.andi %ne3A, %ne3A_90 : i1
      %sub3A = arith.constant 1 : i32
      %sub3A_91 = arith.subi %div3A, %sub3A : i32
      %select_n3A_92 = arith.select %and3A, %sub3A_91, %div3A : i32
      %sub3A_93 = arith.constant 1 : i32
      %sub3A_94 = arith.subi %select_n3A_92, %sub3A_93 : i32
      %while3A = arith.constant 0 : i32
      %while3A_95 = arith.constant 0 : i32
      %while3A_96 = arith.subi %sub3A_94, %while3A_95 : i32
      %while3A_97 = arith.addi %while3A_95, %while3A_96 : i32
      %while3A_98 = arith.constant 1 : i32
      %while3A_99 = arith.divsi %while3A_96, %while3A_98 : i32
      %while3A_100 = arith.muli %while3A_99, %while3A_98 : i32
      %while3A_101 = arith.addi %while3A_95, %while3A_100 : i32
      %while3A_102 = arith.constant 1 : i32
      scf.for %while3A_127 = %while3A_95 to %while3A_101 step %while3A_102  : i32 {
        %dma_wait3A_128 = arith.constant 0 : i32
        %dma_wait3A_129 = tpu.memref_slice %arg3[%dma_wait3A_128] : memref<327680xi32, #tpu.memory_space<hbm>> -> memref<128xi32, #tpu.memory_space<hbm>>
        %dma_wait3A_130 = arith.constant 0 : i32
        %dma_wait3A_131 = tpu.memref_slice %arg3[%dma_wait3A_130] : memref<327680xi32, #tpu.memory_space<hbm>> -> memref<128xi32, #tpu.memory_space<hbm>>
        tpu.wait_dma2 semaphore(%arg14 : memref<!tpu.dma_semaphore, #tpu.memory_space<semaphore_mem>>) src(%dma_wait3A_131 : memref<128xi32, #tpu.memory_space<hbm>>) dst(%arg8 : memref<128xi32, #tpu.memory_space<vmem>>)
        %dma_wait3A_132 = arith.constant 0 : i32
        %dma_wait3A_133 = tpu.memref_slice %arg4[%dma_wait3A_132] : memref<327680xi32, #tpu.memory_space<hbm>> -> memref<128xi32, #tpu.memory_space<hbm>>
        %dma_wait3A_134 = arith.constant 0 : i32
        %dma_wait3A_135 = tpu.memref_slice %arg4[%dma_wait3A_134] : memref<327680xi32, #tpu.memory_space<hbm>> -> memref<128xi32, #tpu.memory_space<hbm>>
        tpu.wait_dma2 semaphore(%arg14 : memref<!tpu.dma_semaphore, #tpu.memory_space<semaphore_mem>>) src(%dma_wait3A_135 : memref<128xi32, #tpu.memory_space<hbm>>) dst(%arg10 : memref<128xi32, #tpu.memory_space<vmem>>)
        %dma_start3A_136 = arith.constant 0 : i32
        %dma_start3A_137 = arith.constant 0 : i32
        %dma_start3A_138 = tpu.memref_slice %arg2[%dma_start3A_136, %dma_start3A_137] : memref<10240x128xf32, #tpu.memory_space<hbm>> -> memref<10240x128xf32, #tpu.memory_space<hbm>>
        tpu.enqueue_indirect_dma source(%dma_start3A_138 : memref<10240x128xf32, #tpu.memory_space<hbm>>) target(%arg12 : memref<128x128xf32, #tpu.memory_space<vmem>>) offsets(%arg8 : memref<128xi32, #tpu.memory_space<vmem>>) semaphore(%arg15 : memref<!tpu.dma_semaphore, #tpu.memory_space<semaphore_mem>>)
        %dma_wait3A_139 = arith.constant 0 : i32
        %dma_wait3A_140 = arith.constant 0 : i32
        %dma_wait3A_141 = tpu.memref_slice %arg2[%dma_wait3A_139, %dma_wait3A_140] : memref<10240x128xf32, #tpu.memory_space<hbm>> -> memref<128x128xf32, #tpu.memory_space<hbm>>
        %dma_wait3A_142 = arith.constant 0 : i32
        %dma_wait3A_143 = arith.constant 0 : i32
        %dma_wait3A_144 = tpu.memref_slice %arg2[%dma_wait3A_142, %dma_wait3A_143] : memref<10240x128xf32, #tpu.memory_space<hbm>> -> memref<128x128xf32, #tpu.memory_space<hbm>>
        tpu.wait_dma2 semaphore(%arg15 : memref<!tpu.dma_semaphore, #tpu.memory_space<semaphore_mem>>) src(%dma_wait3A_144 : memref<128x128xf32, #tpu.memory_space<hbm>>) dst(%arg11 : memref<128x128xf32, #tpu.memory_space<vmem>>)
        "tpu.region"() ({
          %run_scoped3A = tpu.sem_alloc : memref<!tpu.dma_semaphore, #tpu.memory_space<semaphore_mem>>
          %dma_start3A_190 = arith.constant 0 : i32
          %dma_start3A_191 = arith.constant 0 : i32
          %dma_start3A_192 = tpu.memref_slice %arg13[%dma_start3A_190, %dma_start3A_191] : memref<10240x128xf32, #tpu.memory_space<vmem_shared>> -> memref<10240x128xf32, #tpu.memory_space<vmem_shared>>
          tpu.enqueue_indirect_dma source(%arg11 : memref<128x128xf32, #tpu.memory_space<vmem>>) target(%dma_start3A_192 : memref<10240x128xf32, #tpu.memory_space<vmem_shared>>) offsets(%arg9 : memref<128xi32, #tpu.memory_space<vmem>>) semaphore(%run_scoped3A : memref<!tpu.dma_semaphore, #tpu.memory_space<semaphore_mem>>) {add = true}
          %dma_wait3A_193 = arith.constant 0 : i32
          %dma_wait3A_194 = arith.constant 0 : i32
          %dma_wait3A_195 = tpu.memref_slice %arg13[%dma_wait3A_193, %dma_wait3A_194] : memref<10240x128xf32, #tpu.memory_space<vmem_shared>> -> memref<10240x128xf32, #tpu.memory_space<vmem_shared>>
          tpu.wait_indirect_dma semaphore(%run_scoped3A : memref<!tpu.dma_semaphore, #tpu.memory_space<semaphore_mem>>) src(%arg11 : memref<128x128xf32, #tpu.memory_space<vmem>>) dst(%dma_wait3A_195 : memref<10240x128xf32, #tpu.memory_space<vmem_shared>>)
          tpu.yield
        }) : () -> ()
        %mul3A_145 = arith.constant 2 : i32
        %mul3A_146 = arith.muli %mul3A_145, %while3A_127 : i32
        %add3A_147 = arith.constant 2 : i32
        %add3A_148 = arith.addi %mul3A_146, %add3A_147 : i32
        %mul3A_149 = arith.constant 128 : i32
        %mul3A_150 = arith.muli %add3A_148, %mul3A_149 : i32
        %add3A_151 = arith.addi %mul3A_10, %mul3A_150 : i32
        %dma_start3A_152 = tpu.memref_slice %arg3[%add3A_151] : memref<327680xi32, #tpu.memory_space<hbm>> -> memref<128xi32, #tpu.memory_space<hbm>>
        %dma_start3A_153 = tpu.memref_slice %arg3[%add3A_151] : memref<327680xi32, #tpu.memory_space<hbm>> -> memref<128xi32, #tpu.memory_space<hbm>>
        tpu.enqueue_dma source(%dma_start3A_153 : memref<128xi32, #tpu.memory_space<hbm>>) target(%arg7 : memref<128xi32, #tpu.memory_space<vmem>>) target_semaphore(%arg14 : memref<!tpu.dma_semaphore, #tpu.memory_space<semaphore_mem>>)
        %mul3A_154 = arith.constant 128 : i32
        %mul3A_155 = arith.muli %add3A_148, %mul3A_154 : i32
        %add3A_156 = arith.addi %mul3A_10, %mul3A_155 : i32
        %dma_start3A_157 = tpu.memref_slice %arg4[%add3A_156] : memref<327680xi32, #tpu.memory_space<hbm>> -> memref<128xi32, #tpu.memory_space<hbm>>
        %dma_start3A_158 = tpu.memref_slice %arg4[%add3A_156] : memref<327680xi32, #tpu.memory_space<hbm>> -> memref<128xi32, #tpu.memory_space<hbm>>
        tpu.enqueue_dma source(%dma_start3A_158 : memref<128xi32, #tpu.memory_space<hbm>>) target(%arg9 : memref<128xi32, #tpu.memory_space<vmem>>) target_semaphore(%arg14 : memref<!tpu.dma_semaphore, #tpu.memory_space<semaphore_mem>>)
        %dma_wait3A_159 = arith.constant 0 : i32
        %dma_wait3A_160 = tpu.memref_slice %arg3[%dma_wait3A_159] : memref<327680xi32, #tpu.memory_space<hbm>> -> memref<128xi32, #tpu.memory_space<hbm>>
        %dma_wait3A_161 = arith.constant 0 : i32
        %dma_wait3A_162 = tpu.memref_slice %arg3[%dma_wait3A_161] : memref<327680xi32, #tpu.memory_space<hbm>> -> memref<128xi32, #tpu.memory_space<hbm>>
        tpu.wait_dma2 semaphore(%arg14 : memref<!tpu.dma_semaphore, #tpu.memory_space<semaphore_mem>>) src(%dma_wait3A_162 : memref<128xi32, #tpu.memory_space<hbm>>) dst(%arg7 : memref<128xi32, #tpu.memory_space<vmem>>)
        %dma_wait3A_163 = arith.constant 0 : i32
        %dma_wait3A_164 = tpu.memref_slice %arg4[%dma_wait3A_163] : memref<327680xi32, #tpu.memory_space<hbm>> -> memref<128xi32, #tpu.memory_space<hbm>>
        %dma_wait3A_165 = arith.constant 0 : i32
        %dma_wait3A_166 = tpu.memref_slice %arg4[%dma_wait3A_165] : memref<327680xi32, #tpu.memory_space<hbm>> -> memref<128xi32, #tpu.memory_space<hbm>>
        tpu.wait_dma2 semaphore(%arg14 : memref<!tpu.dma_semaphore, #tpu.memory_space<semaphore_mem>>) src(%dma_wait3A_166 : memref<128xi32, #tpu.memory_space<hbm>>) dst(%arg9 : memref<128xi32, #tpu.memory_space<vmem>>)
        %dma_start3A_167 = arith.constant 0 : i32
        %dma_start3A_168 = arith.constant 0 : i32
        %dma_start3A_169 = tpu.memref_slice %arg2[%dma_start3A_167, %dma_start3A_168] : memref<10240x128xf32, #tpu.memory_space<hbm>> -> memref<10240x128xf32, #tpu.memory_space<hbm>>
        tpu.enqueue_indirect_dma source(%dma_start3A_169 : memref<10240x128xf32, #tpu.memory_space<hbm>>) target(%arg11 : memref<128x128xf32, #tpu.memory_space<vmem>>) offsets(%arg7 : memref<128xi32, #tpu.memory_space<vmem>>) semaphore(%arg15 : memref<!tpu.dma_semaphore, #tpu.memory_space<semaphore_mem>>)
        %dma_wait3A_170 = arith.constant 0 : i32
        %dma_wait3A_171 = arith.constant 0 : i32
        %dma_wait3A_172 = tpu.memref_slice %arg2[%dma_wait3A_170, %dma_wait3A_171] : memref<10240x128xf32, #tpu.memory_space<hbm>> -> memref<128x128xf32, #tpu.memory_space<hbm>>
        %dma_wait3A_173 = arith.constant 0 : i32
        %dma_wait3A_174 = arith.constant 0 : i32
        %dma_wait3A_175 = tpu.memref_slice %arg2[%dma_wait3A_173, %dma_wait3A_174] : memref<10240x128xf32, #tpu.memory_space<hbm>> -> memref<128x128xf32, #tpu.memory_space<hbm>>
        tpu.wait_dma2 semaphore(%arg15 : memref<!tpu.dma_semaphore, #tpu.memory_space<semaphore_mem>>) src(%dma_wait3A_175 : memref<128x128xf32, #tpu.memory_space<hbm>>) dst(%arg12 : memref<128x128xf32, #tpu.memory_space<vmem>>)
        "tpu.region"() ({
          %run_scoped3A = tpu.sem_alloc : memref<!tpu.dma_semaphore, #tpu.memory_space<semaphore_mem>>
          %dma_start3A_190 = arith.constant 0 : i32
          %dma_start3A_191 = arith.constant 0 : i32
          %dma_start3A_192 = tpu.memref_slice %arg13[%dma_start3A_190, %dma_start3A_191] : memref<10240x128xf32, #tpu.memory_space<vmem_shared>> -> memref<10240x128xf32, #tpu.memory_space<vmem_shared>>
          tpu.enqueue_indirect_dma source(%arg12 : memref<128x128xf32, #tpu.memory_space<vmem>>) target(%dma_start3A_192 : memref<10240x128xf32, #tpu.memory_space<vmem_shared>>) offsets(%arg10 : memref<128xi32, #tpu.memory_space<vmem>>) semaphore(%run_scoped3A : memref<!tpu.dma_semaphore, #tpu.memory_space<semaphore_mem>>) {add = true}
          %dma_wait3A_193 = arith.constant 0 : i32
          %dma_wait3A_194 = arith.constant 0 : i32
          %dma_wait3A_195 = tpu.memref_slice %arg13[%dma_wait3A_193, %dma_wait3A_194] : memref<10240x128xf32, #tpu.memory_space<vmem_shared>> -> memref<10240x128xf32, #tpu.memory_space<vmem_shared>>
          tpu.wait_indirect_dma semaphore(%run_scoped3A : memref<!tpu.dma_semaphore, #tpu.memory_space<semaphore_mem>>) src(%arg12 : memref<128x128xf32, #tpu.memory_space<vmem>>) dst(%dma_wait3A_195 : memref<10240x128xf32, #tpu.memory_space<vmem_shared>>)
          tpu.yield
        }) : () -> ()
        %mul3A_176 = arith.constant 2 : i32
        %mul3A_177 = arith.muli %mul3A_176, %while3A_127 : i32
        %add3A_178 = arith.constant 3 : i32
        %add3A_179 = arith.addi %mul3A_177, %add3A_178 : i32
        %mul3A_180 = arith.constant 128 : i32
        %mul3A_181 = arith.muli %add3A_179, %mul3A_180 : i32
        %add3A_182 = arith.addi %mul3A_10, %mul3A_181 : i32
        %dma_start3A_183 = tpu.memref_slice %arg3[%add3A_182] : memref<327680xi32, #tpu.memory_space<hbm>> -> memref<128xi32, #tpu.memory_space<hbm>>
        %dma_start3A_184 = tpu.memref_slice %arg3[%add3A_182] : memref<327680xi32, #tpu.memory_space<hbm>> -> memref<128xi32, #tpu.memory_space<hbm>>
        tpu.enqueue_dma source(%dma_start3A_184 : memref<128xi32, #tpu.memory_space<hbm>>) target(%arg8 : memref<128xi32, #tpu.memory_space<vmem>>) target_semaphore(%arg14 : memref<!tpu.dma_semaphore, #tpu.memory_space<semaphore_mem>>)
        %mul3A_185 = arith.constant 128 : i32
        %mul3A_186 = arith.muli %add3A_179, %mul3A_185 : i32
        %add3A_187 = arith.addi %mul3A_10, %mul3A_186 : i32
        %dma_start3A_188 = tpu.memref_slice %arg4[%add3A_187] : memref<327680xi32, #tpu.memory_space<hbm>> -> memref<128xi32, #tpu.memory_space<hbm>>
        %dma_start3A_189 = tpu.memref_slice %arg4[%add3A_187] : memref<327680xi32, #tpu.memory_space<hbm>> -> memref<128xi32, #tpu.memory_space<hbm>>
        tpu.enqueue_dma source(%dma_start3A_189 : memref<128xi32, #tpu.memory_space<hbm>>) target(%arg10 : memref<128xi32, #tpu.memory_space<vmem>>) target_semaphore(%arg14 : memref<!tpu.dma_semaphore, #tpu.memory_space<semaphore_mem>>)
      }
      %while3A_103 = arith.constant 1 : i32
      scf.for %while3A_127 = %while3A_101 to %while3A_97 step %while3A_103  : i32 {
        %dma_wait3A_128 = arith.constant 0 : i32
        %dma_wait3A_129 = tpu.memref_slice %arg3[%dma_wait3A_128] : memref<327680xi32, #tpu.memory_space<hbm>> -> memref<128xi32, #tpu.memory_space<hbm>>
        %dma_wait3A_130 = arith.constant 0 : i32
        %dma_wait3A_131 = tpu.memref_slice %arg3[%dma_wait3A_130] : memref<327680xi32, #tpu.memory_space<hbm>> -> memref<128xi32, #tpu.memory_space<hbm>>
        tpu.wait_dma2 semaphore(%arg14 : memref<!tpu.dma_semaphore, #tpu.memory_space<semaphore_mem>>) src(%dma_wait3A_131 : memref<128xi32, #tpu.memory_space<hbm>>) dst(%arg8 : memref<128xi32, #tpu.memory_space<vmem>>)
        %dma_wait3A_132 = arith.constant 0 : i32
        %dma_wait3A_133 = tpu.memref_slice %arg4[%dma_wait3A_132] : memref<327680xi32, #tpu.memory_space<hbm>> -> memref<128xi32, #tpu.memory_space<hbm>>
        %dma_wait3A_134 = arith.constant 0 : i32
        %dma_wait3A_135 = tpu.memref_slice %arg4[%dma_wait3A_134] : memref<327680xi32, #tpu.memory_space<hbm>> -> memref<128xi32, #tpu.memory_space<hbm>>
        tpu.wait_dma2 semaphore(%arg14 : memref<!tpu.dma_semaphore, #tpu.memory_space<semaphore_mem>>) src(%dma_wait3A_135 : memref<128xi32, #tpu.memory_space<hbm>>) dst(%arg10 : memref<128xi32, #tpu.memory_space<vmem>>)
        %dma_start3A_136 = arith.constant 0 : i32
        %dma_start3A_137 = arith.constant 0 : i32
        %dma_start3A_138 = tpu.memref_slice %arg2[%dma_start3A_136, %dma_start3A_137] : memref<10240x128xf32, #tpu.memory_space<hbm>> -> memref<10240x128xf32, #tpu.memory_space<hbm>>
        tpu.enqueue_indirect_dma source(%dma_start3A_138 : memref<10240x128xf32, #tpu.memory_space<hbm>>) target(%arg12 : memref<128x128xf32, #tpu.memory_space<vmem>>) offsets(%arg8 : memref<128xi32, #tpu.memory_space<vmem>>) semaphore(%arg15 : memref<!tpu.dma_semaphore, #tpu.memory_space<semaphore_mem>>)
        %dma_wait3A_139 = arith.constant 0 : i32
        %dma_wait3A_140 = arith.constant 0 : i32
        %dma_wait3A_141 = tpu.memref_slice %arg2[%dma_wait3A_139, %dma_wait3A_140] : memref<10240x128xf32, #tpu.memory_space<hbm>> -> memref<128x128xf32, #tpu.memory_space<hbm>>
        %dma_wait3A_142 = arith.constant 0 : i32
        %dma_wait3A_143 = arith.constant 0 : i32
        %dma_wait3A_144 = tpu.memref_slice %arg2[%dma_wait3A_142, %dma_wait3A_143] : memref<10240x128xf32, #tpu.memory_space<hbm>> -> memref<128x128xf32, #tpu.memory_space<hbm>>
        tpu.wait_dma2 semaphore(%arg15 : memref<!tpu.dma_semaphore, #tpu.memory_space<semaphore_mem>>) src(%dma_wait3A_144 : memref<128x128xf32, #tpu.memory_space<hbm>>) dst(%arg11 : memref<128x128xf32, #tpu.memory_space<vmem>>)
        "tpu.region"() ({
          %run_scoped3A = tpu.sem_alloc : memref<!tpu.dma_semaphore, #tpu.memory_space<semaphore_mem>>
          %dma_start3A_190 = arith.constant 0 : i32
          %dma_start3A_191 = arith.constant 0 : i32
          %dma_start3A_192 = tpu.memref_slice %arg13[%dma_start3A_190, %dma_start3A_191] : memref<10240x128xf32, #tpu.memory_space<vmem_shared>> -> memref<10240x128xf32, #tpu.memory_space<vmem_shared>>
          tpu.enqueue_indirect_dma source(%arg11 : memref<128x128xf32, #tpu.memory_space<vmem>>) target(%dma_start3A_192 : memref<10240x128xf32, #tpu.memory_space<vmem_shared>>) offsets(%arg9 : memref<128xi32, #tpu.memory_space<vmem>>) semaphore(%run_scoped3A : memref<!tpu.dma_semaphore, #tpu.memory_space<semaphore_mem>>) {add = true}
          %dma_wait3A_193 = arith.constant 0 : i32
          %dma_wait3A_194 = arith.constant 0 : i32
          %dma_wait3A_195 = tpu.memref_slice %arg13[%dma_wait3A_193, %dma_wait3A_194] : memref<10240x128xf32, #tpu.memory_space<vmem_shared>> -> memref<10240x128xf32, #tpu.memory_space<vmem_shared>>
          tpu.wait_indirect_dma semaphore(%run_scoped3A : memref<!tpu.dma_semaphore, #tpu.memory_space<semaphore_mem>>) src(%arg11 : memref<128x128xf32, #tpu.memory_space<vmem>>) dst(%dma_wait3A_195 : memref<10240x128xf32, #tpu.memory_space<vmem_shared>>)
          tpu.yield
        }) : () -> ()
        %mul3A_145 = arith.constant 2 : i32
        %mul3A_146 = arith.muli %mul3A_145, %while3A_127 : i32
        %add3A_147 = arith.constant 2 : i32
        %add3A_148 = arith.addi %mul3A_146, %add3A_147 : i32
        %mul3A_149 = arith.constant 128 : i32
        %mul3A_150 = arith.muli %add3A_148, %mul3A_149 : i32
        %add3A_151 = arith.addi %mul3A_10, %mul3A_150 : i32
        %dma_start3A_152 = tpu.memref_slice %arg3[%add3A_151] : memref<327680xi32, #tpu.memory_space<hbm>> -> memref<128xi32, #tpu.memory_space<hbm>>
        %dma_start3A_153 = tpu.memref_slice %arg3[%add3A_151] : memref<327680xi32, #tpu.memory_space<hbm>> -> memref<128xi32, #tpu.memory_space<hbm>>
        tpu.enqueue_dma source(%dma_start3A_153 : memref<128xi32, #tpu.memory_space<hbm>>) target(%arg7 : memref<128xi32, #tpu.memory_space<vmem>>) target_semaphore(%arg14 : memref<!tpu.dma_semaphore, #tpu.memory_space<semaphore_mem>>)
        %mul3A_154 = arith.constant 128 : i32
        %mul3A_155 = arith.muli %add3A_148, %mul3A_154 : i32
        %add3A_156 = arith.addi %mul3A_10, %mul3A_155 : i32
        %dma_start3A_157 = tpu.memref_slice %arg4[%add3A_156] : memref<327680xi32, #tpu.memory_space<hbm>> -> memref<128xi32, #tpu.memory_space<hbm>>
        %dma_start3A_158 = tpu.memref_slice %arg4[%add3A_156] : memref<327680xi32, #tpu.memory_space<hbm>> -> memref<128xi32, #tpu.memory_space<hbm>>
        tpu.enqueue_dma source(%dma_start3A_158 : memref<128xi32, #tpu.memory_space<hbm>>) target(%arg9 : memref<128xi32, #tpu.memory_space<vmem>>) target_semaphore(%arg14 : memref<!tpu.dma_semaphore, #tpu.memory_space<semaphore_mem>>)
        %dma_wait3A_159 = arith.constant 0 : i32
        %dma_wait3A_160 = tpu.memref_slice %arg3[%dma_wait3A_159] : memref<327680xi32, #tpu.memory_space<hbm>> -> memref<128xi32, #tpu.memory_space<hbm>>
        %dma_wait3A_161 = arith.constant 0 : i32
        %dma_wait3A_162 = tpu.memref_slice %arg3[%dma_wait3A_161] : memref<327680xi32, #tpu.memory_space<hbm>> -> memref<128xi32, #tpu.memory_space<hbm>>
        tpu.wait_dma2 semaphore(%arg14 : memref<!tpu.dma_semaphore, #tpu.memory_space<semaphore_mem>>) src(%dma_wait3A_162 : memref<128xi32, #tpu.memory_space<hbm>>) dst(%arg7 : memref<128xi32, #tpu.memory_space<vmem>>)
        %dma_wait3A_163 = arith.constant 0 : i32
        %dma_wait3A_164 = tpu.memref_slice %arg4[%dma_wait3A_163] : memref<327680xi32, #tpu.memory_space<hbm>> -> memref<128xi32, #tpu.memory_space<hbm>>
        %dma_wait3A_165 = arith.constant 0 : i32
        %dma_wait3A_166 = tpu.memref_slice %arg4[%dma_wait3A_165] : memref<327680xi32, #tpu.memory_space<hbm>> -> memref<128xi32, #tpu.memory_space<hbm>>
        tpu.wait_dma2 semaphore(%arg14 : memref<!tpu.dma_semaphore, #tpu.memory_space<semaphore_mem>>) src(%dma_wait3A_166 : memref<128xi32, #tpu.memory_space<hbm>>) dst(%arg9 : memref<128xi32, #tpu.memory_space<vmem>>)
        %dma_start3A_167 = arith.constant 0 : i32
        %dma_start3A_168 = arith.constant 0 : i32
        %dma_start3A_169 = tpu.memref_slice %arg2[%dma_start3A_167, %dma_start3A_168] : memref<10240x128xf32, #tpu.memory_space<hbm>> -> memref<10240x128xf32, #tpu.memory_space<hbm>>
        tpu.enqueue_indirect_dma source(%dma_start3A_169 : memref<10240x128xf32, #tpu.memory_space<hbm>>) target(%arg11 : memref<128x128xf32, #tpu.memory_space<vmem>>) offsets(%arg7 : memref<128xi32, #tpu.memory_space<vmem>>) semaphore(%arg15 : memref<!tpu.dma_semaphore, #tpu.memory_space<semaphore_mem>>)
        %dma_wait3A_170 = arith.constant 0 : i32
        %dma_wait3A_171 = arith.constant 0 : i32
        %dma_wait3A_172 = tpu.memref_slice %arg2[%dma_wait3A_170, %dma_wait3A_171] : memref<10240x128xf32, #tpu.memory_space<hbm>> -> memref<128x128xf32, #tpu.memory_space<hbm>>
        %dma_wait3A_173 = arith.constant 0 : i32
        %dma_wait3A_174 = arith.constant 0 : i32
        %dma_wait3A_175 = tpu.memref_slice %arg2[%dma_wait3A_173, %dma_wait3A_174] : memref<10240x128xf32, #tpu.memory_space<hbm>> -> memref<128x128xf32, #tpu.memory_space<hbm>>
        tpu.wait_dma2 semaphore(%arg15 : memref<!tpu.dma_semaphore, #tpu.memory_space<semaphore_mem>>) src(%dma_wait3A_175 : memref<128x128xf32, #tpu.memory_space<hbm>>) dst(%arg12 : memref<128x128xf32, #tpu.memory_space<vmem>>)
        "tpu.region"() ({
          %run_scoped3A = tpu.sem_alloc : memref<!tpu.dma_semaphore, #tpu.memory_space<semaphore_mem>>
          %dma_start3A_190 = arith.constant 0 : i32
          %dma_start3A_191 = arith.constant 0 : i32
          %dma_start3A_192 = tpu.memref_slice %arg13[%dma_start3A_190, %dma_start3A_191] : memref<10240x128xf32, #tpu.memory_space<vmem_shared>> -> memref<10240x128xf32, #tpu.memory_space<vmem_shared>>
          tpu.enqueue_indirect_dma source(%arg12 : memref<128x128xf32, #tpu.memory_space<vmem>>) target(%dma_start3A_192 : memref<10240x128xf32, #tpu.memory_space<vmem_shared>>) offsets(%arg10 : memref<128xi32, #tpu.memory_space<vmem>>) semaphore(%run_scoped3A : memref<!tpu.dma_semaphore, #tpu.memory_space<semaphore_mem>>) {add = true}
          %dma_wait3A_193 = arith.constant 0 : i32
          %dma_wait3A_194 = arith.constant 0 : i32
          %dma_wait3A_195 = tpu.memref_slice %arg13[%dma_wait3A_193, %dma_wait3A_194] : memref<10240x128xf32, #tpu.memory_space<vmem_shared>> -> memref<10240x128xf32, #tpu.memory_space<vmem_shared>>
          tpu.wait_indirect_dma semaphore(%run_scoped3A : memref<!tpu.dma_semaphore, #tpu.memory_space<semaphore_mem>>) src(%arg12 : memref<128x128xf32, #tpu.memory_space<vmem>>) dst(%dma_wait3A_195 : memref<10240x128xf32, #tpu.memory_space<vmem_shared>>)
          tpu.yield
        }) : () -> ()
        %mul3A_176 = arith.constant 2 : i32
        %mul3A_177 = arith.muli %mul3A_176, %while3A_127 : i32
        %add3A_178 = arith.constant 3 : i32
        %add3A_179 = arith.addi %mul3A_177, %add3A_178 : i32
        %mul3A_180 = arith.constant 128 : i32
        %mul3A_181 = arith.muli %add3A_179, %mul3A_180 : i32
        %add3A_182 = arith.addi %mul3A_10, %mul3A_181 : i32
        %dma_start3A_183 = tpu.memref_slice %arg3[%add3A_182] : memref<327680xi32, #tpu.memory_space<hbm>> -> memref<128xi32, #tpu.memory_space<hbm>>
        %dma_start3A_184 = tpu.memref_slice %arg3[%add3A_182] : memref<327680xi32, #tpu.memory_space<hbm>> -> memref<128xi32, #tpu.memory_space<hbm>>
        tpu.enqueue_dma source(%dma_start3A_184 : memref<128xi32, #tpu.memory_space<hbm>>) target(%arg8 : memref<128xi32, #tpu.memory_space<vmem>>) target_semaphore(%arg14 : memref<!tpu.dma_semaphore, #tpu.memory_space<semaphore_mem>>)
        %mul3A_185 = arith.constant 128 : i32
        %mul3A_186 = arith.muli %add3A_179, %mul3A_185 : i32
        %add3A_187 = arith.addi %mul3A_10, %mul3A_186 : i32
        %dma_start3A_188 = tpu.memref_slice %arg4[%add3A_187] : memref<327680xi32, #tpu.memory_space<hbm>> -> memref<128xi32, #tpu.memory_space<hbm>>
        %dma_start3A_189 = tpu.memref_slice %arg4[%add3A_187] : memref<327680xi32, #tpu.memory_space<hbm>> -> memref<128xi32, #tpu.memory_space<hbm>>
        tpu.enqueue_dma source(%dma_start3A_189 : memref<128xi32, #tpu.memory_space<hbm>>) target(%arg10 : memref<128xi32, #tpu.memory_space<vmem>>) target_semaphore(%arg14 : memref<!tpu.dma_semaphore, #tpu.memory_space<semaphore_mem>>)
      }
      %dma_wait3A_104 = arith.constant 0 : i32
      %dma_wait3A_105 = tpu.memref_slice %arg3[%dma_wait3A_104] : memref<327680xi32, #tpu.memory_space<hbm>> -> memref<128xi32, #tpu.memory_space<hbm>>
      %dma_wait3A_106 = arith.constant 0 : i32
      %dma_wait3A_107 = tpu.memref_slice %arg3[%dma_wait3A_106] : memref<327680xi32, #tpu.memory_space<hbm>> -> memref<128xi32, #tpu.memory_space<hbm>>
      tpu.wait_dma2 semaphore(%arg14 : memref<!tpu.dma_semaphore, #tpu.memory_space<semaphore_mem>>) src(%dma_wait3A_107 : memref<128xi32, #tpu.memory_space<hbm>>) dst(%arg8 : memref<128xi32, #tpu.memory_space<vmem>>)
      %dma_wait3A_108 = arith.constant 0 : i32
      %dma_wait3A_109 = tpu.memref_slice %arg4[%dma_wait3A_108] : memref<327680xi32, #tpu.memory_space<hbm>> -> memref<128xi32, #tpu.memory_space<hbm>>
      %dma_wait3A_110 = arith.constant 0 : i32
      %dma_wait3A_111 = tpu.memref_slice %arg4[%dma_wait3A_110] : memref<327680xi32, #tpu.memory_space<hbm>> -> memref<128xi32, #tpu.memory_space<hbm>>
      tpu.wait_dma2 semaphore(%arg14 : memref<!tpu.dma_semaphore, #tpu.memory_space<semaphore_mem>>) src(%dma_wait3A_111 : memref<128xi32, #tpu.memory_space<hbm>>) dst(%arg10 : memref<128xi32, #tpu.memory_space<vmem>>)
      %dma_start3A_112 = arith.constant 0 : i32
      %dma_start3A_113 = arith.constant 0 : i32
      %dma_start3A_114 = tpu.memref_slice %arg2[%dma_start3A_112, %dma_start3A_113] : memref<10240x128xf32, #tpu.memory_space<hbm>> -> memref<10240x128xf32, #tpu.memory_space<hbm>>
      tpu.enqueue_indirect_dma source(%dma_start3A_114 : memref<10240x128xf32, #tpu.memory_space<hbm>>) target(%arg12 : memref<128x128xf32, #tpu.memory_space<vmem>>) offsets(%arg8 : memref<128xi32, #tpu.memory_space<vmem>>) semaphore(%arg15 : memref<!tpu.dma_semaphore, #tpu.memory_space<semaphore_mem>>)
      %dma_wait3A_115 = arith.constant 0 : i32
      %dma_wait3A_116 = arith.constant 0 : i32
      %dma_wait3A_117 = tpu.memref_slice %arg2[%dma_wait3A_115, %dma_wait3A_116] : memref<10240x128xf32, #tpu.memory_space<hbm>> -> memref<128x128xf32, #tpu.memory_space<hbm>>
      %dma_wait3A_118 = arith.constant 0 : i32
      %dma_wait3A_119 = arith.constant 0 : i32
      %dma_wait3A_120 = tpu.memref_slice %arg2[%dma_wait3A_118, %dma_wait3A_119] : memref<10240x128xf32, #tpu.memory_space<hbm>> -> memref<128x128xf32, #tpu.memory_space<hbm>>
      tpu.wait_dma2 semaphore(%arg15 : memref<!tpu.dma_semaphore, #tpu.memory_space<semaphore_mem>>) src(%dma_wait3A_120 : memref<128x128xf32, #tpu.memory_space<hbm>>) dst(%arg11 : memref<128x128xf32, #tpu.memory_space<vmem>>)
      "tpu.region"() ({
        %run_scoped3A = tpu.sem_alloc : memref<!tpu.dma_semaphore, #tpu.memory_space<semaphore_mem>>
        %dma_start3A_127 = arith.constant 0 : i32
        %dma_start3A_128 = arith.constant 0 : i32
        %dma_start3A_129 = tpu.memref_slice %arg13[%dma_start3A_127, %dma_start3A_128] : memref<10240x128xf32, #tpu.memory_space<vmem_shared>> -> memref<10240x128xf32, #tpu.memory_space<vmem_shared>>
        tpu.enqueue_indirect_dma source(%arg11 : memref<128x128xf32, #tpu.memory_space<vmem>>) target(%dma_start3A_129 : memref<10240x128xf32, #tpu.memory_space<vmem_shared>>) offsets(%arg9 : memref<128xi32, #tpu.memory_space<vmem>>) semaphore(%run_scoped3A : memref<!tpu.dma_semaphore, #tpu.memory_space<semaphore_mem>>) {add = true}
        %dma_wait3A_130 = arith.constant 0 : i32
        %dma_wait3A_131 = arith.constant 0 : i32
        %dma_wait3A_132 = tpu.memref_slice %arg13[%dma_wait3A_130, %dma_wait3A_131] : memref<10240x128xf32, #tpu.memory_space<vmem_shared>> -> memref<10240x128xf32, #tpu.memory_space<vmem_shared>>
        tpu.wait_indirect_dma semaphore(%run_scoped3A : memref<!tpu.dma_semaphore, #tpu.memory_space<semaphore_mem>>) src(%arg11 : memref<128x128xf32, #tpu.memory_space<vmem>>) dst(%dma_wait3A_132 : memref<10240x128xf32, #tpu.memory_space<vmem_shared>>)
        tpu.yield
      }) : () -> ()
      %dma_wait3A_121 = arith.constant 0 : i32
      %dma_wait3A_122 = arith.constant 0 : i32
      %dma_wait3A_123 = tpu.memref_slice %arg2[%dma_wait3A_121, %dma_wait3A_122] : memref<10240x128xf32, #tpu.memory_space<hbm>> -> memref<128x128xf32, #tpu.memory_space<hbm>>
      %dma_wait3A_124 = arith.constant 0 : i32
      %dma_wait3A_125 = arith.constant 0 : i32
      %dma_wait3A_126 = tpu.memref_slice %arg2[%dma_wait3A_124, %dma_wait3A_125] : memref<10240x128xf32, #tpu.memory_space<hbm>> -> memref<128x128xf32, #tpu.memory_space<hbm>>
      tpu.wait_dma2 semaphore(%arg15 : memref<!tpu.dma_semaphore, #tpu.memory_space<semaphore_mem>>) src(%dma_wait3A_126 : memref<128x128xf32, #tpu.memory_space<hbm>>) dst(%arg12 : memref<128x128xf32, #tpu.memory_space<vmem>>)
      "tpu.region"() ({
        %run_scoped3A = tpu.sem_alloc : memref<!tpu.dma_semaphore, #tpu.memory_space<semaphore_mem>>
        %dma_start3A_127 = arith.constant 0 : i32
        %dma_start3A_128 = arith.constant 0 : i32
        %dma_start3A_129 = tpu.memref_slice %arg13[%dma_start3A_127, %dma_start3A_128] : memref<10240x128xf32, #tpu.memory_space<vmem_shared>> -> memref<10240x128xf32, #tpu.memory_space<vmem_shared>>
        tpu.enqueue_indirect_dma source(%arg12 : memref<128x128xf32, #tpu.memory_space<vmem>>) target(%dma_start3A_129 : memref<10240x128xf32, #tpu.memory_space<vmem_shared>>) offsets(%arg10 : memref<128xi32, #tpu.memory_space<vmem>>) semaphore(%run_scoped3A : memref<!tpu.dma_semaphore, #tpu.memory_space<semaphore_mem>>) {add = true}
        %dma_wait3A_130 = arith.constant 0 : i32
        %dma_wait3A_131 = arith.constant 0 : i32
        %dma_wait3A_132 = tpu.memref_slice %arg13[%dma_wait3A_130, %dma_wait3A_131] : memref<10240x128xf32, #tpu.memory_space<vmem_shared>> -> memref<10240x128xf32, #tpu.memory_space<vmem_shared>>
        tpu.wait_indirect_dma semaphore(%run_scoped3A : memref<!tpu.dma_semaphore, #tpu.memory_space<semaphore_mem>>) src(%arg12 : memref<128x128xf32, #tpu.memory_space<vmem>>) dst(%dma_wait3A_132 : memref<10240x128xf32, #tpu.memory_space<vmem_shared>>)
        tpu.yield
      }) : () -> ()
    } else {
    }
    %barrier3A_33 = arith.constant 0 : index
    tpu.barrier barrier_id(%barrier3A_33)
    %mul3A_34 = arith.constant 640 : i32
    %mul3A_35 = arith.muli %arg1, %mul3A_34 : i32
    %add3A_36 = arith.constant 0 : i32
    %add3A_37 = arith.addi %mul3A_35, %add3A_36 : i32
    "tpu.region"() ({
      %run_scoped3A = tpu.sem_alloc : memref<!tpu.dma_semaphore, #tpu.memory_space<semaphore_mem>>
      %dma_start3A = arith.constant 0 : i32
      %dma_start3A_54 = tpu.memref_slice %arg13[%add3A_37, %dma_start3A] : memref<10240x128xf32, #tpu.memory_space<vmem_shared>> -> memref<128x128xf32, #tpu.memory_space<vmem_shared>>
      %dma_start3A_55 = arith.constant 0 : i32
      %dma_start3A_56 = tpu.memref_slice %arg13[%add3A_37, %dma_start3A_55] : memref<10240x128xf32, #tpu.memory_space<vmem_shared>> -> memref<128x128xf32, #tpu.memory_space<vmem_shared>>
      tpu.enqueue_dma source(%dma_start3A_56 : memref<128x128xf32, #tpu.memory_space<vmem_shared>>) target(%arg11 : memref<128x128xf32, #tpu.memory_space<vmem>>) target_semaphore(%run_scoped3A : memref<!tpu.dma_semaphore, #tpu.memory_space<semaphore_mem>>)
      %dma_wait3A = arith.constant 0 : i32
      %dma_wait3A_57 = tpu.memref_slice %arg13[%add3A_37, %dma_wait3A] : memref<10240x128xf32, #tpu.memory_space<vmem_shared>> -> memref<128x128xf32, #tpu.memory_space<vmem_shared>>
      %dma_wait3A_58 = arith.constant 0 : i32
      %dma_wait3A_59 = tpu.memref_slice %arg13[%add3A_37, %dma_wait3A_58] : memref<10240x128xf32, #tpu.memory_space<vmem_shared>> -> memref<128x128xf32, #tpu.memory_space<vmem_shared>>
      tpu.wait_dma2 semaphore(%run_scoped3A : memref<!tpu.dma_semaphore, #tpu.memory_space<semaphore_mem>>) src(%dma_wait3A_59 : memref<128x128xf32, #tpu.memory_space<vmem_shared>>) dst(%arg11 : memref<128x128xf32, #tpu.memory_space<vmem>>)
      tpu.yield
    }) : () -> ()
    "tpu.region"() ({
      %run_scoped3A = tpu.sem_alloc : memref<!tpu.dma_semaphore, #tpu.memory_space<semaphore_mem>>
      %dma_start3A = arith.constant 0 : i32
      %dma_start3A_54 = tpu.memref_slice %arg6[%arg0, %add3A_37, %dma_start3A] : memref<2x10240x128xf32, #tpu.memory_space<hbm>> -> memref<1x128x128xf32, #tpu.memory_space<hbm>>
      %dma_start3A_55 = tpu.memref_squeeze %dma_start3A_54 : memref<1x128x128xf32, #tpu.memory_space<hbm>> -> memref<128x128xf32, #tpu.memory_space<hbm>>
      %dma_start3A_56 = arith.constant 0 : i32
      %dma_start3A_57 = tpu.memref_slice %arg6[%arg0, %add3A_37, %dma_start3A_56] : memref<2x10240x128xf32, #tpu.memory_space<hbm>> -> memref<1x128x128xf32, #tpu.memory_space<hbm>>
      %dma_start3A_58 = tpu.memref_squeeze %dma_start3A_57 : memref<1x128x128xf32, #tpu.memory_space<hbm>> -> memref<128x128xf32, #tpu.memory_space<hbm>>
      tpu.enqueue_dma source(%arg11 : memref<128x128xf32, #tpu.memory_space<vmem>>) target(%dma_start3A_58 : memref<128x128xf32, #tpu.memory_space<hbm>>) target_semaphore(%run_scoped3A : memref<!tpu.dma_semaphore, #tpu.memory_space<semaphore_mem>>)
      %dma_wait3A = arith.constant 0 : i32
      %dma_wait3A_59 = tpu.memref_slice %arg6[%arg0, %add3A_37, %dma_wait3A] : memref<2x10240x128xf32, #tpu.memory_space<hbm>> -> memref<1x128x128xf32, #tpu.memory_space<hbm>>
      %dma_wait3A_60 = tpu.memref_squeeze %dma_wait3A_59 : memref<1x128x128xf32, #tpu.memory_space<hbm>> -> memref<128x128xf32, #tpu.memory_space<hbm>>
      %dma_wait3A_61 = arith.constant 0 : i32
      %dma_wait3A_62 = tpu.memref_slice %arg6[%arg0, %add3A_37, %dma_wait3A_61] : memref<2x10240x128xf32, #tpu.memory_space<hbm>> -> memref<1x128x128xf32, #tpu.memory_space<hbm>>
      %dma_wait3A_63 = tpu.memref_squeeze %dma_wait3A_62 : memref<1x128x128xf32, #tpu.memory_space<hbm>> -> memref<128x128xf32, #tpu.memory_space<hbm>>
      tpu.wait_dma2 semaphore(%run_scoped3A : memref<!tpu.dma_semaphore, #tpu.memory_space<semaphore_mem>>) src(%arg11 : memref<128x128xf32, #tpu.memory_space<vmem>>) dst(%dma_wait3A_63 : memref<128x128xf32, #tpu.memory_space<hbm>>)
      tpu.yield
    }) : () -> ()
    %mul3A_38 = arith.constant 640 : i32
    %mul3A_39 = arith.muli %arg1, %mul3A_38 : i32
    %add3A_40 = arith.constant 128 : i32
    %add3A_41 = arith.addi %mul3A_39, %add3A_40 : i32
    "tpu.region"() ({
      %run_scoped3A = tpu.sem_alloc : memref<!tpu.dma_semaphore, #tpu.memory_space<semaphore_mem>>
      %dma_start3A = arith.constant 0 : i32
      %dma_start3A_54 = tpu.memref_slice %arg13[%add3A_41, %dma_start3A] : memref<10240x128xf32, #tpu.memory_space<vmem_shared>> -> memref<128x128xf32, #tpu.memory_space<vmem_shared>>
      %dma_start3A_55 = arith.constant 0 : i32
      %dma_start3A_56 = tpu.memref_slice %arg13[%add3A_41, %dma_start3A_55] : memref<10240x128xf32, #tpu.memory_space<vmem_shared>> -> memref<128x128xf32, #tpu.memory_space<vmem_shared>>
      tpu.enqueue_dma source(%dma_start3A_56 : memref<128x128xf32, #tpu.memory_space<vmem_shared>>) target(%arg11 : memref<128x128xf32, #tpu.memory_space<vmem>>) target_semaphore(%run_scoped3A : memref<!tpu.dma_semaphore, #tpu.memory_space<semaphore_mem>>)
      %dma_wait3A = arith.constant 0 : i32
      %dma_wait3A_57 = tpu.memref_slice %arg13[%add3A_41, %dma_wait3A] : memref<10240x128xf32, #tpu.memory_space<vmem_shared>> -> memref<128x128xf32, #tpu.memory_space<vmem_shared>>
      %dma_wait3A_58 = arith.constant 0 : i32
      %dma_wait3A_59 = tpu.memref_slice %arg13[%add3A_41, %dma_wait3A_58] : memref<10240x128xf32, #tpu.memory_space<vmem_shared>> -> memref<128x128xf32, #tpu.memory_space<vmem_shared>>
      tpu.wait_dma2 semaphore(%run_scoped3A : memref<!tpu.dma_semaphore, #tpu.memory_space<semaphore_mem>>) src(%dma_wait3A_59 : memref<128x128xf32, #tpu.memory_space<vmem_shared>>) dst(%arg11 : memref<128x128xf32, #tpu.memory_space<vmem>>)
      tpu.yield
    }) : () -> ()
    "tpu.region"() ({
      %run_scoped3A = tpu.sem_alloc : memref<!tpu.dma_semaphore, #tpu.memory_space<semaphore_mem>>
      %dma_start3A = arith.constant 0 : i32
      %dma_start3A_54 = tpu.memref_slice %arg6[%arg0, %add3A_41, %dma_start3A] : memref<2x10240x128xf32, #tpu.memory_space<hbm>> -> memref<1x128x128xf32, #tpu.memory_space<hbm>>
      %dma_start3A_55 = tpu.memref_squeeze %dma_start3A_54 : memref<1x128x128xf32, #tpu.memory_space<hbm>> -> memref<128x128xf32, #tpu.memory_space<hbm>>
      %dma_start3A_56 = arith.constant 0 : i32
      %dma_start3A_57 = tpu.memref_slice %arg6[%arg0, %add3A_41, %dma_start3A_56] : memref<2x10240x128xf32, #tpu.memory_space<hbm>> -> memref<1x128x128xf32, #tpu.memory_space<hbm>>
      %dma_start3A_58 = tpu.memref_squeeze %dma_start3A_57 : memref<1x128x128xf32, #tpu.memory_space<hbm>> -> memref<128x128xf32, #tpu.memory_space<hbm>>
      tpu.enqueue_dma source(%arg11 : memref<128x128xf32, #tpu.memory_space<vmem>>) target(%dma_start3A_58 : memref<128x128xf32, #tpu.memory_space<hbm>>) target_semaphore(%run_scoped3A : memref<!tpu.dma_semaphore, #tpu.memory_space<semaphore_mem>>)
      %dma_wait3A = arith.constant 0 : i32
      %dma_wait3A_59 = tpu.memref_slice %arg6[%arg0, %add3A_41, %dma_wait3A] : memref<2x10240x128xf32, #tpu.memory_space<hbm>> -> memref<1x128x128xf32, #tpu.memory_space<hbm>>
      %dma_wait3A_60 = tpu.memref_squeeze %dma_wait3A_59 : memref<1x128x128xf32, #tpu.memory_space<hbm>> -> memref<128x128xf32, #tpu.memory_space<hbm>>
      %dma_wait3A_61 = arith.constant 0 : i32
      %dma_wait3A_62 = tpu.memref_slice %arg6[%arg0, %add3A_41, %dma_wait3A_61] : memref<2x10240x128xf32, #tpu.memory_space<hbm>> -> memref<1x128x128xf32, #tpu.memory_space<hbm>>
      %dma_wait3A_63 = tpu.memref_squeeze %dma_wait3A_62 : memref<1x128x128xf32, #tpu.memory_space<hbm>> -> memref<128x128xf32, #tpu.memory_space<hbm>>
      tpu.wait_dma2 semaphore(%run_scoped3A : memref<!tpu.dma_semaphore, #tpu.memory_space<semaphore_mem>>) src(%arg11 : memref<128x128xf32, #tpu.memory_space<vmem>>) dst(%dma_wait3A_63 : memref<128x128xf32, #tpu.memory_space<hbm>>)
      tpu.yield
    }) : () -> ()
    %mul3A_42 = arith.constant 640 : i32
    %mul3A_43 = arith.muli %arg1, %mul3A_42 : i32
    %add3A_44 = arith.constant 256 : i32
    %add3A_45 = arith.addi %mul3A_43, %add3A_44 : i32
    "tpu.region"() ({
      %run_scoped3A = tpu.sem_alloc : memref<!tpu.dma_semaphore, #tpu.memory_space<semaphore_mem>>
      %dma_start3A = arith.constant 0 : i32
      %dma_start3A_54 = tpu.memref_slice %arg13[%add3A_45, %dma_start3A] : memref<10240x128xf32, #tpu.memory_space<vmem_shared>> -> memref<128x128xf32, #tpu.memory_space<vmem_shared>>
      %dma_start3A_55 = arith.constant 0 : i32
      %dma_start3A_56 = tpu.memref_slice %arg13[%add3A_45, %dma_start3A_55] : memref<10240x128xf32, #tpu.memory_space<vmem_shared>> -> memref<128x128xf32, #tpu.memory_space<vmem_shared>>
      tpu.enqueue_dma source(%dma_start3A_56 : memref<128x128xf32, #tpu.memory_space<vmem_shared>>) target(%arg11 : memref<128x128xf32, #tpu.memory_space<vmem>>) target_semaphore(%run_scoped3A : memref<!tpu.dma_semaphore, #tpu.memory_space<semaphore_mem>>)
      %dma_wait3A = arith.constant 0 : i32
      %dma_wait3A_57 = tpu.memref_slice %arg13[%add3A_45, %dma_wait3A] : memref<10240x128xf32, #tpu.memory_space<vmem_shared>> -> memref<128x128xf32, #tpu.memory_space<vmem_shared>>
      %dma_wait3A_58 = arith.constant 0 : i32
      %dma_wait3A_59 = tpu.memref_slice %arg13[%add3A_45, %dma_wait3A_58] : memref<10240x128xf32, #tpu.memory_space<vmem_shared>> -> memref<128x128xf32, #tpu.memory_space<vmem_shared>>
      tpu.wait_dma2 semaphore(%run_scoped3A : memref<!tpu.dma_semaphore, #tpu.memory_space<semaphore_mem>>) src(%dma_wait3A_59 : memref<128x128xf32, #tpu.memory_space<vmem_shared>>) dst(%arg11 : memref<128x128xf32, #tpu.memory_space<vmem>>)
      tpu.yield
    }) : () -> ()
    "tpu.region"() ({
      %run_scoped3A = tpu.sem_alloc : memref<!tpu.dma_semaphore, #tpu.memory_space<semaphore_mem>>
      %dma_start3A = arith.constant 0 : i32
      %dma_start3A_54 = tpu.memref_slice %arg6[%arg0, %add3A_45, %dma_start3A] : memref<2x10240x128xf32, #tpu.memory_space<hbm>> -> memref<1x128x128xf32, #tpu.memory_space<hbm>>
      %dma_start3A_55 = tpu.memref_squeeze %dma_start3A_54 : memref<1x128x128xf32, #tpu.memory_space<hbm>> -> memref<128x128xf32, #tpu.memory_space<hbm>>
      %dma_start3A_56 = arith.constant 0 : i32
      %dma_start3A_57 = tpu.memref_slice %arg6[%arg0, %add3A_45, %dma_start3A_56] : memref<2x10240x128xf32, #tpu.memory_space<hbm>> -> memref<1x128x128xf32, #tpu.memory_space<hbm>>
      %dma_start3A_58 = tpu.memref_squeeze %dma_start3A_57 : memref<1x128x128xf32, #tpu.memory_space<hbm>> -> memref<128x128xf32, #tpu.memory_space<hbm>>
      tpu.enqueue_dma source(%arg11 : memref<128x128xf32, #tpu.memory_space<vmem>>) target(%dma_start3A_58 : memref<128x128xf32, #tpu.memory_space<hbm>>) target_semaphore(%run_scoped3A : memref<!tpu.dma_semaphore, #tpu.memory_space<semaphore_mem>>)
      %dma_wait3A = arith.constant 0 : i32
      %dma_wait3A_59 = tpu.memref_slice %arg6[%arg0, %add3A_45, %dma_wait3A] : memref<2x10240x128xf32, #tpu.memory_space<hbm>> -> memref<1x128x128xf32, #tpu.memory_space<hbm>>
      %dma_wait3A_60 = tpu.memref_squeeze %dma_wait3A_59 : memref<1x128x128xf32, #tpu.memory_space<hbm>> -> memref<128x128xf32, #tpu.memory_space<hbm>>
      %dma_wait3A_61 = arith.constant 0 : i32
      %dma_wait3A_62 = tpu.memref_slice %arg6[%arg0, %add3A_45, %dma_wait3A_61] : memref<2x10240x128xf32, #tpu.memory_space<hbm>> -> memref<1x128x128xf32, #tpu.memory_space<hbm>>
      %dma_wait3A_63 = tpu.memref_squeeze %dma_wait3A_62 : memref<1x128x128xf32, #tpu.memory_space<hbm>> -> memref<128x128xf32, #tpu.memory_space<hbm>>
      tpu.wait_dma2 semaphore(%run_scoped3A : memref<!tpu.dma_semaphore, #tpu.memory_space<semaphore_mem>>) src(%arg11 : memref<128x128xf32, #tpu.memory_space<vmem>>) dst(%dma_wait3A_63 : memref<128x128xf32, #tpu.memory_space<hbm>>)
      tpu.yield
    }) : () -> ()
    %mul3A_46 = arith.constant 640 : i32
    %mul3A_47 = arith.muli %arg1, %mul3A_46 : i32
    %add3A_48 = arith.constant 384 : i32
    %add3A_49 = arith.addi %mul3A_47, %add3A_48 : i32
    "tpu.region"() ({
      %run_scoped3A = tpu.sem_alloc : memref<!tpu.dma_semaphore, #tpu.memory_space<semaphore_mem>>
      %dma_start3A = arith.constant 0 : i32
      %dma_start3A_54 = tpu.memref_slice %arg13[%add3A_49, %dma_start3A] : memref<10240x128xf32, #tpu.memory_space<vmem_shared>> -> memref<128x128xf32, #tpu.memory_space<vmem_shared>>
      %dma_start3A_55 = arith.constant 0 : i32
      %dma_start3A_56 = tpu.memref_slice %arg13[%add3A_49, %dma_start3A_55] : memref<10240x128xf32, #tpu.memory_space<vmem_shared>> -> memref<128x128xf32, #tpu.memory_space<vmem_shared>>
      tpu.enqueue_dma source(%dma_start3A_56 : memref<128x128xf32, #tpu.memory_space<vmem_shared>>) target(%arg11 : memref<128x128xf32, #tpu.memory_space<vmem>>) target_semaphore(%run_scoped3A : memref<!tpu.dma_semaphore, #tpu.memory_space<semaphore_mem>>)
      %dma_wait3A = arith.constant 0 : i32
      %dma_wait3A_57 = tpu.memref_slice %arg13[%add3A_49, %dma_wait3A] : memref<10240x128xf32, #tpu.memory_space<vmem_shared>> -> memref<128x128xf32, #tpu.memory_space<vmem_shared>>
      %dma_wait3A_58 = arith.constant 0 : i32
      %dma_wait3A_59 = tpu.memref_slice %arg13[%add3A_49, %dma_wait3A_58] : memref<10240x128xf32, #tpu.memory_space<vmem_shared>> -> memref<128x128xf32, #tpu.memory_space<vmem_shared>>
      tpu.wait_dma2 semaphore(%run_scoped3A : memref<!tpu.dma_semaphore, #tpu.memory_space<semaphore_mem>>) src(%dma_wait3A_59 : memref<128x128xf32, #tpu.memory_space<vmem_shared>>) dst(%arg11 : memref<128x128xf32, #tpu.memory_space<vmem>>)
      tpu.yield
    }) : () -> ()
    "tpu.region"() ({
      %run_scoped3A = tpu.sem_alloc : memref<!tpu.dma_semaphore, #tpu.memory_space<semaphore_mem>>
      %dma_start3A = arith.constant 0 : i32
      %dma_start3A_54 = tpu.memref_slice %arg6[%arg0, %add3A_49, %dma_start3A] : memref<2x10240x128xf32, #tpu.memory_space<hbm>> -> memref<1x128x128xf32, #tpu.memory_space<hbm>>
      %dma_start3A_55 = tpu.memref_squeeze %dma_start3A_54 : memref<1x128x128xf32, #tpu.memory_space<hbm>> -> memref<128x128xf32, #tpu.memory_space<hbm>>
      %dma_start3A_56 = arith.constant 0 : i32
      %dma_start3A_57 = tpu.memref_slice %arg6[%arg0, %add3A_49, %dma_start3A_56] : memref<2x10240x128xf32, #tpu.memory_space<hbm>> -> memref<1x128x128xf32, #tpu.memory_space<hbm>>
      %dma_start3A_58 = tpu.memref_squeeze %dma_start3A_57 : memref<1x128x128xf32, #tpu.memory_space<hbm>> -> memref<128x128xf32, #tpu.memory_space<hbm>>
      tpu.enqueue_dma source(%arg11 : memref<128x128xf32, #tpu.memory_space<vmem>>) target(%dma_start3A_58 : memref<128x128xf32, #tpu.memory_space<hbm>>) target_semaphore(%run_scoped3A : memref<!tpu.dma_semaphore, #tpu.memory_space<semaphore_mem>>)
      %dma_wait3A = arith.constant 0 : i32
      %dma_wait3A_59 = tpu.memref_slice %arg6[%arg0, %add3A_49, %dma_wait3A] : memref<2x10240x128xf32, #tpu.memory_space<hbm>> -> memref<1x128x128xf32, #tpu.memory_space<hbm>>
      %dma_wait3A_60 = tpu.memref_squeeze %dma_wait3A_59 : memref<1x128x128xf32, #tpu.memory_space<hbm>> -> memref<128x128xf32, #tpu.memory_space<hbm>>
      %dma_wait3A_61 = arith.constant 0 : i32
      %dma_wait3A_62 = tpu.memref_slice %arg6[%arg0, %add3A_49, %dma_wait3A_61] : memref<2x10240x128xf32, #tpu.memory_space<hbm>> -> memref<1x128x128xf32, #tpu.memory_space<hbm>>
      %dma_wait3A_63 = tpu.memref_squeeze %dma_wait3A_62 : memref<1x128x128xf32, #tpu.memory_space<hbm>> -> memref<128x128xf32, #tpu.memory_space<hbm>>
      tpu.wait_dma2 semaphore(%run_scoped3A : memref<!tpu.dma_semaphore, #tpu.memory_space<semaphore_mem>>) src(%arg11 : memref<128x128xf32, #tpu.memory_space<vmem>>) dst(%dma_wait3A_63 : memref<128x128xf32, #tpu.memory_space<hbm>>)
      tpu.yield
    }) : () -> ()
    %mul3A_50 = arith.constant 640 : i32
    %mul3A_51 = arith.muli %arg1, %mul3A_50 : i32
    %add3A_52 = arith.constant 512 : i32
    %add3A_53 = arith.addi %mul3A_51, %add3A_52 : i32
    "tpu.region"() ({
      %run_scoped3A = tpu.sem_alloc : memref<!tpu.dma_semaphore, #tpu.memory_space<semaphore_mem>>
      %dma_start3A = arith.constant 0 : i32
      %dma_start3A_54 = tpu.memref_slice %arg13[%add3A_53, %dma_start3A] : memref<10240x128xf32, #tpu.memory_space<vmem_shared>> -> memref<128x128xf32, #tpu.memory_space<vmem_shared>>
      %dma_start3A_55 = arith.constant 0 : i32
      %dma_start3A_56 = tpu.memref_slice %arg13[%add3A_53, %dma_start3A_55] : memref<10240x128xf32, #tpu.memory_space<vmem_shared>> -> memref<128x128xf32, #tpu.memory_space<vmem_shared>>
      tpu.enqueue_dma source(%dma_start3A_56 : memref<128x128xf32, #tpu.memory_space<vmem_shared>>) target(%arg11 : memref<128x128xf32, #tpu.memory_space<vmem>>) target_semaphore(%run_scoped3A : memref<!tpu.dma_semaphore, #tpu.memory_space<semaphore_mem>>)
      %dma_wait3A = arith.constant 0 : i32
      %dma_wait3A_57 = tpu.memref_slice %arg13[%add3A_53, %dma_wait3A] : memref<10240x128xf32, #tpu.memory_space<vmem_shared>> -> memref<128x128xf32, #tpu.memory_space<vmem_shared>>
      %dma_wait3A_58 = arith.constant 0 : i32
      %dma_wait3A_59 = tpu.memref_slice %arg13[%add3A_53, %dma_wait3A_58] : memref<10240x128xf32, #tpu.memory_space<vmem_shared>> -> memref<128x128xf32, #tpu.memory_space<vmem_shared>>
      tpu.wait_dma2 semaphore(%run_scoped3A : memref<!tpu.dma_semaphore, #tpu.memory_space<semaphore_mem>>) src(%dma_wait3A_59 : memref<128x128xf32, #tpu.memory_space<vmem_shared>>) dst(%arg11 : memref<128x128xf32, #tpu.memory_space<vmem>>)
      tpu.yield
    }) : () -> ()
    "tpu.region"() ({
      %run_scoped3A = tpu.sem_alloc : memref<!tpu.dma_semaphore, #tpu.memory_space<semaphore_mem>>
      %dma_start3A = arith.constant 0 : i32
      %dma_start3A_54 = tpu.memref_slice %arg6[%arg0, %add3A_53, %dma_start3A] : memref<2x10240x128xf32, #tpu.memory_space<hbm>> -> memref<1x128x128xf32, #tpu.memory_space<hbm>>
      %dma_start3A_55 = tpu.memref_squeeze %dma_start3A_54 : memref<1x128x128xf32, #tpu.memory_space<hbm>> -> memref<128x128xf32, #tpu.memory_space<hbm>>
      %dma_start3A_56 = arith.constant 0 : i32
      %dma_start3A_57 = tpu.memref_slice %arg6[%arg0, %add3A_53, %dma_start3A_56] : memref<2x10240x128xf32, #tpu.memory_space<hbm>> -> memref<1x128x128xf32, #tpu.memory_space<hbm>>
      %dma_start3A_58 = tpu.memref_squeeze %dma_start3A_57 : memref<1x128x128xf32, #tpu.memory_space<hbm>> -> memref<128x128xf32, #tpu.memory_space<hbm>>
      tpu.enqueue_dma source(%arg11 : memref<128x128xf32, #tpu.memory_space<vmem>>) target(%dma_start3A_58 : memref<128x128xf32, #tpu.memory_space<hbm>>) target_semaphore(%run_scoped3A : memref<!tpu.dma_semaphore, #tpu.memory_space<semaphore_mem>>)
      %dma_wait3A = arith.constant 0 : i32
      %dma_wait3A_59 = tpu.memref_slice %arg6[%arg0, %add3A_53, %dma_wait3A] : memref<2x10240x128xf32, #tpu.memory_space<hbm>> -> memref<1x128x128xf32, #tpu.memory_space<hbm>>
      %dma_wait3A_60 = tpu.memref_squeeze %dma_wait3A_59 : memref<1x128x128xf32, #tpu.memory_space<hbm>> -> memref<128x128xf32, #tpu.memory_space<hbm>>
      %dma_wait3A_61 = arith.constant 0 : i32
      %dma_wait3A_62 = tpu.memref_slice %arg6[%arg0, %add3A_53, %dma_wait3A_61] : memref<2x10240x128xf32, #tpu.memory_space<hbm>> -> memref<1x128x128xf32, #tpu.memory_space<hbm>>
      %dma_wait3A_63 = tpu.memref_squeeze %dma_wait3A_62 : memref<1x128x128xf32, #tpu.memory_space<hbm>> -> memref<128x128xf32, #tpu.memory_space<hbm>>
      tpu.wait_dma2 semaphore(%run_scoped3A : memref<!tpu.dma_semaphore, #tpu.memory_space<semaphore_mem>>) src(%arg11 : memref<128x128xf32, #tpu.memory_space<vmem>>) dst(%dma_wait3A_63 : memref<128x128xf32, #tpu.memory_space<hbm>>)
      tpu.yield
    }) : () -> ()
    return
  }
}

#map = affine_map<(d0, d1) -> (0, 0)>
#map1 = affine_map<(d0, d1) -> (0)>
module attributes {stable_mosaic.version = 14 : i64} {
  func.func @_gather_body(%arg0: i32, %arg1: i32, %arg2: memref<10240x128xf32, #tpu.memory_space<hbm>>, %arg3: memref<2048xi32, #tpu.memory_space<hbm>>, %arg4: memref<2048x128xf32, #tpu.memory_space<hbm>>, %arg5: memref<64xi32, #tpu.memory_space<vmem>>, %arg6: memref<64x128xf32, #tpu.memory_space<vmem>>, %arg7: memref<!tpu.dma_semaphore, #tpu.memory_space<semaphore_mem>>) attributes {dimension_semantics = [#tpu.dimension_semantics<core_parallel>, #tpu.dimension_semantics<subcore_parallel>], iteration_bounds = array<i64: 2, 16>, scalar_prefetch = 0 : i64, scratch_operands = 3 : i64, tpu.core_type = #tpu.core_type<sc_vector_subcore>, window_params = [{transform_indices = #map}, {transform_indices = #map1}, {transform_indices = #map}]} {
    %mul3A = arith.constant 128 : i32
    %mul3A_0 = arith.muli %arg1, %mul3A : i32
    %mul3A_1 = arith.constant 64 : i32
    %mul3A_2 = arith.muli %arg0, %mul3A_1 : i32
    %add3A = arith.addi %mul3A_0, %mul3A_2 : i32
    "tpu.region"() ({
      %run_scoped3A = tpu.sem_alloc : memref<!tpu.dma_semaphore, #tpu.memory_space<semaphore_mem>>
      %dma_start3A_7 = tpu.memref_slice %arg3[%add3A] : memref<2048xi32, #tpu.memory_space<hbm>> -> memref<64xi32, #tpu.memory_space<hbm>>
      %dma_start3A_8 = tpu.memref_slice %arg3[%add3A] : memref<2048xi32, #tpu.memory_space<hbm>> -> memref<64xi32, #tpu.memory_space<hbm>>
      tpu.enqueue_dma source(%dma_start3A_8 : memref<64xi32, #tpu.memory_space<hbm>>) target(%arg5 : memref<64xi32, #tpu.memory_space<vmem>>) target_semaphore(%run_scoped3A : memref<!tpu.dma_semaphore, #tpu.memory_space<semaphore_mem>>)
      %dma_wait3A_9 = tpu.memref_slice %arg3[%add3A] : memref<2048xi32, #tpu.memory_space<hbm>> -> memref<64xi32, #tpu.memory_space<hbm>>
      %dma_wait3A_10 = tpu.memref_slice %arg3[%add3A] : memref<2048xi32, #tpu.memory_space<hbm>> -> memref<64xi32, #tpu.memory_space<hbm>>
      tpu.wait_dma2 semaphore(%run_scoped3A : memref<!tpu.dma_semaphore, #tpu.memory_space<semaphore_mem>>) src(%dma_wait3A_10 : memref<64xi32, #tpu.memory_space<hbm>>) dst(%arg5 : memref<64xi32, #tpu.memory_space<vmem>>)
      tpu.yield
    }) : () -> ()
    %dma_start3A = arith.constant 0 : i32
    %dma_start3A_3 = arith.constant 0 : i32
    %dma_start3A_4 = tpu.memref_slice %arg2[%dma_start3A, %dma_start3A_3] : memref<10240x128xf32, #tpu.memory_space<hbm>> -> memref<10240x128xf32, #tpu.memory_space<hbm>>
    tpu.enqueue_indirect_dma source(%dma_start3A_4 : memref<10240x128xf32, #tpu.memory_space<hbm>>) target(%arg6 : memref<64x128xf32, #tpu.memory_space<vmem>>) offsets(%arg5 : memref<64xi32, #tpu.memory_space<vmem>>) semaphore(%arg7 : memref<!tpu.dma_semaphore, #tpu.memory_space<semaphore_mem>>)
    %dma_wait3A = arith.constant 0 : i32
    %dma_wait3A_5 = arith.constant 0 : i32
    %dma_wait3A_6 = tpu.memref_slice %arg2[%dma_wait3A, %dma_wait3A_5] : memref<10240x128xf32, #tpu.memory_space<hbm>> -> memref<10240x128xf32, #tpu.memory_space<hbm>>
    tpu.wait_indirect_dma semaphore(%arg7 : memref<!tpu.dma_semaphore, #tpu.memory_space<semaphore_mem>>) src(%dma_wait3A_6 : memref<10240x128xf32, #tpu.memory_space<hbm>>) dst(%arg6 : memref<64x128xf32, #tpu.memory_space<vmem>>)
    "tpu.region"() ({
      %run_scoped3A = tpu.sem_alloc : memref<!tpu.dma_semaphore, #tpu.memory_space<semaphore_mem>>
      %dma_start3A_7 = arith.constant 0 : i32
      %dma_start3A_8 = tpu.memref_slice %arg4[%add3A, %dma_start3A_7] : memref<2048x128xf32, #tpu.memory_space<hbm>> -> memref<64x128xf32, #tpu.memory_space<hbm>>
      %dma_start3A_9 = arith.constant 0 : i32
      %dma_start3A_10 = tpu.memref_slice %arg4[%add3A, %dma_start3A_9] : memref<2048x128xf32, #tpu.memory_space<hbm>> -> memref<64x128xf32, #tpu.memory_space<hbm>>
      tpu.enqueue_dma source(%arg6 : memref<64x128xf32, #tpu.memory_space<vmem>>) target(%dma_start3A_10 : memref<64x128xf32, #tpu.memory_space<hbm>>) target_semaphore(%run_scoped3A : memref<!tpu.dma_semaphore, #tpu.memory_space<semaphore_mem>>)
      %dma_wait3A_11 = arith.constant 0 : i32
      %dma_wait3A_12 = tpu.memref_slice %arg4[%add3A, %dma_wait3A_11] : memref<2048x128xf32, #tpu.memory_space<hbm>> -> memref<64x128xf32, #tpu.memory_space<hbm>>
      %dma_wait3A_13 = arith.constant 0 : i32
      %dma_wait3A_14 = tpu.memref_slice %arg4[%add3A, %dma_wait3A_13] : memref<2048x128xf32, #tpu.memory_space<hbm>> -> memref<64x128xf32, #tpu.memory_space<hbm>>
      tpu.wait_dma2 semaphore(%run_scoped3A : memref<!tpu.dma_semaphore, #tpu.memory_space<semaphore_mem>>) src(%arg6 : memref<64x128xf32, #tpu.memory_space<vmem>>) dst(%dma_wait3A_14 : memref<64x128xf32, #tpu.memory_space<hbm>>)
      tpu.yield
    }) : () -> ()
    return
  }
}

#map = affine_map<(d0, d1) -> (0)>
#map1 = affine_map<(d0, d1) -> (0, 0)>
#map2 = affine_map<(d0, d1) -> (0, 0, 0)>
module attributes {stable_mosaic.version = 14 : i64} {
  func.func @_cnt_body(%arg0: i32, %arg1: i32, %arg2: memref<327680xi32, #tpu.memory_space<hbm>>, %arg3: memref<128x128xf32, #tpu.memory_space<hbm>>, %arg4: memref<128x128xf32, #tpu.memory_space<hbm>>, %arg5: memref<2x10240x128xf32, #tpu.memory_space<hbm>>, %arg6: memref<128xi32, #tpu.memory_space<vmem>>, %arg7: memref<128xi32, #tpu.memory_space<vmem>>, %arg8: memref<128x128xf32, #tpu.memory_space<vmem>>, %arg9: memref<10240x128xf32, #tpu.memory_space<vmem_shared>>, %arg10: memref<!tpu.dma_semaphore, #tpu.memory_space<semaphore_mem>>) attributes {dimension_semantics = [#tpu.dimension_semantics<core_parallel>, #tpu.dimension_semantics<subcore_parallel>], iteration_bounds = array<i64: 2, 16>, scalar_prefetch = 0 : i64, scratch_operands = 5 : i64, tpu.core_type = #tpu.core_type<sc_vector_subcore>, window_params = [{transform_indices = #map}, {transform_indices = #map1}, {transform_indices = #map1}, {transform_indices = #map2}]} {
    %mul3A = arith.constant 2 : i32
    %mul3A_0 = arith.muli %arg1, %mul3A : i32
    %add3A = arith.addi %mul3A_0, %arg0 : i32
    %mul3A_1 = arith.constant 80 : i32
    %mul3A_2 = arith.muli %add3A, %mul3A_1 : i32
    %mul3A_3 = arith.constant 128 : i32
    %mul3A_4 = arith.muli %mul3A_2, %mul3A_3 : i32
    "tpu.region"() ({
      %run_scoped3A = tpu.sem_alloc : memref<!tpu.dma_semaphore, #tpu.memory_space<semaphore_mem>>
      tpu.enqueue_dma source(%arg3 : memref<128x128xf32, #tpu.memory_space<hbm>>) target(%arg8 : memref<128x128xf32, #tpu.memory_space<vmem>>) target_semaphore(%run_scoped3A : memref<!tpu.dma_semaphore, #tpu.memory_space<semaphore_mem>>)
      tpu.wait_dma2 semaphore(%run_scoped3A : memref<!tpu.dma_semaphore, #tpu.memory_space<semaphore_mem>>) src(%arg3 : memref<128x128xf32, #tpu.memory_space<hbm>>) dst(%arg8 : memref<128x128xf32, #tpu.memory_space<vmem>>)
      tpu.yield
    }) : () -> ()
    %mul3A_5 = arith.constant 640 : i32
    %mul3A_6 = arith.muli %arg1, %mul3A_5 : i32
    %add3A_7 = arith.constant 0 : i32
    %add3A_8 = arith.addi %mul3A_6, %add3A_7 : i32
    "tpu.region"() ({
      %run_scoped3A = tpu.sem_alloc : memref<!tpu.dma_semaphore, #tpu.memory_space<semaphore_mem>>
      %dma_start3A_65 = arith.constant 0 : i32
      %dma_start3A_66 = tpu.memref_slice %arg9[%add3A_8, %dma_start3A_65] : memref<10240x128xf32, #tpu.memory_space<vmem_shared>> -> memref<128x128xf32, #tpu.memory_space<vmem_shared>>
      %dma_start3A_67 = arith.constant 0 : i32
      %dma_start3A_68 = tpu.memref_slice %arg9[%add3A_8, %dma_start3A_67] : memref<10240x128xf32, #tpu.memory_space<vmem_shared>> -> memref<128x128xf32, #tpu.memory_space<vmem_shared>>
      tpu.enqueue_dma source(%arg8 : memref<128x128xf32, #tpu.memory_space<vmem>>) target(%dma_start3A_68 : memref<128x128xf32, #tpu.memory_space<vmem_shared>>) target_semaphore(%run_scoped3A : memref<!tpu.dma_semaphore, #tpu.memory_space<semaphore_mem>>)
      %dma_wait3A_69 = arith.constant 0 : i32
      %dma_wait3A_70 = tpu.memref_slice %arg9[%add3A_8, %dma_wait3A_69] : memref<10240x128xf32, #tpu.memory_space<vmem_shared>> -> memref<128x128xf32, #tpu.memory_space<vmem_shared>>
      %dma_wait3A_71 = arith.constant 0 : i32
      %dma_wait3A_72 = tpu.memref_slice %arg9[%add3A_8, %dma_wait3A_71] : memref<10240x128xf32, #tpu.memory_space<vmem_shared>> -> memref<128x128xf32, #tpu.memory_space<vmem_shared>>
      tpu.wait_dma2 semaphore(%run_scoped3A : memref<!tpu.dma_semaphore, #tpu.memory_space<semaphore_mem>>) src(%arg8 : memref<128x128xf32, #tpu.memory_space<vmem>>) dst(%dma_wait3A_72 : memref<128x128xf32, #tpu.memory_space<vmem_shared>>)
      tpu.yield
    }) : () -> ()
    %mul3A_9 = arith.constant 640 : i32
    %mul3A_10 = arith.muli %arg1, %mul3A_9 : i32
    %add3A_11 = arith.constant 128 : i32
    %add3A_12 = arith.addi %mul3A_10, %add3A_11 : i32
    "tpu.region"() ({
      %run_scoped3A = tpu.sem_alloc : memref<!tpu.dma_semaphore, #tpu.memory_space<semaphore_mem>>
      %dma_start3A_65 = arith.constant 0 : i32
      %dma_start3A_66 = tpu.memref_slice %arg9[%add3A_12, %dma_start3A_65] : memref<10240x128xf32, #tpu.memory_space<vmem_shared>> -> memref<128x128xf32, #tpu.memory_space<vmem_shared>>
      %dma_start3A_67 = arith.constant 0 : i32
      %dma_start3A_68 = tpu.memref_slice %arg9[%add3A_12, %dma_start3A_67] : memref<10240x128xf32, #tpu.memory_space<vmem_shared>> -> memref<128x128xf32, #tpu.memory_space<vmem_shared>>
      tpu.enqueue_dma source(%arg8 : memref<128x128xf32, #tpu.memory_space<vmem>>) target(%dma_start3A_68 : memref<128x128xf32, #tpu.memory_space<vmem_shared>>) target_semaphore(%run_scoped3A : memref<!tpu.dma_semaphore, #tpu.memory_space<semaphore_mem>>)
      %dma_wait3A_69 = arith.constant 0 : i32
      %dma_wait3A_70 = tpu.memref_slice %arg9[%add3A_12, %dma_wait3A_69] : memref<10240x128xf32, #tpu.memory_space<vmem_shared>> -> memref<128x128xf32, #tpu.memory_space<vmem_shared>>
      %dma_wait3A_71 = arith.constant 0 : i32
      %dma_wait3A_72 = tpu.memref_slice %arg9[%add3A_12, %dma_wait3A_71] : memref<10240x128xf32, #tpu.memory_space<vmem_shared>> -> memref<128x128xf32, #tpu.memory_space<vmem_shared>>
      tpu.wait_dma2 semaphore(%run_scoped3A : memref<!tpu.dma_semaphore, #tpu.memory_space<semaphore_mem>>) src(%arg8 : memref<128x128xf32, #tpu.memory_space<vmem>>) dst(%dma_wait3A_72 : memref<128x128xf32, #tpu.memory_space<vmem_shared>>)
      tpu.yield
    }) : () -> ()
    %mul3A_13 = arith.constant 640 : i32
    %mul3A_14 = arith.muli %arg1, %mul3A_13 : i32
    %add3A_15 = arith.constant 256 : i32
    %add3A_16 = arith.addi %mul3A_14, %add3A_15 : i32
    "tpu.region"() ({
      %run_scoped3A = tpu.sem_alloc : memref<!tpu.dma_semaphore, #tpu.memory_space<semaphore_mem>>
      %dma_start3A_65 = arith.constant 0 : i32
      %dma_start3A_66 = tpu.memref_slice %arg9[%add3A_16, %dma_start3A_65] : memref<10240x128xf32, #tpu.memory_space<vmem_shared>> -> memref<128x128xf32, #tpu.memory_space<vmem_shared>>
      %dma_start3A_67 = arith.constant 0 : i32
      %dma_start3A_68 = tpu.memref_slice %arg9[%add3A_16, %dma_start3A_67] : memref<10240x128xf32, #tpu.memory_space<vmem_shared>> -> memref<128x128xf32, #tpu.memory_space<vmem_shared>>
      tpu.enqueue_dma source(%arg8 : memref<128x128xf32, #tpu.memory_space<vmem>>) target(%dma_start3A_68 : memref<128x128xf32, #tpu.memory_space<vmem_shared>>) target_semaphore(%run_scoped3A : memref<!tpu.dma_semaphore, #tpu.memory_space<semaphore_mem>>)
      %dma_wait3A_69 = arith.constant 0 : i32
      %dma_wait3A_70 = tpu.memref_slice %arg9[%add3A_16, %dma_wait3A_69] : memref<10240x128xf32, #tpu.memory_space<vmem_shared>> -> memref<128x128xf32, #tpu.memory_space<vmem_shared>>
      %dma_wait3A_71 = arith.constant 0 : i32
      %dma_wait3A_72 = tpu.memref_slice %arg9[%add3A_16, %dma_wait3A_71] : memref<10240x128xf32, #tpu.memory_space<vmem_shared>> -> memref<128x128xf32, #tpu.memory_space<vmem_shared>>
      tpu.wait_dma2 semaphore(%run_scoped3A : memref<!tpu.dma_semaphore, #tpu.memory_space<semaphore_mem>>) src(%arg8 : memref<128x128xf32, #tpu.memory_space<vmem>>) dst(%dma_wait3A_72 : memref<128x128xf32, #tpu.memory_space<vmem_shared>>)
      tpu.yield
    }) : () -> ()
    %mul3A_17 = arith.constant 640 : i32
    %mul3A_18 = arith.muli %arg1, %mul3A_17 : i32
    %add3A_19 = arith.constant 384 : i32
    %add3A_20 = arith.addi %mul3A_18, %add3A_19 : i32
    "tpu.region"() ({
      %run_scoped3A = tpu.sem_alloc : memref<!tpu.dma_semaphore, #tpu.memory_space<semaphore_mem>>
      %dma_start3A_65 = arith.constant 0 : i32
      %dma_start3A_66 = tpu.memref_slice %arg9[%add3A_20, %dma_start3A_65] : memref<10240x128xf32, #tpu.memory_space<vmem_shared>> -> memref<128x128xf32, #tpu.memory_space<vmem_shared>>
      %dma_start3A_67 = arith.constant 0 : i32
      %dma_start3A_68 = tpu.memref_slice %arg9[%add3A_20, %dma_start3A_67] : memref<10240x128xf32, #tpu.memory_space<vmem_shared>> -> memref<128x128xf32, #tpu.memory_space<vmem_shared>>
      tpu.enqueue_dma source(%arg8 : memref<128x128xf32, #tpu.memory_space<vmem>>) target(%dma_start3A_68 : memref<128x128xf32, #tpu.memory_space<vmem_shared>>) target_semaphore(%run_scoped3A : memref<!tpu.dma_semaphore, #tpu.memory_space<semaphore_mem>>)
      %dma_wait3A_69 = arith.constant 0 : i32
      %dma_wait3A_70 = tpu.memref_slice %arg9[%add3A_20, %dma_wait3A_69] : memref<10240x128xf32, #tpu.memory_space<vmem_shared>> -> memref<128x128xf32, #tpu.memory_space<vmem_shared>>
      %dma_wait3A_71 = arith.constant 0 : i32
      %dma_wait3A_72 = tpu.memref_slice %arg9[%add3A_20, %dma_wait3A_71] : memref<10240x128xf32, #tpu.memory_space<vmem_shared>> -> memref<128x128xf32, #tpu.memory_space<vmem_shared>>
      tpu.wait_dma2 semaphore(%run_scoped3A : memref<!tpu.dma_semaphore, #tpu.memory_space<semaphore_mem>>) src(%arg8 : memref<128x128xf32, #tpu.memory_space<vmem>>) dst(%dma_wait3A_72 : memref<128x128xf32, #tpu.memory_space<vmem_shared>>)
      tpu.yield
    }) : () -> ()
    %mul3A_21 = arith.constant 640 : i32
    %mul3A_22 = arith.muli %arg1, %mul3A_21 : i32
    %add3A_23 = arith.constant 512 : i32
    %add3A_24 = arith.addi %mul3A_22, %add3A_23 : i32
    "tpu.region"() ({
      %run_scoped3A = tpu.sem_alloc : memref<!tpu.dma_semaphore, #tpu.memory_space<semaphore_mem>>
      %dma_start3A_65 = arith.constant 0 : i32
      %dma_start3A_66 = tpu.memref_slice %arg9[%add3A_24, %dma_start3A_65] : memref<10240x128xf32, #tpu.memory_space<vmem_shared>> -> memref<128x128xf32, #tpu.memory_space<vmem_shared>>
      %dma_start3A_67 = arith.constant 0 : i32
      %dma_start3A_68 = tpu.memref_slice %arg9[%add3A_24, %dma_start3A_67] : memref<10240x128xf32, #tpu.memory_space<vmem_shared>> -> memref<128x128xf32, #tpu.memory_space<vmem_shared>>
      tpu.enqueue_dma source(%arg8 : memref<128x128xf32, #tpu.memory_space<vmem>>) target(%dma_start3A_68 : memref<128x128xf32, #tpu.memory_space<vmem_shared>>) target_semaphore(%run_scoped3A : memref<!tpu.dma_semaphore, #tpu.memory_space<semaphore_mem>>)
      %dma_wait3A_69 = arith.constant 0 : i32
      %dma_wait3A_70 = tpu.memref_slice %arg9[%add3A_24, %dma_wait3A_69] : memref<10240x128xf32, #tpu.memory_space<vmem_shared>> -> memref<128x128xf32, #tpu.memory_space<vmem_shared>>
      %dma_wait3A_71 = arith.constant 0 : i32
      %dma_wait3A_72 = tpu.memref_slice %arg9[%add3A_24, %dma_wait3A_71] : memref<10240x128xf32, #tpu.memory_space<vmem_shared>> -> memref<128x128xf32, #tpu.memory_space<vmem_shared>>
      tpu.wait_dma2 semaphore(%run_scoped3A : memref<!tpu.dma_semaphore, #tpu.memory_space<semaphore_mem>>) src(%arg8 : memref<128x128xf32, #tpu.memory_space<vmem>>) dst(%dma_wait3A_72 : memref<128x128xf32, #tpu.memory_space<vmem_shared>>)
      tpu.yield
    }) : () -> ()
    "tpu.region"() ({
      %run_scoped3A = tpu.sem_alloc : memref<!tpu.dma_semaphore, #tpu.memory_space<semaphore_mem>>
      tpu.enqueue_dma source(%arg4 : memref<128x128xf32, #tpu.memory_space<hbm>>) target(%arg8 : memref<128x128xf32, #tpu.memory_space<vmem>>) target_semaphore(%run_scoped3A : memref<!tpu.dma_semaphore, #tpu.memory_space<semaphore_mem>>)
      tpu.wait_dma2 semaphore(%run_scoped3A : memref<!tpu.dma_semaphore, #tpu.memory_space<semaphore_mem>>) src(%arg4 : memref<128x128xf32, #tpu.memory_space<hbm>>) dst(%arg8 : memref<128x128xf32, #tpu.memory_space<vmem>>)
      tpu.yield
    }) : () -> ()
    %barrier3A = arith.constant 0 : index
    tpu.barrier barrier_id(%barrier3A)
    %add3A_25 = arith.constant 0 : i32
    %add3A_26 = arith.addi %mul3A_4, %add3A_25 : i32
    %dma_start3A = tpu.memref_slice %arg2[%add3A_26] : memref<327680xi32, #tpu.memory_space<hbm>> -> memref<128xi32, #tpu.memory_space<hbm>>
    %dma_start3A_27 = tpu.memref_slice %arg2[%add3A_26] : memref<327680xi32, #tpu.memory_space<hbm>> -> memref<128xi32, #tpu.memory_space<hbm>>
    tpu.enqueue_dma source(%dma_start3A_27 : memref<128xi32, #tpu.memory_space<hbm>>) target(%arg6 : memref<128xi32, #tpu.memory_space<vmem>>) target_semaphore(%arg10 : memref<!tpu.dma_semaphore, #tpu.memory_space<semaphore_mem>>)
    %add3A_28 = arith.constant 128 : i32
    %add3A_29 = arith.addi %mul3A_4, %add3A_28 : i32
    %dma_start3A_30 = tpu.memref_slice %arg2[%add3A_29] : memref<327680xi32, #tpu.memory_space<hbm>> -> memref<128xi32, #tpu.memory_space<hbm>>
    %dma_start3A_31 = tpu.memref_slice %arg2[%add3A_29] : memref<327680xi32, #tpu.memory_space<hbm>> -> memref<128xi32, #tpu.memory_space<hbm>>
    tpu.enqueue_dma source(%dma_start3A_31 : memref<128xi32, #tpu.memory_space<hbm>>) target(%arg7 : memref<128xi32, #tpu.memory_space<vmem>>) target_semaphore(%arg10 : memref<!tpu.dma_semaphore, #tpu.memory_space<semaphore_mem>>)
    %scan3A = arith.constant 0 : i32
    %scan3A_32 = arith.constant 0 : i32
    %scan3A_33 = arith.constant 39 : i32
    %scan3A_34 = arith.addi %scan3A_32, %scan3A_33 : i32
    %scan3A_35 = arith.constant 1 : i32
    scf.for %scan3A_65 = %scan3A_32 to %scan3A_34 step %scan3A_35  : i32 {
      %dma_wait3A_66 = arith.constant 0 : i32
      %dma_wait3A_67 = tpu.memref_slice %arg2[%dma_wait3A_66] : memref<327680xi32, #tpu.memory_space<hbm>> -> memref<128xi32, #tpu.memory_space<hbm>>
      %dma_wait3A_68 = arith.constant 0 : i32
      %dma_wait3A_69 = tpu.memref_slice %arg2[%dma_wait3A_68] : memref<327680xi32, #tpu.memory_space<hbm>> -> memref<128xi32, #tpu.memory_space<hbm>>
      tpu.wait_dma2 semaphore(%arg10 : memref<!tpu.dma_semaphore, #tpu.memory_space<semaphore_mem>>) src(%dma_wait3A_69 : memref<128xi32, #tpu.memory_space<hbm>>) dst(%arg6 : memref<128xi32, #tpu.memory_space<vmem>>)
      "tpu.region"() ({
        %run_scoped3A = tpu.sem_alloc : memref<!tpu.dma_semaphore, #tpu.memory_space<semaphore_mem>>
        %dma_start3A_92 = arith.constant 0 : i32
        %dma_start3A_93 = arith.constant 0 : i32
        %dma_start3A_94 = tpu.memref_slice %arg9[%dma_start3A_92, %dma_start3A_93] : memref<10240x128xf32, #tpu.memory_space<vmem_shared>> -> memref<10240x128xf32, #tpu.memory_space<vmem_shared>>
        tpu.enqueue_indirect_dma source(%arg8 : memref<128x128xf32, #tpu.memory_space<vmem>>) target(%dma_start3A_94 : memref<10240x128xf32, #tpu.memory_space<vmem_shared>>) offsets(%arg6 : memref<128xi32, #tpu.memory_space<vmem>>) semaphore(%run_scoped3A : memref<!tpu.dma_semaphore, #tpu.memory_space<semaphore_mem>>) {add = true}
        %dma_wait3A_95 = arith.constant 0 : i32
        %dma_wait3A_96 = arith.constant 0 : i32
        %dma_wait3A_97 = tpu.memref_slice %arg9[%dma_wait3A_95, %dma_wait3A_96] : memref<10240x128xf32, #tpu.memory_space<vmem_shared>> -> memref<10240x128xf32, #tpu.memory_space<vmem_shared>>
        tpu.wait_indirect_dma semaphore(%run_scoped3A : memref<!tpu.dma_semaphore, #tpu.memory_space<semaphore_mem>>) src(%arg8 : memref<128x128xf32, #tpu.memory_space<vmem>>) dst(%dma_wait3A_97 : memref<10240x128xf32, #tpu.memory_space<vmem_shared>>)
        tpu.yield
      }) : () -> ()
      %mul3A_70 = arith.constant 2 : i32
      %mul3A_71 = arith.muli %mul3A_70, %scan3A_65 : i32
      %add3A_72 = arith.constant 2 : i32
      %add3A_73 = arith.addi %mul3A_71, %add3A_72 : i32
      %mul3A_74 = arith.constant 128 : i32
      %mul3A_75 = arith.muli %add3A_73, %mul3A_74 : i32
      %add3A_76 = arith.addi %mul3A_4, %mul3A_75 : i32
      %dma_start3A_77 = tpu.memref_slice %arg2[%add3A_76] : memref<327680xi32, #tpu.memory_space<hbm>> -> memref<128xi32, #tpu.memory_space<hbm>>
      %dma_start3A_78 = tpu.memref_slice %arg2[%add3A_76] : memref<327680xi32, #tpu.memory_space<hbm>> -> memref<128xi32, #tpu.memory_space<hbm>>
      tpu.enqueue_dma source(%dma_start3A_78 : memref<128xi32, #tpu.memory_space<hbm>>) target(%arg6 : memref<128xi32, #tpu.memory_space<vmem>>) target_semaphore(%arg10 : memref<!tpu.dma_semaphore, #tpu.memory_space<semaphore_mem>>)
      %dma_wait3A_79 = arith.constant 0 : i32
      %dma_wait3A_80 = tpu.memref_slice %arg2[%dma_wait3A_79] : memref<327680xi32, #tpu.memory_space<hbm>> -> memref<128xi32, #tpu.memory_space<hbm>>
      %dma_wait3A_81 = arith.constant 0 : i32
      %dma_wait3A_82 = tpu.memref_slice %arg2[%dma_wait3A_81] : memref<327680xi32, #tpu.memory_space<hbm>> -> memref<128xi32, #tpu.memory_space<hbm>>
      tpu.wait_dma2 semaphore(%arg10 : memref<!tpu.dma_semaphore, #tpu.memory_space<semaphore_mem>>) src(%dma_wait3A_82 : memref<128xi32, #tpu.memory_space<hbm>>) dst(%arg7 : memref<128xi32, #tpu.memory_space<vmem>>)
      "tpu.region"() ({
        %run_scoped3A = tpu.sem_alloc : memref<!tpu.dma_semaphore, #tpu.memory_space<semaphore_mem>>
        %dma_start3A_92 = arith.constant 0 : i32
        %dma_start3A_93 = arith.constant 0 : i32
        %dma_start3A_94 = tpu.memref_slice %arg9[%dma_start3A_92, %dma_start3A_93] : memref<10240x128xf32, #tpu.memory_space<vmem_shared>> -> memref<10240x128xf32, #tpu.memory_space<vmem_shared>>
        tpu.enqueue_indirect_dma source(%arg8 : memref<128x128xf32, #tpu.memory_space<vmem>>) target(%dma_start3A_94 : memref<10240x128xf32, #tpu.memory_space<vmem_shared>>) offsets(%arg7 : memref<128xi32, #tpu.memory_space<vmem>>) semaphore(%run_scoped3A : memref<!tpu.dma_semaphore, #tpu.memory_space<semaphore_mem>>) {add = true}
        %dma_wait3A_95 = arith.constant 0 : i32
        %dma_wait3A_96 = arith.constant 0 : i32
        %dma_wait3A_97 = tpu.memref_slice %arg9[%dma_wait3A_95, %dma_wait3A_96] : memref<10240x128xf32, #tpu.memory_space<vmem_shared>> -> memref<10240x128xf32, #tpu.memory_space<vmem_shared>>
        tpu.wait_indirect_dma semaphore(%run_scoped3A : memref<!tpu.dma_semaphore, #tpu.memory_space<semaphore_mem>>) src(%arg8 : memref<128x128xf32, #tpu.memory_space<vmem>>) dst(%dma_wait3A_97 : memref<10240x128xf32, #tpu.memory_space<vmem_shared>>)
        tpu.yield
      }) : () -> ()
      %mul3A_83 = arith.constant 2 : i32
      %mul3A_84 = arith.muli %mul3A_83, %scan3A_65 : i32
      %add3A_85 = arith.constant 3 : i32
      %add3A_86 = arith.addi %mul3A_84, %add3A_85 : i32
      %mul3A_87 = arith.constant 128 : i32
      %mul3A_88 = arith.muli %add3A_86, %mul3A_87 : i32
      %add3A_89 = arith.addi %mul3A_4, %mul3A_88 : i32
      %dma_start3A_90 = tpu.memref_slice %arg2[%add3A_89] : memref<327680xi32, #tpu.memory_space<hbm>> -> memref<128xi32, #tpu.memory_space<hbm>>
      %dma_start3A_91 = tpu.memref_slice %arg2[%add3A_89] : memref<327680xi32, #tpu.memory_space<hbm>> -> memref<128xi32, #tpu.memory_space<hbm>>
      tpu.enqueue_dma source(%dma_start3A_91 : memref<128xi32, #tpu.memory_space<hbm>>) target(%arg7 : memref<128xi32, #tpu.memory_space<vmem>>) target_semaphore(%arg10 : memref<!tpu.dma_semaphore, #tpu.memory_space<semaphore_mem>>)
    }
    %scan3A_36 = arith.constant 39 : i32
    %dma_wait3A = arith.constant 0 : i32
    %dma_wait3A_37 = tpu.memref_slice %arg2[%dma_wait3A] : memref<327680xi32, #tpu.memory_space<hbm>> -> memref<128xi32, #tpu.memory_space<hbm>>
    %dma_wait3A_38 = arith.constant 0 : i32
    %dma_wait3A_39 = tpu.memref_slice %arg2[%dma_wait3A_38] : memref<327680xi32, #tpu.memory_space<hbm>> -> memref<128xi32, #tpu.memory_space<hbm>>
    tpu.wait_dma2 semaphore(%arg10 : memref<!tpu.dma_semaphore, #tpu.memory_space<semaphore_mem>>) src(%dma_wait3A_39 : memref<128xi32, #tpu.memory_space<hbm>>) dst(%arg6 : memref<128xi32, #tpu.memory_space<vmem>>)
    "tpu.region"() ({
      %run_scoped3A = tpu.sem_alloc : memref<!tpu.dma_semaphore, #tpu.memory_space<semaphore_mem>>
      %dma_start3A_65 = arith.constant 0 : i32
      %dma_start3A_66 = arith.constant 0 : i32
      %dma_start3A_67 = tpu.memref_slice %arg9[%dma_start3A_65, %dma_start3A_66] : memref<10240x128xf32, #tpu.memory_space<vmem_shared>> -> memref<10240x128xf32, #tpu.memory_space<vmem_shared>>
      tpu.enqueue_indirect_dma source(%arg8 : memref<128x128xf32, #tpu.memory_space<vmem>>) target(%dma_start3A_67 : memref<10240x128xf32, #tpu.memory_space<vmem_shared>>) offsets(%arg6 : memref<128xi32, #tpu.memory_space<vmem>>) semaphore(%run_scoped3A : memref<!tpu.dma_semaphore, #tpu.memory_space<semaphore_mem>>) {add = true}
      %dma_wait3A_68 = arith.constant 0 : i32
      %dma_wait3A_69 = arith.constant 0 : i32
      %dma_wait3A_70 = tpu.memref_slice %arg9[%dma_wait3A_68, %dma_wait3A_69] : memref<10240x128xf32, #tpu.memory_space<vmem_shared>> -> memref<10240x128xf32, #tpu.memory_space<vmem_shared>>
      tpu.wait_indirect_dma semaphore(%run_scoped3A : memref<!tpu.dma_semaphore, #tpu.memory_space<semaphore_mem>>) src(%arg8 : memref<128x128xf32, #tpu.memory_space<vmem>>) dst(%dma_wait3A_70 : memref<10240x128xf32, #tpu.memory_space<vmem_shared>>)
      tpu.yield
    }) : () -> ()
    %dma_wait3A_40 = arith.constant 0 : i32
    %dma_wait3A_41 = tpu.memref_slice %arg2[%dma_wait3A_40] : memref<327680xi32, #tpu.memory_space<hbm>> -> memref<128xi32, #tpu.memory_space<hbm>>
    %dma_wait3A_42 = arith.constant 0 : i32
    %dma_wait3A_43 = tpu.memref_slice %arg2[%dma_wait3A_42] : memref<327680xi32, #tpu.memory_space<hbm>> -> memref<128xi32, #tpu.memory_space<hbm>>
    tpu.wait_dma2 semaphore(%arg10 : memref<!tpu.dma_semaphore, #tpu.memory_space<semaphore_mem>>) src(%dma_wait3A_43 : memref<128xi32, #tpu.memory_space<hbm>>) dst(%arg7 : memref<128xi32, #tpu.memory_space<vmem>>)
    "tpu.region"() ({
      %run_scoped3A = tpu.sem_alloc : memref<!tpu.dma_semaphore, #tpu.memory_space<semaphore_mem>>
      %dma_start3A_65 = arith.constant 0 : i32
      %dma_start3A_66 = arith.constant 0 : i32
      %dma_start3A_67 = tpu.memref_slice %arg9[%dma_start3A_65, %dma_start3A_66] : memref<10240x128xf32, #tpu.memory_space<vmem_shared>> -> memref<10240x128xf32, #tpu.memory_space<vmem_shared>>
      tpu.enqueue_indirect_dma source(%arg8 : memref<128x128xf32, #tpu.memory_space<vmem>>) target(%dma_start3A_67 : memref<10240x128xf32, #tpu.memory_space<vmem_shared>>) offsets(%arg7 : memref<128xi32, #tpu.memory_space<vmem>>) semaphore(%run_scoped3A : memref<!tpu.dma_semaphore, #tpu.memory_space<semaphore_mem>>) {add = true}
      %dma_wait3A_68 = arith.constant 0 : i32
      %dma_wait3A_69 = arith.constant 0 : i32
      %dma_wait3A_70 = tpu.memref_slice %arg9[%dma_wait3A_68, %dma_wait3A_69] : memref<10240x128xf32, #tpu.memory_space<vmem_shared>> -> memref<10240x128xf32, #tpu.memory_space<vmem_shared>>
      tpu.wait_indirect_dma semaphore(%run_scoped3A : memref<!tpu.dma_semaphore, #tpu.memory_space<semaphore_mem>>) src(%arg8 : memref<128x128xf32, #tpu.memory_space<vmem>>) dst(%dma_wait3A_70 : memref<10240x128xf32, #tpu.memory_space<vmem_shared>>)
      tpu.yield
    }) : () -> ()
    %barrier3A_44 = arith.constant 0 : index
    tpu.barrier barrier_id(%barrier3A_44)
    %mul3A_45 = arith.constant 640 : i32
    %mul3A_46 = arith.muli %arg1, %mul3A_45 : i32
    %add3A_47 = arith.constant 0 : i32
    %add3A_48 = arith.addi %mul3A_46, %add3A_47 : i32
    "tpu.region"() ({
      %run_scoped3A = tpu.sem_alloc : memref<!tpu.dma_semaphore, #tpu.memory_space<semaphore_mem>>
      %dma_start3A_65 = arith.constant 0 : i32
      %dma_start3A_66 = tpu.memref_slice %arg9[%add3A_48, %dma_start3A_65] : memref<10240x128xf32, #tpu.memory_space<vmem_shared>> -> memref<128x128xf32, #tpu.memory_space<vmem_shared>>
      %dma_start3A_67 = arith.constant 0 : i32
      %dma_start3A_68 = tpu.memref_slice %arg9[%add3A_48, %dma_start3A_67] : memref<10240x128xf32, #tpu.memory_space<vmem_shared>> -> memref<128x128xf32, #tpu.memory_space<vmem_shared>>
      tpu.enqueue_dma source(%dma_start3A_68 : memref<128x128xf32, #tpu.memory_space<vmem_shared>>) target(%arg8 : memref<128x128xf32, #tpu.memory_space<vmem>>) target_semaphore(%run_scoped3A : memref<!tpu.dma_semaphore, #tpu.memory_space<semaphore_mem>>)
      %dma_wait3A_69 = arith.constant 0 : i32
      %dma_wait3A_70 = tpu.memref_slice %arg9[%add3A_48, %dma_wait3A_69] : memref<10240x128xf32, #tpu.memory_space<vmem_shared>> -> memref<128x128xf32, #tpu.memory_space<vmem_shared>>
      %dma_wait3A_71 = arith.constant 0 : i32
      %dma_wait3A_72 = tpu.memref_slice %arg9[%add3A_48, %dma_wait3A_71] : memref<10240x128xf32, #tpu.memory_space<vmem_shared>> -> memref<128x128xf32, #tpu.memory_space<vmem_shared>>
      tpu.wait_dma2 semaphore(%run_scoped3A : memref<!tpu.dma_semaphore, #tpu.memory_space<semaphore_mem>>) src(%dma_wait3A_72 : memref<128x128xf32, #tpu.memory_space<vmem_shared>>) dst(%arg8 : memref<128x128xf32, #tpu.memory_space<vmem>>)
      tpu.yield
    }) : () -> ()
    "tpu.region"() ({
      %run_scoped3A = tpu.sem_alloc : memref<!tpu.dma_semaphore, #tpu.memory_space<semaphore_mem>>
      %dma_start3A_65 = arith.constant 0 : i32
      %dma_start3A_66 = tpu.memref_slice %arg5[%arg0, %add3A_48, %dma_start3A_65] : memref<2x10240x128xf32, #tpu.memory_space<hbm>> -> memref<1x128x128xf32, #tpu.memory_space<hbm>>
      %dma_start3A_67 = tpu.memref_squeeze %dma_start3A_66 : memref<1x128x128xf32, #tpu.memory_space<hbm>> -> memref<128x128xf32, #tpu.memory_space<hbm>>
      %dma_start3A_68 = arith.constant 0 : i32
      %dma_start3A_69 = tpu.memref_slice %arg5[%arg0, %add3A_48, %dma_start3A_68] : memref<2x10240x128xf32, #tpu.memory_space<hbm>> -> memref<1x128x128xf32, #tpu.memory_space<hbm>>
      %dma_start3A_70 = tpu.memref_squeeze %dma_start3A_69 : memref<1x128x128xf32, #tpu.memory_space<hbm>> -> memref<128x128xf32, #tpu.memory_space<hbm>>
      tpu.enqueue_dma source(%arg8 : memref<128x128xf32, #tpu.memory_space<vmem>>) target(%dma_start3A_70 : memref<128x128xf32, #tpu.memory_space<hbm>>) target_semaphore(%run_scoped3A : memref<!tpu.dma_semaphore, #tpu.memory_space<semaphore_mem>>)
      %dma_wait3A_71 = arith.constant 0 : i32
      %dma_wait3A_72 = tpu.memref_slice %arg5[%arg0, %add3A_48, %dma_wait3A_71] : memref<2x10240x128xf32, #tpu.memory_space<hbm>> -> memref<1x128x128xf32, #tpu.memory_space<hbm>>
      %dma_wait3A_73 = tpu.memref_squeeze %dma_wait3A_72 : memref<1x128x128xf32, #tpu.memory_space<hbm>> -> memref<128x128xf32, #tpu.memory_space<hbm>>
      %dma_wait3A_74 = arith.constant 0 : i32
      %dma_wait3A_75 = tpu.memref_slice %arg5[%arg0, %add3A_48, %dma_wait3A_74] : memref<2x10240x128xf32, #tpu.memory_space<hbm>> -> memref<1x128x128xf32, #tpu.memory_space<hbm>>
      %dma_wait3A_76 = tpu.memref_squeeze %dma_wait3A_75 : memref<1x128x128xf32, #tpu.memory_space<hbm>> -> memref<128x128xf32, #tpu.memory_space<hbm>>
      tpu.wait_dma2 semaphore(%run_scoped3A : memref<!tpu.dma_semaphore, #tpu.memory_space<semaphore_mem>>) src(%arg8 : memref<128x128xf32, #tpu.memory_space<vmem>>) dst(%dma_wait3A_76 : memref<128x128xf32, #tpu.memory_space<hbm>>)
      tpu.yield
    }) : () -> ()
    %mul3A_49 = arith.constant 640 : i32
    %mul3A_50 = arith.muli %arg1, %mul3A_49 : i32
    %add3A_51 = arith.constant 128 : i32
    %add3A_52 = arith.addi %mul3A_50, %add3A_51 : i32
    "tpu.region"() ({
      %run_scoped3A = tpu.sem_alloc : memref<!tpu.dma_semaphore, #tpu.memory_space<semaphore_mem>>
      %dma_start3A_65 = arith.constant 0 : i32
      %dma_start3A_66 = tpu.memref_slice %arg9[%add3A_52, %dma_start3A_65] : memref<10240x128xf32, #tpu.memory_space<vmem_shared>> -> memref<128x128xf32, #tpu.memory_space<vmem_shared>>
      %dma_start3A_67 = arith.constant 0 : i32
      %dma_start3A_68 = tpu.memref_slice %arg9[%add3A_52, %dma_start3A_67] : memref<10240x128xf32, #tpu.memory_space<vmem_shared>> -> memref<128x128xf32, #tpu.memory_space<vmem_shared>>
      tpu.enqueue_dma source(%dma_start3A_68 : memref<128x128xf32, #tpu.memory_space<vmem_shared>>) target(%arg8 : memref<128x128xf32, #tpu.memory_space<vmem>>) target_semaphore(%run_scoped3A : memref<!tpu.dma_semaphore, #tpu.memory_space<semaphore_mem>>)
      %dma_wait3A_69 = arith.constant 0 : i32
      %dma_wait3A_70 = tpu.memref_slice %arg9[%add3A_52, %dma_wait3A_69] : memref<10240x128xf32, #tpu.memory_space<vmem_shared>> -> memref<128x128xf32, #tpu.memory_space<vmem_shared>>
      %dma_wait3A_71 = arith.constant 0 : i32
      %dma_wait3A_72 = tpu.memref_slice %arg9[%add3A_52, %dma_wait3A_71] : memref<10240x128xf32, #tpu.memory_space<vmem_shared>> -> memref<128x128xf32, #tpu.memory_space<vmem_shared>>
      tpu.wait_dma2 semaphore(%run_scoped3A : memref<!tpu.dma_semaphore, #tpu.memory_space<semaphore_mem>>) src(%dma_wait3A_72 : memref<128x128xf32, #tpu.memory_space<vmem_shared>>) dst(%arg8 : memref<128x128xf32, #tpu.memory_space<vmem>>)
      tpu.yield
    }) : () -> ()
    "tpu.region"() ({
      %run_scoped3A = tpu.sem_alloc : memref<!tpu.dma_semaphore, #tpu.memory_space<semaphore_mem>>
      %dma_start3A_65 = arith.constant 0 : i32
      %dma_start3A_66 = tpu.memref_slice %arg5[%arg0, %add3A_52, %dma_start3A_65] : memref<2x10240x128xf32, #tpu.memory_space<hbm>> -> memref<1x128x128xf32, #tpu.memory_space<hbm>>
      %dma_start3A_67 = tpu.memref_squeeze %dma_start3A_66 : memref<1x128x128xf32, #tpu.memory_space<hbm>> -> memref<128x128xf32, #tpu.memory_space<hbm>>
      %dma_start3A_68 = arith.constant 0 : i32
      %dma_start3A_69 = tpu.memref_slice %arg5[%arg0, %add3A_52, %dma_start3A_68] : memref<2x10240x128xf32, #tpu.memory_space<hbm>> -> memref<1x128x128xf32, #tpu.memory_space<hbm>>
      %dma_start3A_70 = tpu.memref_squeeze %dma_start3A_69 : memref<1x128x128xf32, #tpu.memory_space<hbm>> -> memref<128x128xf32, #tpu.memory_space<hbm>>
      tpu.enqueue_dma source(%arg8 : memref<128x128xf32, #tpu.memory_space<vmem>>) target(%dma_start3A_70 : memref<128x128xf32, #tpu.memory_space<hbm>>) target_semaphore(%run_scoped3A : memref<!tpu.dma_semaphore, #tpu.memory_space<semaphore_mem>>)
      %dma_wait3A_71 = arith.constant 0 : i32
      %dma_wait3A_72 = tpu.memref_slice %arg5[%arg0, %add3A_52, %dma_wait3A_71] : memref<2x10240x128xf32, #tpu.memory_space<hbm>> -> memref<1x128x128xf32, #tpu.memory_space<hbm>>
      %dma_wait3A_73 = tpu.memref_squeeze %dma_wait3A_72 : memref<1x128x128xf32, #tpu.memory_space<hbm>> -> memref<128x128xf32, #tpu.memory_space<hbm>>
      %dma_wait3A_74 = arith.constant 0 : i32
      %dma_wait3A_75 = tpu.memref_slice %arg5[%arg0, %add3A_52, %dma_wait3A_74] : memref<2x10240x128xf32, #tpu.memory_space<hbm>> -> memref<1x128x128xf32, #tpu.memory_space<hbm>>
      %dma_wait3A_76 = tpu.memref_squeeze %dma_wait3A_75 : memref<1x128x128xf32, #tpu.memory_space<hbm>> -> memref<128x128xf32, #tpu.memory_space<hbm>>
      tpu.wait_dma2 semaphore(%run_scoped3A : memref<!tpu.dma_semaphore, #tpu.memory_space<semaphore_mem>>) src(%arg8 : memref<128x128xf32, #tpu.memory_space<vmem>>) dst(%dma_wait3A_76 : memref<128x128xf32, #tpu.memory_space<hbm>>)
      tpu.yield
    }) : () -> ()
    %mul3A_53 = arith.constant 640 : i32
    %mul3A_54 = arith.muli %arg1, %mul3A_53 : i32
    %add3A_55 = arith.constant 256 : i32
    %add3A_56 = arith.addi %mul3A_54, %add3A_55 : i32
    "tpu.region"() ({
      %run_scoped3A = tpu.sem_alloc : memref<!tpu.dma_semaphore, #tpu.memory_space<semaphore_mem>>
      %dma_start3A_65 = arith.constant 0 : i32
      %dma_start3A_66 = tpu.memref_slice %arg9[%add3A_56, %dma_start3A_65] : memref<10240x128xf32, #tpu.memory_space<vmem_shared>> -> memref<128x128xf32, #tpu.memory_space<vmem_shared>>
      %dma_start3A_67 = arith.constant 0 : i32
      %dma_start3A_68 = tpu.memref_slice %arg9[%add3A_56, %dma_start3A_67] : memref<10240x128xf32, #tpu.memory_space<vmem_shared>> -> memref<128x128xf32, #tpu.memory_space<vmem_shared>>
      tpu.enqueue_dma source(%dma_start3A_68 : memref<128x128xf32, #tpu.memory_space<vmem_shared>>) target(%arg8 : memref<128x128xf32, #tpu.memory_space<vmem>>) target_semaphore(%run_scoped3A : memref<!tpu.dma_semaphore, #tpu.memory_space<semaphore_mem>>)
      %dma_wait3A_69 = arith.constant 0 : i32
      %dma_wait3A_70 = tpu.memref_slice %arg9[%add3A_56, %dma_wait3A_69] : memref<10240x128xf32, #tpu.memory_space<vmem_shared>> -> memref<128x128xf32, #tpu.memory_space<vmem_shared>>
      %dma_wait3A_71 = arith.constant 0 : i32
      %dma_wait3A_72 = tpu.memref_slice %arg9[%add3A_56, %dma_wait3A_71] : memref<10240x128xf32, #tpu.memory_space<vmem_shared>> -> memref<128x128xf32, #tpu.memory_space<vmem_shared>>
      tpu.wait_dma2 semaphore(%run_scoped3A : memref<!tpu.dma_semaphore, #tpu.memory_space<semaphore_mem>>) src(%dma_wait3A_72 : memref<128x128xf32, #tpu.memory_space<vmem_shared>>) dst(%arg8 : memref<128x128xf32, #tpu.memory_space<vmem>>)
      tpu.yield
    }) : () -> ()
    "tpu.region"() ({
      %run_scoped3A = tpu.sem_alloc : memref<!tpu.dma_semaphore, #tpu.memory_space<semaphore_mem>>
      %dma_start3A_65 = arith.constant 0 : i32
      %dma_start3A_66 = tpu.memref_slice %arg5[%arg0, %add3A_56, %dma_start3A_65] : memref<2x10240x128xf32, #tpu.memory_space<hbm>> -> memref<1x128x128xf32, #tpu.memory_space<hbm>>
      %dma_start3A_67 = tpu.memref_squeeze %dma_start3A_66 : memref<1x128x128xf32, #tpu.memory_space<hbm>> -> memref<128x128xf32, #tpu.memory_space<hbm>>
      %dma_start3A_68 = arith.constant 0 : i32
      %dma_start3A_69 = tpu.memref_slice %arg5[%arg0, %add3A_56, %dma_start3A_68] : memref<2x10240x128xf32, #tpu.memory_space<hbm>> -> memref<1x128x128xf32, #tpu.memory_space<hbm>>
      %dma_start3A_70 = tpu.memref_squeeze %dma_start3A_69 : memref<1x128x128xf32, #tpu.memory_space<hbm>> -> memref<128x128xf32, #tpu.memory_space<hbm>>
      tpu.enqueue_dma source(%arg8 : memref<128x128xf32, #tpu.memory_space<vmem>>) target(%dma_start3A_70 : memref<128x128xf32, #tpu.memory_space<hbm>>) target_semaphore(%run_scoped3A : memref<!tpu.dma_semaphore, #tpu.memory_space<semaphore_mem>>)
      %dma_wait3A_71 = arith.constant 0 : i32
      %dma_wait3A_72 = tpu.memref_slice %arg5[%arg0, %add3A_56, %dma_wait3A_71] : memref<2x10240x128xf32, #tpu.memory_space<hbm>> -> memref<1x128x128xf32, #tpu.memory_space<hbm>>
      %dma_wait3A_73 = tpu.memref_squeeze %dma_wait3A_72 : memref<1x128x128xf32, #tpu.memory_space<hbm>> -> memref<128x128xf32, #tpu.memory_space<hbm>>
      %dma_wait3A_74 = arith.constant 0 : i32
      %dma_wait3A_75 = tpu.memref_slice %arg5[%arg0, %add3A_56, %dma_wait3A_74] : memref<2x10240x128xf32, #tpu.memory_space<hbm>> -> memref<1x128x128xf32, #tpu.memory_space<hbm>>
      %dma_wait3A_76 = tpu.memref_squeeze %dma_wait3A_75 : memref<1x128x128xf32, #tpu.memory_space<hbm>> -> memref<128x128xf32, #tpu.memory_space<hbm>>
      tpu.wait_dma2 semaphore(%run_scoped3A : memref<!tpu.dma_semaphore, #tpu.memory_space<semaphore_mem>>) src(%arg8 : memref<128x128xf32, #tpu.memory_space<vmem>>) dst(%dma_wait3A_76 : memref<128x128xf32, #tpu.memory_space<hbm>>)
      tpu.yield
    }) : () -> ()
    %mul3A_57 = arith.constant 640 : i32
    %mul3A_58 = arith.muli %arg1, %mul3A_57 : i32
    %add3A_59 = arith.constant 384 : i32
    %add3A_60 = arith.addi %mul3A_58, %add3A_59 : i32
    "tpu.region"() ({
      %run_scoped3A = tpu.sem_alloc : memref<!tpu.dma_semaphore, #tpu.memory_space<semaphore_mem>>
      %dma_start3A_65 = arith.constant 0 : i32
      %dma_start3A_66 = tpu.memref_slice %arg9[%add3A_60, %dma_start3A_65] : memref<10240x128xf32, #tpu.memory_space<vmem_shared>> -> memref<128x128xf32, #tpu.memory_space<vmem_shared>>
      %dma_start3A_67 = arith.constant 0 : i32
      %dma_start3A_68 = tpu.memref_slice %arg9[%add3A_60, %dma_start3A_67] : memref<10240x128xf32, #tpu.memory_space<vmem_shared>> -> memref<128x128xf32, #tpu.memory_space<vmem_shared>>
      tpu.enqueue_dma source(%dma_start3A_68 : memref<128x128xf32, #tpu.memory_space<vmem_shared>>) target(%arg8 : memref<128x128xf32, #tpu.memory_space<vmem>>) target_semaphore(%run_scoped3A : memref<!tpu.dma_semaphore, #tpu.memory_space<semaphore_mem>>)
      %dma_wait3A_69 = arith.constant 0 : i32
      %dma_wait3A_70 = tpu.memref_slice %arg9[%add3A_60, %dma_wait3A_69] : memref<10240x128xf32, #tpu.memory_space<vmem_shared>> -> memref<128x128xf32, #tpu.memory_space<vmem_shared>>
      %dma_wait3A_71 = arith.constant 0 : i32
      %dma_wait3A_72 = tpu.memref_slice %arg9[%add3A_60, %dma_wait3A_71] : memref<10240x128xf32, #tpu.memory_space<vmem_shared>> -> memref<128x128xf32, #tpu.memory_space<vmem_shared>>
      tpu.wait_dma2 semaphore(%run_scoped3A : memref<!tpu.dma_semaphore, #tpu.memory_space<semaphore_mem>>) src(%dma_wait3A_72 : memref<128x128xf32, #tpu.memory_space<vmem_shared>>) dst(%arg8 : memref<128x128xf32, #tpu.memory_space<vmem>>)
      tpu.yield
    }) : () -> ()
    "tpu.region"() ({
      %run_scoped3A = tpu.sem_alloc : memref<!tpu.dma_semaphore, #tpu.memory_space<semaphore_mem>>
      %dma_start3A_65 = arith.constant 0 : i32
      %dma_start3A_66 = tpu.memref_slice %arg5[%arg0, %add3A_60, %dma_start3A_65] : memref<2x10240x128xf32, #tpu.memory_space<hbm>> -> memref<1x128x128xf32, #tpu.memory_space<hbm>>
      %dma_start3A_67 = tpu.memref_squeeze %dma_start3A_66 : memref<1x128x128xf32, #tpu.memory_space<hbm>> -> memref<128x128xf32, #tpu.memory_space<hbm>>
      %dma_start3A_68 = arith.constant 0 : i32
      %dma_start3A_69 = tpu.memref_slice %arg5[%arg0, %add3A_60, %dma_start3A_68] : memref<2x10240x128xf32, #tpu.memory_space<hbm>> -> memref<1x128x128xf32, #tpu.memory_space<hbm>>
      %dma_start3A_70 = tpu.memref_squeeze %dma_start3A_69 : memref<1x128x128xf32, #tpu.memory_space<hbm>> -> memref<128x128xf32, #tpu.memory_space<hbm>>
      tpu.enqueue_dma source(%arg8 : memref<128x128xf32, #tpu.memory_space<vmem>>) target(%dma_start3A_70 : memref<128x128xf32, #tpu.memory_space<hbm>>) target_semaphore(%run_scoped3A : memref<!tpu.dma_semaphore, #tpu.memory_space<semaphore_mem>>)
      %dma_wait3A_71 = arith.constant 0 : i32
      %dma_wait3A_72 = tpu.memref_slice %arg5[%arg0, %add3A_60, %dma_wait3A_71] : memref<2x10240x128xf32, #tpu.memory_space<hbm>> -> memref<1x128x128xf32, #tpu.memory_space<hbm>>
      %dma_wait3A_73 = tpu.memref_squeeze %dma_wait3A_72 : memref<1x128x128xf32, #tpu.memory_space<hbm>> -> memref<128x128xf32, #tpu.memory_space<hbm>>
      %dma_wait3A_74 = arith.constant 0 : i32
      %dma_wait3A_75 = tpu.memref_slice %arg5[%arg0, %add3A_60, %dma_wait3A_74] : memref<2x10240x128xf32, #tpu.memory_space<hbm>> -> memref<1x128x128xf32, #tpu.memory_space<hbm>>
      %dma_wait3A_76 = tpu.memref_squeeze %dma_wait3A_75 : memref<1x128x128xf32, #tpu.memory_space<hbm>> -> memref<128x128xf32, #tpu.memory_space<hbm>>
      tpu.wait_dma2 semaphore(%run_scoped3A : memref<!tpu.dma_semaphore, #tpu.memory_space<semaphore_mem>>) src(%arg8 : memref<128x128xf32, #tpu.memory_space<vmem>>) dst(%dma_wait3A_76 : memref<128x128xf32, #tpu.memory_space<hbm>>)
      tpu.yield
    }) : () -> ()
    %mul3A_61 = arith.constant 640 : i32
    %mul3A_62 = arith.muli %arg1, %mul3A_61 : i32
    %add3A_63 = arith.constant 512 : i32
    %add3A_64 = arith.addi %mul3A_62, %add3A_63 : i32
    "tpu.region"() ({
      %run_scoped3A = tpu.sem_alloc : memref<!tpu.dma_semaphore, #tpu.memory_space<semaphore_mem>>
      %dma_start3A_65 = arith.constant 0 : i32
      %dma_start3A_66 = tpu.memref_slice %arg9[%add3A_64, %dma_start3A_65] : memref<10240x128xf32, #tpu.memory_space<vmem_shared>> -> memref<128x128xf32, #tpu.memory_space<vmem_shared>>
      %dma_start3A_67 = arith.constant 0 : i32
      %dma_start3A_68 = tpu.memref_slice %arg9[%add3A_64, %dma_start3A_67] : memref<10240x128xf32, #tpu.memory_space<vmem_shared>> -> memref<128x128xf32, #tpu.memory_space<vmem_shared>>
      tpu.enqueue_dma source(%dma_start3A_68 : memref<128x128xf32, #tpu.memory_space<vmem_shared>>) target(%arg8 : memref<128x128xf32, #tpu.memory_space<vmem>>) target_semaphore(%run_scoped3A : memref<!tpu.dma_semaphore, #tpu.memory_space<semaphore_mem>>)
      %dma_wait3A_69 = arith.constant 0 : i32
      %dma_wait3A_70 = tpu.memref_slice %arg9[%add3A_64, %dma_wait3A_69] : memref<10240x128xf32, #tpu.memory_space<vmem_shared>> -> memref<128x128xf32, #tpu.memory_space<vmem_shared>>
      %dma_wait3A_71 = arith.constant 0 : i32
      %dma_wait3A_72 = tpu.memref_slice %arg9[%add3A_64, %dma_wait3A_71] : memref<10240x128xf32, #tpu.memory_space<vmem_shared>> -> memref<128x128xf32, #tpu.memory_space<vmem_shared>>
      tpu.wait_dma2 semaphore(%run_scoped3A : memref<!tpu.dma_semaphore, #tpu.memory_space<semaphore_mem>>) src(%dma_wait3A_72 : memref<128x128xf32, #tpu.memory_space<vmem_shared>>) dst(%arg8 : memref<128x128xf32, #tpu.memory_space<vmem>>)
      tpu.yield
    }) : () -> ()
    "tpu.region"() ({
      %run_scoped3A = tpu.sem_alloc : memref<!tpu.dma_semaphore, #tpu.memory_space<semaphore_mem>>
      %dma_start3A_65 = arith.constant 0 : i32
      %dma_start3A_66 = tpu.memref_slice %arg5[%arg0, %add3A_64, %dma_start3A_65] : memref<2x10240x128xf32, #tpu.memory_space<hbm>> -> memref<1x128x128xf32, #tpu.memory_space<hbm>>
      %dma_start3A_67 = tpu.memref_squeeze %dma_start3A_66 : memref<1x128x128xf32, #tpu.memory_space<hbm>> -> memref<128x128xf32, #tpu.memory_space<hbm>>
      %dma_start3A_68 = arith.constant 0 : i32
      %dma_start3A_69 = tpu.memref_slice %arg5[%arg0, %add3A_64, %dma_start3A_68] : memref<2x10240x128xf32, #tpu.memory_space<hbm>> -> memref<1x128x128xf32, #tpu.memory_space<hbm>>
      %dma_start3A_70 = tpu.memref_squeeze %dma_start3A_69 : memref<1x128x128xf32, #tpu.memory_space<hbm>> -> memref<128x128xf32, #tpu.memory_space<hbm>>
      tpu.enqueue_dma source(%arg8 : memref<128x128xf32, #tpu.memory_space<vmem>>) target(%dma_start3A_70 : memref<128x128xf32, #tpu.memory_space<hbm>>) target_semaphore(%run_scoped3A : memref<!tpu.dma_semaphore, #tpu.memory_space<semaphore_mem>>)
      %dma_wait3A_71 = arith.constant 0 : i32
      %dma_wait3A_72 = tpu.memref_slice %arg5[%arg0, %add3A_64, %dma_wait3A_71] : memref<2x10240x128xf32, #tpu.memory_space<hbm>> -> memref<1x128x128xf32, #tpu.memory_space<hbm>>
      %dma_wait3A_73 = tpu.memref_squeeze %dma_wait3A_72 : memref<1x128x128xf32, #tpu.memory_space<hbm>> -> memref<128x128xf32, #tpu.memory_space<hbm>>
      %dma_wait3A_74 = arith.constant 0 : i32
      %dma_wait3A_75 = tpu.memref_slice %arg5[%arg0, %add3A_64, %dma_wait3A_74] : memref<2x10240x128xf32, #tpu.memory_space<hbm>> -> memref<1x128x128xf32, #tpu.memory_space<hbm>>
      %dma_wait3A_76 = tpu.memref_squeeze %dma_wait3A_75 : memref<1x128x128xf32, #tpu.memory_space<hbm>> -> memref<128x128xf32, #tpu.memory_space<hbm>>
      tpu.wait_dma2 semaphore(%run_scoped3A : memref<!tpu.dma_semaphore, #tpu.memory_space<semaphore_mem>>) src(%arg8 : memref<128x128xf32, #tpu.memory_space<vmem>>) dst(%dma_wait3A_76 : memref<128x128xf32, #tpu.memory_space<hbm>>)
      tpu.yield
    }) : () -> ()
    return
  }
}

module attributes {stable_mosaic.version = 14 : i64} {
  func.func @_tc1_body(%arg0: i32, %arg1: memref<512x128xf32, #tpu.memory_space<vmem>>, %arg2: memref<128x128xf32, #tpu.memory_space<vmem>>, %arg3: memref<1x128xf32, #tpu.memory_space<vmem>>, %arg4: memref<512x128xf32, #tpu.memory_space<vmem>>) attributes {dimension_semantics = [#tpu.dimension_semantics<arbitrary>], iteration_bounds = array<i64: 20>, scalar_prefetch = 0 : i64, scratch_operands = 0 : i64, tpu.core_type = #tpu.core_type<tc>, window_params = [{transform_indices = @transform_0, window_bounds = array<i64: 512, 128>}, {pipeline_mode = #tpu.pipeline_mode<synchronous>, transform_indices = @transform_1, window_bounds = array<i64: 128, 128>}, {pipeline_mode = #tpu.pipeline_mode<synchronous>, transform_indices = @transform_2, window_bounds = array<i64: 1, 128>}, {transform_indices = @transform_3, window_bounds = array<i64: 512, 128>}]} {
    %get3A = arith.constant 0 : index
    %get3A_0 = arith.constant 0 : index
    %get3A_1 = vector.load %arg1[%get3A, %get3A_0] : memref<512x128xf32, #tpu.memory_space<vmem>>, vector<512x128xf32>
    %get3A_2 = arith.constant 0 : index
    %get3A_3 = arith.constant 0 : index
    %get3A_4 = vector.load %arg2[%get3A_2, %get3A_3] : memref<128x128xf32, #tpu.memory_space<vmem>>, vector<128x128xf32>
    %dot_general3A = arith.constant dense<0.000000e+00> : vector<512x128xf32>
    %dot_general3A_5 = tpu.matmul %get3A_1, %get3A_4, %dot_general3A {dimension_numbers = #tpu.dot_dimension_numbers<[1], [0], [0], [1], [0, 0, 1, 1], [], []>, transpose_lhs_hint = false} : vector<512x128xf32>, vector<128x128xf32>, vector<512x128xf32> -> vector<512x128xf32>
    %get3A_6 = arith.constant 0 : index
    %get3A_7 = arith.constant 0 : index
    %get3A_8 = vector.load %arg3[%get3A_6, %get3A_7] : memref<1x128xf32, #tpu.memory_space<vmem>>, vector<1x128xf32>
    %add3A = vector.broadcast %get3A_8 : vector<1x128xf32> to vector<512x128xf32>
    %add3A_9 = arith.addf %dot_general3A_5, %add3A : vector<512x128xf32>
    %max3A = arith.constant 0.000000e+00 : f32
    %max3A_10 = vector.broadcast %max3A : f32 to vector<512x128xf32>
    %max3A_11 = arith.maximumf %add3A_9, %max3A_10 : vector<512x128xf32>
    %swap3A = arith.constant 0 : index
    %swap3A_12 = arith.constant 0 : index
    %swap3A_13 = vector.load %arg4[%swap3A, %swap3A_12] : memref<512x128xf32, #tpu.memory_space<vmem>>, vector<512x128xf32>
    tpu.vector_store %arg4[%swap3A, %swap3A_12], %max3A_11 {strides = array<i32>} : memref<512x128xf32, #tpu.memory_space<vmem>>, vector<512x128xf32>,
    return
  }
  func.func @transform_0(%arg0: i32) -> (i32, i32) {
    %c0_i32 = arith.constant 0 : i32
    %c0_i32_0 = arith.constant 0 : i32
    return %arg0, %c0_i32 : i32, i32
  }
  func.func @transform_1(%arg0: i32) -> (i32, i32) {
    %c0_i32 = arith.constant 0 : i32
    %c0_i32_0 = arith.constant 0 : i32
    %c0_i32_1 = arith.constant 0 : i32
    return %c0_i32, %c0_i32_0 : i32, i32
  }
  func.func @transform_2(%arg0: i32) -> (i32, i32) {
    %c0_i32 = arith.constant 0 : i32
    %c0_i32_0 = arith.constant 0 : i32
    %c0_i32_1 = arith.constant 0 : i32
    return %c0_i32, %c0_i32_0 : i32, i32
  }
  func.func @transform_3(%arg0: i32) -> (i32, i32) {
    %c0_i32 = arith.constant 0 : i32
    %c0_i32_0 = arith.constant 0 : i32
    return %arg0, %c0_i32 : i32, i32
  }
}

module attributes {stable_mosaic.version = 14 : i64} {
  func.func @_tc2_body(%arg0: i32, %arg1: memref<2x512x128xf32, #tpu.memory_space<vmem>>, %arg2: memref<2x512x128xf32, #tpu.memory_space<vmem>>, %arg3: memref<512x128xf32, #tpu.memory_space<vmem>>, %arg4: memref<128x128xf32, #tpu.memory_space<vmem>>, %arg5: memref<1x128xf32, #tpu.memory_space<vmem>>, %arg6: memref<128x128xf32, #tpu.memory_space<vmem>>, %arg7: memref<128x128xf32, #tpu.memory_space<vmem>>, %arg8: memref<1x128xf32, #tpu.memory_space<vmem>>, %arg9: memref<512x128xf32, #tpu.memory_space<vmem>>, %arg10: memref<512x128xf32, #tpu.memory_space<vmem>>) attributes {dimension_semantics = [#tpu.dimension_semantics<arbitrary>], iteration_bounds = array<i64: 20>, scalar_prefetch = 0 : i64, scratch_operands = 0 : i64, tpu.core_type = #tpu.core_type<tc>, window_params = [{transform_indices = @transform_0, window_bounds = array<i64: 2, 512, 128>}, {transform_indices = @transform_1, window_bounds = array<i64: 2, 512, 128>}, {transform_indices = @transform_2, window_bounds = array<i64: 512, 128>}, {pipeline_mode = #tpu.pipeline_mode<synchronous>, transform_indices = @transform_3, window_bounds = array<i64: 128, 128>}, {pipeline_mode = #tpu.pipeline_mode<synchronous>, transform_indices = @transform_4, window_bounds = array<i64: 1, 128>}, {pipeline_mode = #tpu.pipeline_mode<synchronous>, transform_indices = @transform_5, window_bounds = array<i64: 128, 128>}, {pipeline_mode = #tpu.pipeline_mode<synchronous>, transform_indices = @transform_6, window_bounds = array<i64: 128, 128>}, {pipeline_mode = #tpu.pipeline_mode<synchronous>, transform_indices = @transform_7, window_bounds = array<i64: 1, 128>}, {transform_indices = @transform_8, window_bounds = array<i64: 512, 128>}, {transform_indices = @transform_9, window_bounds = array<i64: 512, 128>}]} {
    %get3A = arith.constant 0 : index
    %get3A_0 = arith.constant 0 : index
    %get3A_1 = arith.constant 0 : index
    %get3A_2 = vector.load %arg2[%get3A, %get3A_0, %get3A_1] : memref<2x512x128xf32, #tpu.memory_space<vmem>>, vector<1x512x128xf32>
    %get3A_3 = vector.shape_cast %get3A_2 : vector<1x512x128xf32> to vector<512x128xf32>
    %get3A_4 = arith.constant 1 : index
    %get3A_5 = arith.constant 0 : index
    %get3A_6 = arith.constant 0 : index
    %get3A_7 = vector.load %arg2[%get3A_4, %get3A_5, %get3A_6] : memref<2x512x128xf32, #tpu.memory_space<vmem>>, vector<1x512x128xf32>
    %get3A_8 = vector.shape_cast %get3A_7 : vector<1x512x128xf32> to vector<512x128xf32>
    %add3A = arith.addf %get3A_3, %get3A_8 : vector<512x128xf32>
    %slice3A = vector.extract_strided_slice %add3A {offsets = [0, 0], sizes = [512, 1], strides = [1, 1]} : vector<512x128xf32> to vector<512x1xf32>
    %max3A = arith.constant 1.000000e+00 : f32
    %max3A_9 = vector.broadcast %max3A : f32 to vector<512x1xf32>
    %max3A_10 = arith.maximumf %slice3A, %max3A_9 : vector<512x1xf32>
    %div3A = arith.constant 1.000000e+00 : f32
    %div3A_11 = vector.broadcast %div3A : f32 to vector<512x1xf32>
    %div3A_12 = arith.divf %div3A_11, %max3A_10 : vector<512x1xf32>
    %get3A_13 = arith.constant 0 : index
    %get3A_14 = arith.constant 0 : index
    %get3A_15 = arith.constant 0 : index
    %get3A_16 = vector.load %arg1[%get3A_13, %get3A_14, %get3A_15] : memref<2x512x128xf32, #tpu.memory_space<vmem>>, vector<1x512x128xf32>
    %get3A_17 = vector.shape_cast %get3A_16 : vector<1x512x128xf32> to vector<512x128xf32>
    %get3A_18 = arith.constant 1 : index
    %get3A_19 = arith.constant 0 : index
    %get3A_20 = arith.constant 0 : index
    %get3A_21 = vector.load %arg1[%get3A_18, %get3A_19, %get3A_20] : memref<2x512x128xf32, #tpu.memory_space<vmem>>, vector<1x512x128xf32>
    %get3A_22 = vector.shape_cast %get3A_21 : vector<1x512x128xf32> to vector<512x128xf32>
    %add3A_23 = arith.addf %get3A_17, %get3A_22 : vector<512x128xf32>
    %mul3A = vector.broadcast %div3A_12 : vector<512x1xf32> to vector<512x128xf32>
    %mul3A_24 = arith.mulf %add3A_23, %mul3A : vector<512x128xf32>
    %get3A_25 = arith.constant 0 : index
    %get3A_26 = arith.constant 0 : index
    %get3A_27 = vector.load %arg4[%get3A_25, %get3A_26] : memref<128x128xf32, #tpu.memory_space<vmem>>, vector<128x128xf32>
    %dot_general3A = arith.constant dense<0.000000e+00> : vector<512x128xf32>
    %dot_general3A_28 = tpu.matmul %mul3A_24, %get3A_27, %dot_general3A {dimension_numbers = #tpu.dot_dimension_numbers<[1], [0], [0], [1], [0, 0, 1, 1], [], []>, transpose_lhs_hint = false} : vector<512x128xf32>, vector<128x128xf32>, vector<512x128xf32> -> vector<512x128xf32>
    %get3A_29 = arith.constant 0 : index
    %get3A_30 = arith.constant 0 : index
    %get3A_31 = vector.load %arg5[%get3A_29, %get3A_30] : memref<1x128xf32, #tpu.memory_space<vmem>>, vector<1x128xf32>
    %add3A_32 = vector.broadcast %get3A_31 : vector<1x128xf32> to vector<512x128xf32>
    %add3A_33 = arith.addf %dot_general3A_28, %add3A_32 : vector<512x128xf32>
    %get3A_34 = arith.constant 0 : index
    %get3A_35 = arith.constant 0 : index
    %get3A_36 = vector.load %arg3[%get3A_34, %get3A_35] : memref<512x128xf32, #tpu.memory_space<vmem>>, vector<512x128xf32>
    %get3A_37 = arith.constant 0 : index
    %get3A_38 = arith.constant 0 : index
    %get3A_39 = vector.load %arg6[%get3A_37, %get3A_38] : memref<128x128xf32, #tpu.memory_space<vmem>>, vector<128x128xf32>
    %dot_general3A_40 = arith.constant dense<0.000000e+00> : vector<512x128xf32>
    %dot_general3A_41 = tpu.matmul %get3A_36, %get3A_39, %dot_general3A_40 {dimension_numbers = #tpu.dot_dimension_numbers<[1], [0], [0], [1], [0, 0, 1, 1], [], []>, transpose_lhs_hint = false} : vector<512x128xf32>, vector<128x128xf32>, vector<512x128xf32> -> vector<512x128xf32>
    %add3A_42 = arith.addf %add3A_33, %dot_general3A_41 : vector<512x128xf32>
    %max3A_43 = arith.constant 0.000000e+00 : f32
    %max3A_44 = vector.broadcast %max3A_43 : f32 to vector<512x128xf32>
    %max3A_45 = arith.maximumf %add3A_42, %max3A_44 : vector<512x128xf32>
    %swap3A = arith.constant 0 : index
    %swap3A_46 = arith.constant 0 : index
    %swap3A_47 = vector.load %arg9[%swap3A, %swap3A_46] : memref<512x128xf32, #tpu.memory_space<vmem>>, vector<512x128xf32>
    tpu.vector_store %arg9[%swap3A, %swap3A_46], %max3A_45 {strides = array<i32>} : memref<512x128xf32, #tpu.memory_space<vmem>>, vector<512x128xf32>,
    %get3A_48 = arith.constant 0 : index
    %get3A_49 = arith.constant 0 : index
    %get3A_50 = vector.load %arg7[%get3A_48, %get3A_49] : memref<128x128xf32, #tpu.memory_space<vmem>>, vector<128x128xf32>
    %dot_general3A_51 = arith.constant dense<0.000000e+00> : vector<512x128xf32>
    %dot_general3A_52 = tpu.matmul %max3A_45, %get3A_50, %dot_general3A_51 {dimension_numbers = #tpu.dot_dimension_numbers<[1], [0], [0], [1], [0, 0, 1, 1], [], []>, transpose_lhs_hint = false} : vector<512x128xf32>, vector<128x128xf32>, vector<512x128xf32> -> vector<512x128xf32>
    %get3A_53 = arith.constant 0 : index
    %get3A_54 = arith.constant 0 : index
    %get3A_55 = vector.load %arg8[%get3A_53, %get3A_54] : memref<1x128xf32, #tpu.memory_space<vmem>>, vector<1x128xf32>
    %add3A_56 = vector.broadcast %get3A_55 : vector<1x128xf32> to vector<512x128xf32>
    %add3A_57 = arith.addf %dot_general3A_52, %add3A_56 : vector<512x128xf32>
    %max3A_58 = arith.constant 0.000000e+00 : f32
    %max3A_59 = vector.broadcast %max3A_58 : f32 to vector<512x128xf32>
    %max3A_60 = arith.maximumf %add3A_57, %max3A_59 : vector<512x128xf32>
    %swap3A_61 = arith.constant 0 : index
    %swap3A_62 = arith.constant 0 : index
    %swap3A_63 = vector.load %arg10[%swap3A_61, %swap3A_62] : memref<512x128xf32, #tpu.memory_space<vmem>>, vector<512x128xf32>
    tpu.vector_store %arg10[%swap3A_61, %swap3A_62], %max3A_60 {strides = array<i32>} : memref<512x128xf32, #tpu.memory_space<vmem>>, vector<512x128xf32>,
    return
  }
  func.func @transform_0(%arg0: i32) -> (i32, i32, i32) {
    %c0_i32 = arith.constant 0 : i32
    %c0_i32_0 = arith.constant 0 : i32
    %c0_i32_1 = arith.constant 0 : i32
    return %c0_i32, %arg0, %c0_i32_0 : i32, i32, i32
  }
  func.func @transform_1(%arg0: i32) -> (i32, i32, i32) {
    %c0_i32 = arith.constant 0 : i32
    %c0_i32_0 = arith.constant 0 : i32
    %c0_i32_1 = arith.constant 0 : i32
    return %c0_i32, %arg0, %c0_i32_0 : i32, i32, i32
  }
  func.func @transform_2(%arg0: i32) -> (i32, i32) {
    %c0_i32 = arith.constant 0 : i32
    %c0_i32_0 = arith.constant 0 : i32
    return %arg0, %c0_i32 : i32, i32
  }
  func.func @transform_3(%arg0: i32) -> (i32, i32) {
    %c0_i32 = arith.constant 0 : i32
    %c0_i32_0 = arith.constant 0 : i32
    %c0_i32_1 = arith.constant 0 : i32
    return %c0_i32, %c0_i32_0 : i32, i32
  }
  func.func @transform_4(%arg0: i32) -> (i32, i32) {
    %c0_i32 = arith.constant 0 : i32
    %c0_i32_0 = arith.constant 0 : i32
    %c0_i32_1 = arith.constant 0 : i32
    return %c0_i32, %c0_i32_0 : i32, i32
  }
  func.func @transform_5(%arg0: i32) -> (i32, i32) {
    %c0_i32 = arith.constant 0 : i32
    %c0_i32_0 = arith.constant 0 : i32
    %c0_i32_1 = arith.constant 0 : i32
    return %c0_i32, %c0_i32_0 : i32, i32
  }
  func.func @transform_6(%arg0: i32) -> (i32, i32) {
    %c0_i32 = arith.constant 0 : i32
    %c0_i32_0 = arith.constant 0 : i32
    %c0_i32_1 = arith.constant 0 : i32
    return %c0_i32, %c0_i32_0 : i32, i32
  }
  func.func @transform_7(%arg0: i32) -> (i32, i32) {
    %c0_i32 = arith.constant 0 : i32
    %c0_i32_0 = arith.constant 0 : i32
    %c0_i32_1 = arith.constant 0 : i32
    return %c0_i32, %c0_i32_0 : i32, i32
  }
  func.func @transform_8(%arg0: i32) -> (i32, i32) {
    %c0_i32 = arith.constant 0 : i32
    %c0_i32_0 = arith.constant 0 : i32
    return %arg0, %c0_i32 : i32, i32
  }
  func.func @transform_9(%arg0: i32) -> (i32, i32) {
    %c0_i32 = arith.constant 0 : i32
    %c0_i32_0 = arith.constant 0 : i32
    return %arg0, %c0_i32 : i32, i32
  }
}

module attributes {stable_mosaic.version = 14 : i64} {
  func.func @_tc3_body(%arg0: i32, %arg1: memref<2x512x128xf32, #tpu.memory_space<vmem>>, %arg2: memref<2x512x128xf32, #tpu.memory_space<vmem>>, %arg3: memref<512x128xf32, #tpu.memory_space<vmem>>, %arg4: memref<128x128xf32, #tpu.memory_space<vmem>>, %arg5: memref<1x128xf32, #tpu.memory_space<vmem>>, %arg6: memref<128x128xf32, #tpu.memory_space<vmem>>, %arg7: memref<128x128xf32, #tpu.memory_space<vmem>>, %arg8: memref<1x128xf32, #tpu.memory_space<vmem>>, %arg9: memref<512x128xf32, #tpu.memory_space<vmem>>) attributes {dimension_semantics = [#tpu.dimension_semantics<arbitrary>], iteration_bounds = array<i64: 20>, scalar_prefetch = 0 : i64, scratch_operands = 0 : i64, tpu.core_type = #tpu.core_type<tc>, window_params = [{transform_indices = @transform_0, window_bounds = array<i64: 2, 512, 128>}, {transform_indices = @transform_1, window_bounds = array<i64: 2, 512, 128>}, {transform_indices = @transform_2, window_bounds = array<i64: 512, 128>}, {pipeline_mode = #tpu.pipeline_mode<synchronous>, transform_indices = @transform_3, window_bounds = array<i64: 128, 128>}, {pipeline_mode = #tpu.pipeline_mode<synchronous>, transform_indices = @transform_4, window_bounds = array<i64: 1, 128>}, {pipeline_mode = #tpu.pipeline_mode<synchronous>, transform_indices = @transform_5, window_bounds = array<i64: 128, 128>}, {pipeline_mode = #tpu.pipeline_mode<synchronous>, transform_indices = @transform_6, window_bounds = array<i64: 128, 128>}, {pipeline_mode = #tpu.pipeline_mode<synchronous>, transform_indices = @transform_7, window_bounds = array<i64: 1, 128>}, {transform_indices = @transform_8, window_bounds = array<i64: 512, 128>}]} {
    %get3A = arith.constant 0 : index
    %get3A_0 = arith.constant 0 : index
    %get3A_1 = arith.constant 0 : index
    %get3A_2 = vector.load %arg2[%get3A, %get3A_0, %get3A_1] : memref<2x512x128xf32, #tpu.memory_space<vmem>>, vector<1x512x128xf32>
    %get3A_3 = vector.shape_cast %get3A_2 : vector<1x512x128xf32> to vector<512x128xf32>
    %get3A_4 = arith.constant 1 : index
    %get3A_5 = arith.constant 0 : index
    %get3A_6 = arith.constant 0 : index
    %get3A_7 = vector.load %arg2[%get3A_4, %get3A_5, %get3A_6] : memref<2x512x128xf32, #tpu.memory_space<vmem>>, vector<1x512x128xf32>
    %get3A_8 = vector.shape_cast %get3A_7 : vector<1x512x128xf32> to vector<512x128xf32>
    %add3A = arith.addf %get3A_3, %get3A_8 : vector<512x128xf32>
    %slice3A = vector.extract_strided_slice %add3A {offsets = [0, 0], sizes = [512, 1], strides = [1, 1]} : vector<512x128xf32> to vector<512x1xf32>
    %max3A = arith.constant 1.000000e+00 : f32
    %max3A_9 = vector.broadcast %max3A : f32 to vector<512x1xf32>
    %max3A_10 = arith.maximumf %slice3A, %max3A_9 : vector<512x1xf32>
    %div3A = arith.constant 1.000000e+00 : f32
    %div3A_11 = vector.broadcast %div3A : f32 to vector<512x1xf32>
    %div3A_12 = arith.divf %div3A_11, %max3A_10 : vector<512x1xf32>
    %get3A_13 = arith.constant 0 : index
    %get3A_14 = arith.constant 0 : index
    %get3A_15 = arith.constant 0 : index
    %get3A_16 = vector.load %arg1[%get3A_13, %get3A_14, %get3A_15] : memref<2x512x128xf32, #tpu.memory_space<vmem>>, vector<1x512x128xf32>
    %get3A_17 = vector.shape_cast %get3A_16 : vector<1x512x128xf32> to vector<512x128xf32>
    %get3A_18 = arith.constant 1 : index
    %get3A_19 = arith.constant 0 : index
    %get3A_20 = arith.constant 0 : index
    %get3A_21 = vector.load %arg1[%get3A_18, %get3A_19, %get3A_20] : memref<2x512x128xf32, #tpu.memory_space<vmem>>, vector<1x512x128xf32>
    %get3A_22 = vector.shape_cast %get3A_21 : vector<1x512x128xf32> to vector<512x128xf32>
    %add3A_23 = arith.addf %get3A_17, %get3A_22 : vector<512x128xf32>
    %mul3A = vector.broadcast %div3A_12 : vector<512x1xf32> to vector<512x128xf32>
    %mul3A_24 = arith.mulf %add3A_23, %mul3A : vector<512x128xf32>
    %get3A_25 = arith.constant 0 : index
    %get3A_26 = arith.constant 0 : index
    %get3A_27 = vector.load %arg4[%get3A_25, %get3A_26] : memref<128x128xf32, #tpu.memory_space<vmem>>, vector<128x128xf32>
    %dot_general3A = arith.constant dense<0.000000e+00> : vector<512x128xf32>
    %dot_general3A_28 = tpu.matmul %mul3A_24, %get3A_27, %dot_general3A {dimension_numbers = #tpu.dot_dimension_numbers<[1], [0], [0], [1], [0, 0, 1, 1], [], []>, transpose_lhs_hint = false} : vector<512x128xf32>, vector<128x128xf32>, vector<512x128xf32> -> vector<512x128xf32>
    %get3A_29 = arith.constant 0 : index
    %get3A_30 = arith.constant 0 : index
    %get3A_31 = vector.load %arg5[%get3A_29, %get3A_30] : memref<1x128xf32, #tpu.memory_space<vmem>>, vector<1x128xf32>
    %add3A_32 = vector.broadcast %get3A_31 : vector<1x128xf32> to vector<512x128xf32>
    %add3A_33 = arith.addf %dot_general3A_28, %add3A_32 : vector<512x128xf32>
    %get3A_34 = arith.constant 0 : index
    %get3A_35 = arith.constant 0 : index
    %get3A_36 = vector.load %arg3[%get3A_34, %get3A_35] : memref<512x128xf32, #tpu.memory_space<vmem>>, vector<512x128xf32>
    %get3A_37 = arith.constant 0 : index
    %get3A_38 = arith.constant 0 : index
    %get3A_39 = vector.load %arg6[%get3A_37, %get3A_38] : memref<128x128xf32, #tpu.memory_space<vmem>>, vector<128x128xf32>
    %dot_general3A_40 = arith.constant dense<0.000000e+00> : vector<512x128xf32>
    %dot_general3A_41 = tpu.matmul %get3A_36, %get3A_39, %dot_general3A_40 {dimension_numbers = #tpu.dot_dimension_numbers<[1], [0], [0], [1], [0, 0, 1, 1], [], []>, transpose_lhs_hint = false} : vector<512x128xf32>, vector<128x128xf32>, vector<512x128xf32> -> vector<512x128xf32>
    %add3A_42 = arith.addf %add3A_33, %dot_general3A_41 : vector<512x128xf32>
    %max3A_43 = arith.constant 0.000000e+00 : f32
    %max3A_44 = vector.broadcast %max3A_43 : f32 to vector<512x128xf32>
    %max3A_45 = arith.maximumf %add3A_42, %max3A_44 : vector<512x128xf32>
    %get3A_46 = arith.constant 0 : index
    %get3A_47 = arith.constant 0 : index
    %get3A_48 = vector.load %arg7[%get3A_46, %get3A_47] : memref<128x128xf32, #tpu.memory_space<vmem>>, vector<128x128xf32>
    %dot_general3A_49 = arith.constant dense<0.000000e+00> : vector<512x128xf32>
    %dot_general3A_50 = tpu.matmul %max3A_45, %get3A_48, %dot_general3A_49 {dimension_numbers = #tpu.dot_dimension_numbers<[1], [0], [0], [1], [0, 0, 1, 1], [], []>, transpose_lhs_hint = false} : vector<512x128xf32>, vector<128x128xf32>, vector<512x128xf32> -> vector<512x128xf32>
    %get3A_51 = arith.constant 0 : index
    %get3A_52 = arith.constant 0 : index
    %get3A_53 = vector.load %arg8[%get3A_51, %get3A_52] : memref<1x128xf32, #tpu.memory_space<vmem>>, vector<1x128xf32>
    %add3A_54 = vector.broadcast %get3A_53 : vector<1x128xf32> to vector<512x128xf32>
    %add3A_55 = arith.addf %dot_general3A_50, %add3A_54 : vector<512x128xf32>
    %swap3A = arith.constant 0 : index
    %swap3A_56 = arith.constant 0 : index
    %swap3A_57 = vector.load %arg9[%swap3A, %swap3A_56] : memref<512x128xf32, #tpu.memory_space<vmem>>, vector<512x128xf32>
    tpu.vector_store %arg9[%swap3A, %swap3A_56], %add3A_55 {strides = array<i32>} : memref<512x128xf32, #tpu.memory_space<vmem>>, vector<512x128xf32>,
    return
  }
  func.func @transform_0(%arg0: i32) -> (i32, i32, i32) {
    %c0_i32 = arith.constant 0 : i32
    %c0_i32_0 = arith.constant 0 : i32
    %c0_i32_1 = arith.constant 0 : i32
    return %c0_i32, %arg0, %c0_i32_0 : i32, i32, i32
  }
  func.func @transform_1(%arg0: i32) -> (i32, i32, i32) {
    %c0_i32 = arith.constant 0 : i32
    %c0_i32_0 = arith.constant 0 : i32
    %c0_i32_1 = arith.constant 0 : i32
    return %c0_i32, %arg0, %c0_i32_0 : i32, i32, i32
  }
  func.func @transform_2(%arg0: i32) -> (i32, i32) {
    %c0_i32 = arith.constant 0 : i32
    %c0_i32_0 = arith.constant 0 : i32
    return %arg0, %c0_i32 : i32, i32
  }
  func.func @transform_3(%arg0: i32) -> (i32, i32) {
    %c0_i32 = arith.constant 0 : i32
    %c0_i32_0 = arith.constant 0 : i32
    %c0_i32_1 = arith.constant 0 : i32
    return %c0_i32, %c0_i32_0 : i32, i32
  }
  func.func @transform_4(%arg0: i32) -> (i32, i32) {
    %c0_i32 = arith.constant 0 : i32
    %c0_i32_0 = arith.constant 0 : i32
    %c0_i32_1 = arith.constant 0 : i32
    return %c0_i32, %c0_i32_0 : i32, i32
  }
  func.func @transform_5(%arg0: i32) -> (i32, i32) {
    %c0_i32 = arith.constant 0 : i32
    %c0_i32_0 = arith.constant 0 : i32
    %c0_i32_1 = arith.constant 0 : i32
    return %c0_i32, %c0_i32_0 : i32, i32
  }
  func.func @transform_6(%arg0: i32) -> (i32, i32) {
    %c0_i32 = arith.constant 0 : i32
    %c0_i32_0 = arith.constant 0 : i32
    %c0_i32_1 = arith.constant 0 : i32
    return %c0_i32, %c0_i32_0 : i32, i32
  }
  func.func @transform_7(%arg0: i32) -> (i32, i32) {
    %c0_i32 = arith.constant 0 : i32
    %c0_i32_0 = arith.constant 0 : i32
    %c0_i32_1 = arith.constant 0 : i32
    return %c0_i32, %c0_i32_0 : i32, i32
  }
  func.func @transform_8(%arg0: i32) -> (i32, i32) {
    %c0_i32 = arith.constant 0 : i32
    %c0_i32_0 = arith.constant 0 : i32
    return %arg0, %c0_i32 : i32, i32
  }
}

</mosaic_0001>

<sc_bundles>
// kernel: kernel.12.cloned.1.call-start
scs
__scs_entry_jumppad:
0x0: {  	(pc) =	sbr.rel $0x88, $3  }
0x1: {  	(tag) =	ssettag $0x0;
	lr =	simm.s32 $0x1  }
0x2: {  	[smem:$0x3F92] =	sst lr;
	_ =	strace $0xD0000000  }
0x3: {  	_ = 	snop  }
0x4: {  	_ = 	snop  }
0x5: {  	_ = 	snop  }
0x6: {  	_ = 	snop  }
0x7: {  	_ = 	snop  }
__scs_overlays_trampoline_lowered:
0x8: {  	[smem:$0x3FA1] =	sst s0  }
0x9: {  	[smem:$0x3FA2] =	sst s1  }
0xa: {  	[smem:$0x3FA3] =	sst s2  }
0xb: {  	[smem:$0x3FA4] =	sst s3  }
0xc: {  	[smem:$0x3FA5] =	sst s4  }
0xd: {  	[smem:$0x3FA6] =	sst s5  }
0xe: {  	[smem:$0x3FA7] =	sst s6  }
0xf: {  	[smem:$0x3FA8] =	sst s7  }
0x10: {  	[smem:$0x3FA9] =	sst s8  }
0x11: {  	[smem:$0x3FAA] =	sst s9;
	s0 =	simm.s32 @!p0 $0x0  }
0x12: {  	s1 =	sld [smem:$0x3F90];
	s0 =	simm.s32 @p0 $0x1  }
0x13: {  	[smem:$0x3FAB] =	sst s0;
	s0 =	simm.s32 @!p1 $0x0  }
0x14: {  	s2 =	sld [smem:$0x3F8F];
	s0 =	simm.s32 @p1 $0x1  }
0x15: {  	[smem:$0x3FAC] =	sst s0;
	s0 =	simm.s32 @!p2 $0x0  }
0x16: {  	s3 =	sld [smem:$0x3FDB];
	s0 =	simm.s32 @p2 $0x1  }
0x17: {  	s4 =	simm.s32 $0x1BF5;
	[smem:$0x3FAE] =	sst s0  }
0x18: {  	s0 =	sld [smem:$0x3F91];
	_ =	swait.ge [sflag:s4], $0x0  }
0x19: {  	s7 =	sld [smem:$0x3F92]  }
0x1a: {  	s8 =	sadd.s32 $0xFFFFE003, lr  }
0x1b: {  	s9 =	sadd.s32 $0xFFFFFEF7, lr;
	s5 =	simm.s32 $0xFFFFFFFF;
	p2 =	slt.u32 s8, $0xFFFFF086  }
0x1c: {  	p1 =	slt.u32 s9, $0xF7A;
	s5 =	simm.s32 @!p2 $0x0  }
0x1d: {  	s5 =	simm.s32 @p1 $0x1;
	p0 =	seq.s32 s7, s2  }
0x1e: {  	s7 =	smul.u32 @!p0 $0xF7A, s2;
	p2 =	seq.s32 @!p0 s5, $0x0  }
0x1f: {  	s9 =	smul.u32 $0xF7A, s1;
	s8 =	simm.s32 @!p0 $0x1BF5;
	p2 =	por !p2, p0  }
0x20: {  	[sflag:s8] =	ssyncset.s32 @!p0 $0xFFFFF086;
	s6 =	sadd.s32 @!p0 s3, s7;
	s7 =	simm.s32 @!p0 $0x108  }
0x21: {  	s3 =	sadd.s32 s3, s9;
	s6 =	sadd.s32 @!p0 $0x88, s6;
	s7 =	simm.s32 @p2 $0x1082  }
0x22: {  	[simem:s7], [sflag:s8] =	dma.local @!p0 [hbm:s6], $0xF7A  }
0x23: {  	s9 =	sor.u32 $0xD0000000, s2;
	s6 =	simm.s32 $0x108;
	_ =	swait.ge @!p0 [sflag:s8], $0x0  }
0x24: {  	s3 =	sadd.s32 $0x88, s3;
	s6 =	simm.s32 @!p1 $0x1082;
	[sflag:s4] =	ssyncset.s32 $0xFFFFF086  }
0x25: {  	[simem:s6], [sflag:s4] =	dma.local [hbm:s3], $0xF7A  }
0x26: {  	[smem:$0x3F92] =	sst s1;
	(tag) =	ssettag s2;
	_ =	strace s9  }
0x27: {  	s1 =	sld [smem:$0x3FA2]  }
0x28: {  	s2 =	sld [smem:$0x3FA3]  }
0x29: {  	s4 =	sld [smem:$0x3FA5]  }
0x2a: {  	p0 =	seq.s32 s5, $0x0;
	s5 =	sld [smem:$0x3FA6]  }
0x2b: {  	s6 =	sld [smem:$0x3FA7]  }
0x2c: {  	s7 =	sld [smem:$0x3FA8]  }
0x2d: {  	s3 =	simm.s32 $0x108;
	s8 =	sld [smem:$0x3FA9]  }
0x2e: {  	s3 =	simm.s32 @!p0 $0x1082;
	s9 =	sld [smem:$0x3FAA]  }
0x2f: {  	lr =	sadd.s32 s0, s3;
	s0 =	sld [smem:$0x3FA1]  }
0x30: {  	s3 =	sld [smem:$0x3FA4]  }
0x31: {  	[smem:$0x3FAD] =	sst s10  }
0x32: {  	s10 =	sld [smem:$0x3FAB];
	_ =	sdelay $0x3  }
0x33: {  	p0 =	seq.s32 s10, $0x1;
	s10 =	sld [smem:$0x3FAD];
	_ =	sdelay $0x3  }
0x34: {  	[smem:$0x3FAD] =	sst s10  }
0x35: {  	s10 =	sld [smem:$0x3FAC];
	_ =	sdelay $0x3  }
0x36: {  	p1 =	seq.s32 s10, $0x1;
	s10 =	sld [smem:$0x3FAD];
	_ =	sdelay $0x3  }
0x37: {  	[smem:$0x3FAD] =	sst s10  }
0x38: {  	s10 =	sld [smem:$0x3FAE]  }
0x39: {  	_ = 	snop;
	(pc) =	sbr.ind lr, $3  }
0x3a: {  	_ = 	snop  }
0x3b: {  	_ = 	snop  }
0x3c: {  	p2 =	seq.s32 s10, $0x1;
	s10 =	sld [smem:$0x3FAD]  }
0x3d: {  	_ =	shalt  }
0x3e: {  	_ =	shalt  }
0x3f: {  	_ =	shalt  }
0x40: {  	_ =	shalt  }
0x41: {  	_ =	shalt  }
0x42: {  	_ =	shalt  }
0x43: {  	_ =	shalt  }
0x44: {  	_ =	shalt  }
0x45: {  	_ =	shalt  }
0x46: {  	_ =	shalt  }
0x47: {  	_ =	shalt  }
0x48: {  	_ =	shalt  }
0x49: {  	_ =	shalt  }
0x4a: {  	_ =	shalt  }
0x4b: {  	_ =	shalt  }
0x4c: {  	_ =	shalt  }
0x4d: {  	_ =	shalt  }
0x4e: {  	_ =	shalt  }
0x4f: {  	_ =	shalt  }
0x50: {  	_ =	shalt  }
0x51: {  	_ =	shalt  }
0x52: {  	_ =	shalt  }
0x53: {  	_ =	shalt  }
0x54: {  	_ =	shalt  }
0x55: {  	_ =	shalt  }
0x56: {  	_ =	shalt  }
0x57: {  	_ =	shalt  }
0x58: {  	_ =	shalt  }
0x59: {  	_ =	shalt  }
0x5a: {  	_ =	shalt  }
0x5b: {  	_ =	shalt  }
0x5c: {  	_ =	shalt  }
0x5d: {  	_ =	shalt  }
0x5e: {  	_ =	shalt  }
0x5f: {  	_ =	shalt  }
0x60: {  	_ =	shalt  }
0x61: {  	_ =	shalt  }
0x62: {  	_ =	shalt  }
0x63: {  	_ =	shalt  }
0x64: {  	_ =	shalt  }
0x65: {  	_ =	shalt  }
0x66: {  	_ =	shalt  }
0x67: {  	_ =	shalt  }
0x68: {  	_ =	shalt  }
0x69: {  	_ =	shalt  }
0x6a: {  	_ =	shalt  }
0x6b: {  	_ =	shalt  }
0x6c: {  	_ =	shalt  }
0x6d: {  	_ =	shalt  }
0x6e: {  	_ =	shalt  }
0x6f: {  	_ =	shalt  }
0x70: {  	_ =	shalt  }
0x71: {  	_ =	shalt  }
0x72: {  	_ =	shalt  }
0x73: {  	_ =	shalt  }
0x74: {  	_ =	shalt  }
0x75: {  	_ =	shalt  }
0x76: {  	_ =	shalt  }
0x77: {  	_ =	shalt  }
0x78: {  	_ =	shalt  }
0x79: {  	_ =	shalt  }
0x7a: {  	_ =	shalt  }
0x7b: {  	_ =	shalt  }
0x7c: {  	_ =	shalt  }
0x7d: {  	_ =	shalt  }
0x7e: {  	_ =	shalt  }
0x7f: {  	_ =	shalt  }
0x80: {  	_ =	shalt  }
0x81: {  	_ =	shalt  }
0x82: {  	_ =	shalt  }
0x83: {  	_ =	shalt  }
0x84: {  	_ =	shalt  }
0x85: {  	_ =	shalt  }
0x86: {  	_ =	shalt  }
0x87: {  	_ =	shalt  }
.Lfunc_end0:
.L_simem_size_0:
called_computation.1_lowered:
.L_overlay_start_0:
0x88: {  	s2 =	sld [smem:$0x3FD9]  }
0x89: {  	s3 =	sld [smem:$0x3FFE];
	_ =	sdelay $0x1  }
0x8a: {  	s1 =	srdreg.scid  }
0x8b: {  	s0 =	sand.u32 $0x1, s1  }
0x8c: {  	s14 =	sshll.u32 s0, $0xA;
	s2 =	sadd.s32 s3, s2  }
0x8d: {  	s2 =	sadd.s32 s2, s14  }
0x8e: {  	[smem:$0x3FB9] =	sst s2  }
0x8f: {  	_ = 	snop  }
0x90: {  	s2 =	sld [smem:$0x3FD0];
	_ =	sdelay $0x2  }
0x91: {  	s15 =	simm.s32 $0xB;
	s4 =	simm.s32 $0x10  }
0x92: {  	[smem:s4], [sflag:s15] =	dma.local [hbm:s2], $0x1  }
0x93: {  	_ =	swait.eq [sflag:s15], $0x1  }
0x94: {  	[sflag:s15] =	ssyncset.done $0x0  }
0x95: {  	s16 =	sld [smem:$0x10];
	[sflag:s15] =	ssyncadd.s32 $0xFFFFFFFF  }
0x96: {  	s17 =	sld [smem:$0x11];
	(tm) =	ssettm $0x1  }
0x97: {  	s18 =	sld [smem:$0x3FFB];
	_ =	sdelay $0x3  }
0x98: {  	_ =	strace s18  }
0x99: {  	s4 =	sld [smem:$0x3FFC];
	_ =	sdelay $0x3  }
0x9a: {  	_ =	strace s4  }
0x9b: {  	s4 =	sld [smem:$0x3FFD];
	_ =	sdelay $0x3  }
0x9c: {  	_ =	strace s4  }
0x9d: {  	_ =	strace $0x8FFFFFFF  }
0x9e: {  	s19 =	sld [smem:$0x3FDB];
	_ =	sdelay $0x1  }
0x9f: {  	s5 =	simm.s32 $_scs_section_size  }
0xa0: {  	s6 =	simm.s32 $_size__tile_overlayer_lowered;
	s7 =	simm.s32 $_tile_overlayer_lowered  }
0xa1: {  	s22 =	simm.s32 $0x1BFF;
	s21 =	sshll.u32 s7, $0x1;
	s4 =	sadd.s32 s5, s19  }
0xa2: {  	s8 =	simm.s32 $0x0;
	s20 =	sshll.u32 s6, $0x1;
	s6 =	sadd.s32 s21, s4  }
0xa3: {  	[timem:s8], [sflag:s22] =	dma.local [hbm:s6], s20  }
0xa4: {  	_ =	swait.ge [sflag:s22], s20  }
0xa5: {  	s5 =	ssub.s32 $0x0, s20;
	[sflag:s22] =	ssyncset.done $0x0  }
0xa6: {  	[sflag:s22] =	ssyncadd.s32 s5;
	_ =	sdelay $0x1  }
0xa7: {  	s23 =	simm.s32 $0x1B8B  }
0xa8: {  	_ =	swait.ge [sflag:s23], $0x1  }
0xa9: {  	[sflag:s23] =	ssyncset.done $0x0  }
0xaa: {  	s25 =	simm.s32 $0x1B8E;
	s24 =	sld [smem:$0x3FFE];
	[sflag:s23] =	ssyncadd.s32 $0xFFFFFFFF  }
0xab: {  	s26 =	simm.s32 $execute0_lowered;
	[smem:$0x3FD2] =	sst s25  }
0xac: {  	s6 =	sshll.u32 s26, $0x1;
	_ =	strace $0x80000046;
	[dreg:$0x1] =	wrdreg $0xFFFFFFFF  }
0xad: {  	s28 =	simm.s32 $_size_execute0_lowered;
	s4 =	sadd.s32 s4, s6;
	[dreg:$0x0] =	wrdreg $0x0  }
0xae: {  	s6 =	sshll.u32 s28, $0x1;
	[dreg:$0x2] =	wrdreg s4  }
0xaf: {  	[dreg:$0x3] =	wrdreg s6  }
0xb0: {  	[dreg:$0x4] =	wrdreg $0xC0  }
0xb1: {  	_ =	task [dreg:s8], $0x5FFFF  }
0xb2: {  	[dreg:$0x1] =	wrdreg $0xFFFFFFFF  }
0xb3: {  	[dreg:$0x0] =	wrdreg $0x60  }
0xb4: {  	[dreg:$0x2] =	wrdreg s24  }
0xb5: {  	[dreg:$0x3] =	wrdreg s17  }
0xb6: {  	[dreg:$0x4] =	wrdreg s16  }
0xb7: {  	[dreg:$0x5] =	wrdreg $0x82000  }
0xb8: {  	[dreg:$0x6] =	wrdreg $0xA  }
0xb9: {  	_ =	task.clear_ibuf [dreg:s8], $0x7FFFF;
	_ =	strace $0x90000046  }
0xba: {  	s29 =	simm.s32 $0xA;
	_ =	strace $0x80000048  }
0xbb: {  	_ =	swait.ge [sflag:s29], $0x1  }
0xbc: {  	[sflag:s29] =	ssyncadd.s32 $0xFFFFFFFF  }
0xbd: {  	_ =	strace $0x90000048  }
0xbe: {  	_ =	sfence  }
0xbf: {  	s30 =	sld [smem:$0x0];
	_ =	sdelay $0x2  }
0xc0: {  	s31 =	sshll.u32 s1, $0xD;
	s1 =	sshrl.u32 s1, $0x2  }
0xc1: {  	s3 =	sand.u32 $0x4000, s31;
	s1 =	sadd.s32 s1, s30  }
0xc2: {  	s0 =	sor.u32 s3, s0;
	s1 =	sshll.u32 s1, $0x11  }
0xc3: {  	s0 =	sor.u32 s1, s0  }
0xc4: {  	s0 =	sadd.s32 $0x8F2B, s0  }
0xc5: {  	[sflag:s0] =	ssyncadd.remote.s32 $0x1  }
0xc6: {  	_ =	sfence.sel $0xFFFF  }
0xc7: {  	[dreg:$0x0] =	wrdreg $0xFFFFFFFF;
	(pc) =	sbr.abs _section_cstart, $3  }
0xc8: {  	[dreg:$0x1] =	wrdreg $0xFFFFFFFF  }
0xc9: {  	_ =	task.clear_ibuf [dreg:s8], $0x2FFFF;
	_ =	strace $0x9FFFFFFF  }
0xca: {  	(tm) =	ssettm $0x7FFFFFFF  }
0xcb: {  	_ =	shalt  }
tec
execute0_lowered:
.L_overlay_start_1:
0x0: {  	(tag) =	ssettag $0x1  }
0x1: {  	s0 =	rddreg [dreg:$0x0]  }
0x2: {  	s1 =	rddreg [dreg:$0x1]  }
0x3: {  	s3 =	rddreg [dreg:$0x3];
	s4 =	simm.s32 $0x0  }
0x4: {  	s2 =	srdreg.scid;
	s13 =	stileid.u32;
	s28 =	simm.s32 $0x3  }
0x5: {  	s29 =	simm.s32 $0x100;
	s30 =	simm.s32 $0x1;
	s31 =	simm.s32 $0x80  }
0x6: {  	[smem:$0x7FF] =	sst s4;
	s2 =	sand.u32 $0x1, s2;
	s6 =	sadd.s32 $0xD000, s0  }
0x7: {  	s7 =	sadd.s32 $0x3000, s0;
	s0 =	sadd.s32 $0x35000, s0;
	s10 =	smul.u32 $0x50000, s13  }
0x8: {  	s9 =	sshll.u32 s13, $0xC;
	s11 =	sshll.u32 s13, $0xE;
	s13 =	smul.u32 $0x14000, s13  }
0x9: {  	_ =	strace $0x80000047;
	s5 =	ssub.s32 $0x2, s2;
	p0 =	seq.s32 s2, $0x0  }
0xa: {  	s12 =	sor.u32 $0x40000, s9;
	s2 =	smul.u32 $0x140000, s2;
	s8 =	sshrl.u32 s5, $0x1  }
0xb: {  	s12 =	smov.u32 @p0 s11;
	s22 =	sshrl.u32 s10, $0x2;
	s14 =	sadd.s32 $0x4000, s13  }
0xc: {  	s15 =	sadd.s32 $0x8000, s13;
	s16 =	sadd.s32 $0xC000, s13;
	s17 =	sadd.s32 $0x10000, s13  }
0xd: {  	s5 =	ssub.s32 s5, s8;
	s8 =	sadd.s32 s22, s3;
	s9 =	sadd.s32 s14, s3  }
0xe: {  	s10 =	sadd.s32 s15, s3;
	s11 =	sadd.s32 s16, s3;
	s18 =	sshrl.u32 s12, $0x3  }
0xf: {  	s12 =	sadd.s32 s17, s3;
	s13 =	sadd.s32 s13, s2;
	s14 =	sadd.s32 s2, s14  }
0x10: {  	s15 =	sadd.s32 s2, s15;
	s16 =	sadd.s32 s2, s16;
	s2 =	sadd.s32 s2, s17  }
0x11: {  	s17 =	simm.s32 $0x3F;
	s19 =	sor.u32 $0x10, s18;
	s20 =	sadd.s32 s1, s18  }
0x12: {  	s23 =	sadd.s32 s7, s18;
	s13 =	sshrl.u32 s13, $0x3;
	s14 =	sshrl.u32 s14, $0x3  }
0x13: {  	s17 =	simm.s32 @!p0 $0xF;
	s25 =	sshrl.u32 s15, $0x3;
	[dreg:$0x5] =	wrdreg s20  }
0x14: {  	s26 =	sshrl.u32 s16, $0x3;
	s2 =	sshrl.u32 s2, $0x3;
	[dreg:$0x6] =	wrdreg s23  }
0x15: {  	s24 =	sadd.s32 s1, s19;
	s19 =	sadd.s32 s7, s19;
	s13 =	sadd.s32 s0, s13  }
0x16: {  	s20 =	sadd.s32 s0, s25;
	s21 =	sadd.s32 s0, s26;
	s22 =	sadd.s32 s0, s2  }
0x17: {  	s23 =	smax.u32 s5, $0x1;
	s25 =	sor.u32 $0x20, s18;
	[dreg:$0x7] =	wrdreg s24  }
0x18: {  	s26 =	simm.s32 $0x200;
	s5 =	simm.s32 $0x4200;
	[dreg:$0x8] =	wrdreg s19  }
0x19: {  	s2 =	simm.s32 $0x2;
	[dreg:$0x9] =	wrdreg s13;
	s19 =	sadd.s32 s0, s14  }
0x1a: {  	s24 =	sor.u32 $0x30, s18;
	s0 =	simm.s32 $0x180;
	s13 =	simm.s32 $0x0  }
.LBB2_1:
0x1b: {  	s14 =	rddreg [dreg:$0x2]  }
0x1c: {  	[tilespmem:s26], [sflag:$0x3] =	stream.linear.gather [hbm4b:s14+s4], $0x4000, $0x38;
	[tilespmem:$0x1C200] =	vst v63  }
0x1d: {  	_ =	swait.ge [sflag:s28], $0x4000  }
0x1e: {  	[sflag:s28] =	ssyncset.done $0x0  }
0x1f: {  	[sflag:s28] =	ssyncadd.s32 $0xFFFFC000  }
0x20: {  	[spmem:s8] =	stream.linear.scatter [tilespmem:s26], [sflag:$0x3], $0x4000, $0x38;
	[tilespmem:$0x1C200] =	vst v63  }
0x21: {  	_ =	swait.ge [sflag:s28], $0x4000  }
0x22: {  	[sflag:s28] =	ssyncset.done $0x0  }
0x23: {  	[sflag:s28] =	ssyncadd.s32 $0xFFFFC000  }
0x24: {  	[spmem:s9] =	stream.linear.scatter [tilespmem:s26], [sflag:$0x3], $0x4000, $0x38;
	[tilespmem:$0x1C200] =	vst v63  }
0x25: {  	_ =	swait.ge [sflag:s28], $0x4000  }
0x26: {  	[sflag:s28] =	ssyncset.done $0x0  }
0x27: {  	[sflag:s28] =	ssyncadd.s32 $0xFFFFC000  }
0x28: {  	[spmem:s10] =	stream.linear.scatter [tilespmem:s26], [sflag:$0x3], $0x4000, $0x38;
	[tilespmem:$0x1C200] =	vst v63  }
0x29: {  	_ =	swait.ge [sflag:s28], $0x4000  }
0x2a: {  	[sflag:s28] =	ssyncset.done $0x0  }
0x2b: {  	[sflag:s28] =	ssyncadd.s32 $0xFFFFC000  }
0x2c: {  	[spmem:s11] =	stream.linear.scatter [tilespmem:s26], [sflag:$0x3], $0x4000, $0x38;
	[tilespmem:$0x1C200] =	vst v63  }
0x2d: {  	_ =	swait.ge [sflag:s28], $0x4000  }
0x2e: {  	[sflag:s28] =	ssyncset.done $0x0  }
0x2f: {  	[sflag:s28] =	ssyncadd.s32 $0xFFFFC000  }
0x30: {  	[spmem:s12] =	stream.linear.scatter [tilespmem:s26], [sflag:$0x3], $0x4000, $0x38;
	[tilespmem:$0x1C200] =	vst v63  }
0x31: {  	_ =	swait.ge [sflag:s28], $0x4000  }
0x32: {  	[sflag:s28] =	ssyncset.done $0x0  }
0x33: {  	[sflag:s28] =	ssyncadd.s32 $0xFFFFC000  }
0x34: {  	[bflag:$0x0] =	sbarrier.arrive $0xFFFF  }
0x35: {  	s18 =	rddreg [dreg:$0x5]  }
0x36: {  	[tilespmem:s4], [sflag:$0x1] =	stream.linear.gather [hbm4b:s18+s4], $0x80, $0x38;
	[tilespmem:$0x1C200] =	vst v63  }
0x37: {  	s15 =	rddreg [dreg:$0x6]  }
0x38: {  	[tilespmem:s29], [sflag:$0x1] =	stream.linear.gather [hbm4b:s15+s4], $0x80, $0x38;
	[tilespmem:$0x1C200] =	vst v63  }
0x39: {  	_ =	swait.ge [sflag:s30], $0x80  }
0x3a: {  	[sflag:s30] =	ssyncset.done $0x0  }
0x3b: {  	[sflag:s30] =	ssyncadd.s32 $0xFFFFFF80  }
0x3c: {  	_ =	swait.ge [sflag:s30], $0x80  }
0x3d: {  	[sflag:s30] =	ssyncset.done $0x0  }
0x3e: {  	[sflag:s30] =	ssyncadd.s32 $0xFFFFFF80  }
0x3f: {  	[tilespmem:s26], [sflag:$0x2] =	stream.indirect.gather [hbm4b:s6+s31], $0x80, s4, s31, $0xb8;
	[tilespmem:$0x1C200] =	vst v63  }
0x40: {  	s16 =	rddreg [dreg:$0x7]  }
0x41: {  	[tilespmem:s31], [sflag:$0x1] =	stream.linear.gather [hbm4b:s16+s4], $0x80, $0x38;
	[tilespmem:$0x1C200] =	vst v63  }
0x42: {  	s18 =	rddreg [dreg:$0x8]  }
0x43: {  	[tilespmem:s0], [sflag:$0x1] =	stream.linear.gather [hbm4b:s18+s4], $0x80, $0x38;
	[tilespmem:$0x1C200] =	vst v63  }
0x44: {  	_ =	swait.ge [sflag:s30], $0x80  }
0x45: {  	[sflag:s30] =	ssyncset.done $0x0  }
0x46: {  	[sflag:s30] =	ssyncadd.s32 $0xFFFFFF80  }
0x47: {  	_ =	swait.ge [sflag:s30], $0x80  }
0x48: {  	[sflag:s30] =	ssyncset.done $0x0  }
0x49: {  	[sflag:s30] =	ssyncadd.s32 $0xFFFFFF80  }
0x4a: {  	[tilespmem:s5], [sflag:$0x2] =	stream.indirect.gather [hbm4b:s6+s31], $0x80, s31, s31, $0xb8;
	[tilespmem:$0x1C200] =	vst v63  }
0x4b: {  	_ =	swait.ge [sflag:s2], $0x4000  }
0x4c: {  	[sflag:s2] =	ssyncset.done $0x0  }
0x4d: {  	[sflag:s2] =	ssyncadd.s32 $0xFFFFC000  }
0x4e: {  	[spmem:s3] =	stream.indirect.scatter.add.f32 [tilespmem:s26], [sflag:$0x3], $0x80, s29, s31, $0xb8;
	[tilespmem:$0x1C200] =	vst v63  }
0x4f: {  	_ =	swait.ge [sflag:s28], $0x4000  }
0x50: {  	[sflag:s28] =	ssyncset.done $0x0  }
0x51: {  	s15 =	sadd.s32 s1, s25;
	[sflag:s28] =	ssyncadd.s32 $0xFFFFC000  }
0x52: {  	[tilespmem:s4], [sflag:$0x1] =	stream.linear.gather [hbm4b:s15+s4], $0x80, $0x38;
	[tilespmem:$0x1C200] =	vst v63  }
0x53: {  	s16 =	sadd.s32 s7, s25  }
0x54: {  	[tilespmem:s29], [sflag:$0x1] =	stream.linear.gather [hbm4b:s16+s4], $0x80, $0x38;
	[tilespmem:$0x1C200] =	vst v63  }
0x55: {  	_ =	swait.ge [sflag:s30], $0x80  }
0x56: {  	[sflag:s30] =	ssyncset.done $0x0  }
0x57: {  	[sflag:s30] =	ssyncadd.s32 $0xFFFFFF80  }
0x58: {  	_ =	swait.ge [sflag:s30], $0x80  }
0x59: {  	[sflag:s30] =	ssyncset.done $0x0  }
0x5a: {  	[sflag:s30] =	ssyncadd.s32 $0xFFFFFF80  }
0x5b: {  	[tilespmem:s26], [sflag:$0x2] =	stream.indirect.gather [hbm4b:s6+s31], $0x80, s4, s31, $0xb8;
	[tilespmem:$0x1C200] =	vst v63  }
0x5c: {  	_ =	swait.ge [sflag:s2], $0x4000  }
0x5d: {  	[sflag:s2] =	ssyncset.done $0x0  }
0x5e: {  	p0 =	sne.s32 s17, $0x1;
	[sflag:s2] =	ssyncadd.s32 $0xFFFFC000  }
0x5f: {  	[spmem:s3] =	stream.indirect.scatter.add.f32 [tilespmem:s5], [sflag:$0x3], $0x80, s0, s31, $0xb8;
	[tilespmem:$0x1C200] =	vst v63  }
.Ltmp0:
0x60: {  	_ =	swait.ge [sflag:s28], $0x4000;
	(pc) =	sbr.rel @!p0 .LBB2_3-.Ltmp0, $4  }
0x61: {  	[sflag:s28] =	ssyncset.done $0x0  }
0x62: {  	s14 =	sadd.s32 $0xFFFFFFFF, s17;
	s18 =	sadd.s32 s1, s24;
	[sflag:s28] =	ssyncadd.s32 $0xFFFFC000  }
0x63: {  	[tilespmem:s31], [sflag:$0x1] =	stream.linear.gather [hbm4b:s18+s4], $0x80, $0x38;
	[tilespmem:$0x1C200] =	vst v63  }
0x64: {  	s15 =	sadd.s32 $0x20, s7;
	s16 =	sadd.s32 $0x20, s1;
	s18 =	sadd.s32 s7, s24  }
.LBB2_2:
0x65: {  	[tilespmem:s0], [sflag:$0x1] =	stream.linear.gather [hbm4b:s18+s4], $0x80, $0x38;
	[tilespmem:$0x1C200] =	vst v63  }
0x66: {  	p0 =	sne.s32 s14, $0x1;
	s14 =	sadd.s32 $0xFFFFFFFF, s14;
	_ =	swait.ge [sflag:s30], $0x80  }
0x67: {  	[sflag:s30] =	ssyncset.done $0x0  }
0x68: {  	[sflag:s30] =	ssyncadd.s32 $0xFFFFFF80  }
0x69: {  	_ =	swait.ge [sflag:s30], $0x80  }
0x6a: {  	[sflag:s30] =	ssyncset.done $0x0  }
0x6b: {  	[sflag:s30] =	ssyncadd.s32 $0xFFFFFF80  }
0x6c: {  	[tilespmem:s5], [sflag:$0x2] =	stream.indirect.gather [hbm4b:s6+s31], $0x80, s31, s31, $0xb8;
	[tilespmem:$0x1C200] =	vst v63  }
0x6d: {  	_ =	swait.ge [sflag:s2], $0x4000  }
0x6e: {  	[sflag:s2] =	ssyncset.done $0x0  }
0x6f: {  	[sflag:s2] =	ssyncadd.s32 $0xFFFFC000  }
0x70: {  	[spmem:s3] =	stream.indirect.scatter.add.f32 [tilespmem:s26], [sflag:$0x3], $0x80, s29, s31, $0xb8;
	[tilespmem:$0x1C200] =	vst v63  }
0x71: {  	_ =	swait.ge [sflag:s28], $0x4000  }
0x72: {  	[sflag:s28] =	ssyncset.done $0x0  }
0x73: {  	s18 =	sadd.s32 s16, s25;
	[sflag:s28] =	ssyncadd.s32 $0xFFFFC000  }
0x74: {  	[tilespmem:s4], [sflag:$0x1] =	stream.linear.gather [hbm4b:s18+s4], $0x80, $0x38;
	[tilespmem:$0x1C200] =	vst v63  }
0x75: {  	s18 =	sadd.s32 s15, s25  }
0x76: {  	[tilespmem:s29], [sflag:$0x1] =	stream.linear.gather [hbm4b:s18+s4], $0x80, $0x38;
	[tilespmem:$0x1C200] =	vst v63  }
0x77: {  	_ =	swait.ge [sflag:s30], $0x80  }
0x78: {  	[sflag:s30] =	ssyncset.done $0x0  }
0x79: {  	[sflag:s30] =	ssyncadd.s32 $0xFFFFFF80  }
0x7a: {  	_ =	swait.ge [sflag:s30], $0x80  }
0x7b: {  	[sflag:s30] =	ssyncset.done $0x0  }
0x7c: {  	[sflag:s30] =	ssyncadd.s32 $0xFFFFFF80  }
0x7d: {  	[tilespmem:s26], [sflag:$0x2] =	stream.indirect.gather [hbm4b:s6+s31], $0x80, s4, s31, $0xb8;
	[tilespmem:$0x1C200] =	vst v63  }
0x7e: {  	_ =	swait.ge [sflag:s2], $0x4000  }
0x7f: {  	[sflag:s2] =	ssyncset.done $0x0  }
0x80: {  	[sflag:s2] =	ssyncadd.s32 $0xFFFFC000  }
0x81: {  	[spmem:s3] =	stream.indirect.scatter.add.f32 [tilespmem:s5], [sflag:$0x3], $0x80, s0, s31, $0xb8;
	[tilespmem:$0x1C200] =	vst v63  }
.Ltmp1:
0x82: {  	_ =	swait.ge [sflag:s28], $0x4000;
	(pc) =	sbr.rel @p0 .LBB2_2-.Ltmp1, $4  }
0x83: {  	[sflag:s28] =	ssyncset.done $0x0  }
0x84: {  	s18 =	sadd.s32 s16, s24;
	[sflag:s28] =	ssyncadd.s32 $0xFFFFC000  }
0x85: {  	[tilespmem:s31], [sflag:$0x1] =	stream.linear.gather [hbm4b:s18+s4], $0x80, $0x38;
	[tilespmem:$0x1C200] =	vst v63  }
0x86: {  	s16 =	sadd.s32 $0x20, s16;
	s18 =	sadd.s32 s15, s24;
	s15 =	sadd.s32 $0x20, s15  }
.LBB2_3:
0x87: {  	[tilespmem:s0], [sflag:$0x1] =	stream.linear.gather [hbm4b:s18+s4], $0x80, $0x38;
	[tilespmem:$0x1C200] =	vst v63  }
0x88: {  	_ =	swait.ge [sflag:s30], $0x80  }
0x89: {  	[sflag:s30] =	ssyncset.done $0x0  }
0x8a: {  	[sflag:s30] =	ssyncadd.s32 $0xFFFFFF80  }
0x8b: {  	_ =	swait.ge [sflag:s30], $0x80  }
0x8c: {  	[sflag:s30] =	ssyncset.done $0x0  }
0x8d: {  	[sflag:s30] =	ssyncadd.s32 $0xFFFFFF80  }
0x8e: {  	[tilespmem:s5], [sflag:$0x2] =	stream.indirect.gather [hbm4b:s6+s31], $0x80, s31, s31, $0xb8;
	[tilespmem:$0x1C200] =	vst v63  }
0x8f: {  	_ =	swait.ge [sflag:s2], $0x4000  }
0x90: {  	[sflag:s2] =	ssyncset.done $0x0  }
0x91: {  	[sflag:s2] =	ssyncadd.s32 $0xFFFFC000  }
0x92: {  	[spmem:s3] =	stream.indirect.scatter.add.f32 [tilespmem:s26], [sflag:$0x3], $0x80, s29, s31, $0xb8;
	[tilespmem:$0x1C200] =	vst v63  }
0x93: {  	_ =	swait.ge [sflag:s28], $0x4000  }
0x94: {  	[sflag:s28] =	ssyncset.done $0x0  }
0x95: {  	[sflag:s28] =	ssyncadd.s32 $0xFFFFC000  }
0x96: {  	_ =	swait.ge [sflag:s2], $0x4000  }
0x97: {  	[sflag:s2] =	ssyncset.done $0x0  }
0x98: {  	[sflag:s2] =	ssyncadd.s32 $0xFFFFC000  }
0x99: {  	[spmem:s3] =	stream.indirect.scatter.add.f32 [tilespmem:s5], [sflag:$0x3], $0x80, s0, s31, $0xb8;
	[tilespmem:$0x1C200] =	vst v63  }
0x9a: {  	_ =	swait.ge [sflag:s28], $0x4000  }
0x9b: {  	[sflag:s28] =	ssyncset.done $0x0  }
0x9c: {  	[sflag:s28] =	ssyncadd.s32 $0xFFFFC000  }
0x9d: {  	[bflag:$0x0] =	sbarrier.arrive $0xFFFF  }
0x9e: {  	[tilespmem:s26], [sflag:$0x3] =	stream.linear.gather [spmem:s8], $0x4000, $0x38;
	[tilespmem:$0x1C200] =	vst v63  }
0x9f: {  	_ =	swait.ge [sflag:s28], $0x4000  }
0xa0: {  	[sflag:s28] =	ssyncset.done $0x0  }
0xa1: {  	s14 =	rddreg [dreg:$0x9];
	[sflag:s28] =	ssyncadd.s32 $0xFFFFC000  }
0xa2: {  	[hbm4b:s14+s4] =	stream.linear.scatter [tilespmem:s26], [sflag:$0x3], $0x4000, $0x38;
	[tilespmem:$0x1C200] =	vst v63  }
0xa3: {  	_ =	swait.ge [sflag:s28], $0x4000  }
0xa4: {  	[sflag:s28] =	ssyncset.done $0x0  }
0xa5: {  	[sflag:s28] =	ssyncadd.s32 $0xFFFFC000  }
0xa6: {  	[tilespmem:s26], [sflag:$0x3] =	stream.linear.gather [spmem:s9], $0x4000, $0x38;
	[tilespmem:$0x1C200] =	vst v63  }
0xa7: {  	_ =	swait.ge [sflag:s28], $0x4000  }
0xa8: {  	[sflag:s28] =	ssyncset.done $0x0  }
0xa9: {  	[sflag:s28] =	ssyncadd.s32 $0xFFFFC000  }
0xaa: {  	[hbm4b:s19+s4] =	stream.linear.scatter [tilespmem:s26], [sflag:$0x3], $0x4000, $0x38;
	[tilespmem:$0x1C200] =	vst v63  }
0xab: {  	_ =	swait.ge [sflag:s28], $0x4000  }
0xac: {  	[sflag:s28] =	ssyncset.done $0x0  }
0xad: {  	[sflag:s28] =	ssyncadd.s32 $0xFFFFC000  }
0xae: {  	[tilespmem:s26], [sflag:$0x3] =	stream.linear.gather [spmem:s10], $0x4000, $0x38;
	[tilespmem:$0x1C200] =	vst v63  }
0xaf: {  	_ =	swait.ge [sflag:s28], $0x4000  }
0xb0: {  	[sflag:s28] =	ssyncset.done $0x0  }
0xb1: {  	[sflag:s28] =	ssyncadd.s32 $0xFFFFC000  }
0xb2: {  	[hbm4b:s20+s4] =	stream.linear.scatter [tilespmem:s26], [sflag:$0x3], $0x4000, $0x38;
	[tilespmem:$0x1C200] =	vst v63  }
0xb3: {  	_ =	swait.ge [sflag:s28], $0x4000  }
0xb4: {  	[sflag:s28] =	ssyncset.done $0x0  }
0xb5: {  	[sflag:s28] =	ssyncadd.s32 $0xFFFFC000  }
0xb6: {  	[tilespmem:s26], [sflag:$0x3] =	stream.linear.gather [spmem:s11], $0x4000, $0x38;
	[tilespmem:$0x1C200] =	vst v63  }
0xb7: {  	_ =	swait.ge [sflag:s28], $0x4000  }
0xb8: {  	[sflag:s28] =	ssyncset.done $0x0  }
0xb9: {  	[sflag:s28] =	ssyncadd.s32 $0xFFFFC000  }
0xba: {  	[hbm4b:s21+s4] =	stream.linear.scatter [tilespmem:s26], [sflag:$0x3], $0x4000, $0x38;
	[tilespmem:$0x1C200] =	vst v63  }
0xbb: {  	_ =	swait.ge [sflag:s28], $0x4000  }
0xbc: {  	[sflag:s28] =	ssyncset.done $0x0  }
0xbd: {  	[sflag:s28] =	ssyncadd.s32 $0xFFFFC000  }
0xbe: {  	[tilespmem:s26], [sflag:$0x3] =	stream.linear.gather [spmem:s12], $0x4000, $0x38;
	[tilespmem:$0x1C200] =	vst v63  }
0xbf: {  	s13 =	sadd.s32 $0x1, s13;
	_ =	swait.ge [sflag:s28], $0x4000  }
0xc0: {  	p0 =	sne.s32 s13, s23;
	[sflag:s28] =	ssyncset.done $0x0  }
.Ltmp2:
0xc1: {  	[sflag:s28] =	ssyncadd.s32 $0xFFFFC000;
	(pc) =	sbr.rel @p0 .LBB2_1-.Ltmp2, $4  }
0xc2: {  	[hbm4b:s22+s4] =	stream.linear.scatter [tilespmem:s26], [sflag:$0x3], $0x4000, $0x38;
	[tilespmem:$0x1C200] =	vst v63  }
0xc3: {  	_ =	swait.ge [sflag:s28], $0x4000  }
0xc4: {  	[sflag:s28] =	ssyncset.done $0x0  }
0xc5: {  	[sflag:s28] =	ssyncadd.s32 $0xFFFFC000  }
0xc6: {  	_ =	sfence.sel $0x180000  }
0xc7: {  	[bflag:$0x0] =	sbarrier.arrive $0xFFFF  }
0xc8: {  	_ =	strace $0x90000047  }
0xc9: {  	s0 =	stileid.u32;
	[bflag:$0x2] =	sbarrier.arrive $0xFFFF  }
0xca: {  	p0 =	sne.s32 s0, $0x0;
	s0 =	rddreg [dreg:$0x4]  }
0xcb: {  	s0 =	sadd.s32 @!p0 $0x100000, s0  }
0xcc: {  	[sflag:s0] =	ssyncadd.tile.s32 @!p0 $0x1;
	_ =	shalt  }
.Lfunc_end2:
_tile_overlayer_lowered:
.L_overlay_start_2:
0xcd: {  	(tag) =	ssettag $0x2  }
0xce: {  	s0 =	rddreg [dreg:$0x0];
	s2 =	stileid.u32  }
0xcf: {  	s1 =	rddreg [dreg:$0x1];
	p0 =	sne.s32 s2, $0x0  }
0xd0: {  	s3 =	rddreg [dreg:$0x2];
	[bflag:$0x3] =	sbarrier.arrive $0xFFFF;
	s2 =	simm.s32 @!p0 $0x1C03  }
0xd1: {  	[timem:s3], [sflag:s2] =	dma.local @!p0 [hbm:s0], s1  }
0xd2: {  	s0 =	simm.s32 @!p0 $0x3  }
0xd3: {  	_ =	swait.ge @!p0 [sflag:s0], s1  }
0xd4: {  	s1 =	ssub.s32 @!p0 $0x0, s1;
	[sflag:s0] =	ssyncset.done @!p0 $0x0  }
0xd5: {  	[sflag:s0] =	ssyncadd.s32 @!p0 s1  }
0xd6: {  	[bflag:$0x3] =	sbarrier.arrive $0xFFFF  }
0xd7: {  	_ =	shalt  }

// kernel: kernel.15.cloned.1.call-start
scs
__scs_entry_jumppad:
0x0: {  	(pc) =	sbr.rel $0x88, $3  }
0x1: {  	(tag) =	ssettag $0x0;
	lr =	simm.s32 $0x1  }
0x2: {  	[smem:$0x3F92] =	sst lr;
	_ =	strace $0xD0000000  }
0x3: {  	_ = 	snop  }
0x4: {  	_ = 	snop  }
0x5: {  	_ = 	snop  }
0x6: {  	_ = 	snop  }
0x7: {  	_ = 	snop  }
__scs_overlays_trampoline_lowered:
0x8: {  	[smem:$0x3FA1] =	sst s0  }
0x9: {  	[smem:$0x3FA2] =	sst s1  }
0xa: {  	[smem:$0x3FA3] =	sst s2  }
0xb: {  	[smem:$0x3FA4] =	sst s3  }
0xc: {  	[smem:$0x3FA5] =	sst s4  }
0xd: {  	[smem:$0x3FA6] =	sst s5  }
0xe: {  	[smem:$0x3FA7] =	sst s6  }
0xf: {  	[smem:$0x3FA8] =	sst s7  }
0x10: {  	[smem:$0x3FA9] =	sst s8  }
0x11: {  	[smem:$0x3FAA] =	sst s9;
	s0 =	simm.s32 @!p0 $0x0  }
0x12: {  	s1 =	sld [smem:$0x3F90];
	s0 =	simm.s32 @p0 $0x1  }
0x13: {  	[smem:$0x3FAB] =	sst s0;
	s0 =	simm.s32 @!p1 $0x0  }
0x14: {  	s2 =	sld [smem:$0x3F8F];
	s0 =	simm.s32 @p1 $0x1  }
0x15: {  	[smem:$0x3FAC] =	sst s0;
	s0 =	simm.s32 @!p2 $0x0  }
0x16: {  	s3 =	sld [smem:$0x3FDB];
	s0 =	simm.s32 @p2 $0x1  }
0x17: {  	s4 =	simm.s32 $0x1BF5;
	[smem:$0x3FAE] =	sst s0  }
0x18: {  	s0 =	sld [smem:$0x3F91];
	_ =	swait.ge [sflag:s4], $0x0  }
0x19: {  	s7 =	sld [smem:$0x3F92]  }
0x1a: {  	s8 =	sadd.s32 $0xFFFFE003, lr  }
0x1b: {  	s9 =	sadd.s32 $0xFFFFFEF7, lr;
	s5 =	simm.s32 $0xFFFFFFFF;
	p2 =	slt.u32 s8, $0xFFFFF086  }
0x1c: {  	p1 =	slt.u32 s9, $0xF7A;
	s5 =	simm.s32 @!p2 $0x0  }
0x1d: {  	s5 =	simm.s32 @p1 $0x1;
	p0 =	seq.s32 s7, s2  }
0x1e: {  	s7 =	smul.u32 @!p0 $0xF7A, s2;
	p2 =	seq.s32 @!p0 s5, $0x0  }
0x1f: {  	s9 =	smul.u32 $0xF7A, s1;
	s8 =	simm.s32 @!p0 $0x1BF5;
	p2 =	por !p2, p0  }
0x20: {  	[sflag:s8] =	ssyncset.s32 @!p0 $0xFFFFF086;
	s6 =	sadd.s32 @!p0 s3, s7;
	s7 =	simm.s32 @!p0 $0x108  }
0x21: {  	s3 =	sadd.s32 s3, s9;
	s6 =	sadd.s32 @!p0 $0x88, s6;
	s7 =	simm.s32 @p2 $0x1082  }
0x22: {  	[simem:s7], [sflag:s8] =	dma.local @!p0 [hbm:s6], $0xF7A  }
0x23: {  	s9 =	sor.u32 $0xD0000000, s2;
	s6 =	simm.s32 $0x108;
	_ =	swait.ge @!p0 [sflag:s8], $0x0  }
0x24: {  	s3 =	sadd.s32 $0x88, s3;
	s6 =	simm.s32 @!p1 $0x1082;
	[sflag:s4] =	ssyncset.s32 $0xFFFFF086  }
0x25: {  	[simem:s6], [sflag:s4] =	dma.local [hbm:s3], $0xF7A  }
0x26: {  	[smem:$0x3F92] =	sst s1;
	(tag) =	ssettag s2;
	_ =	strace s9  }
0x27: {  	s1 =	sld [smem:$0x3FA2]  }
0x28: {  	s2 =	sld [smem:$0x3FA3]  }
0x29: {  	s4 =	sld [smem:$0x3FA5]  }
0x2a: {  	p0 =	seq.s32 s5, $0x0;
	s5 =	sld [smem:$0x3FA6]  }
0x2b: {  	s6 =	sld [smem:$0x3FA7]  }
0x2c: {  	s7 =	sld [smem:$0x3FA8]  }
0x2d: {  	s3 =	simm.s32 $0x108;
	s8 =	sld [smem:$0x3FA9]  }
0x2e: {  	s3 =	simm.s32 @!p0 $0x1082;
	s9 =	sld [smem:$0x3FAA]  }
0x2f: {  	lr =	sadd.s32 s0, s3;
	s0 =	sld [smem:$0x3FA1]  }
0x30: {  	s3 =	sld [smem:$0x3FA4]  }
0x31: {  	[smem:$0x3FAD] =	sst s10  }
0x32: {  	s10 =	sld [smem:$0x3FAB];
	_ =	sdelay $0x3  }
0x33: {  	p0 =	seq.s32 s10, $0x1;
	s10 =	sld [smem:$0x3FAD];
	_ =	sdelay $0x3  }
0x34: {  	[smem:$0x3FAD] =	sst s10  }
0x35: {  	s10 =	sld [smem:$0x3FAC];
	_ =	sdelay $0x3  }
0x36: {  	p1 =	seq.s32 s10, $0x1;
	s10 =	sld [smem:$0x3FAD];
	_ =	sdelay $0x3  }
0x37: {  	[smem:$0x3FAD] =	sst s10  }
0x38: {  	s10 =	sld [smem:$0x3FAE]  }
0x39: {  	_ = 	snop;
	(pc) =	sbr.ind lr, $3  }
0x3a: {  	_ = 	snop  }
0x3b: {  	_ = 	snop  }
0x3c: {  	p2 =	seq.s32 s10, $0x1;
	s10 =	sld [smem:$0x3FAD]  }
0x3d: {  	_ =	shalt  }
0x3e: {  	_ =	shalt  }
0x3f: {  	_ =	shalt  }
0x40: {  	_ =	shalt  }
0x41: {  	_ =	shalt  }
0x42: {  	_ =	shalt  }
0x43: {  	_ =	shalt  }
0x44: {  	_ =	shalt  }
0x45: {  	_ =	shalt  }
0x46: {  	_ =	shalt  }
0x47: {  	_ =	shalt  }
0x48: {  	_ =	shalt  }
0x49: {  	_ =	shalt  }
0x4a: {  	_ =	shalt  }
0x4b: {  	_ =	shalt  }
0x4c: {  	_ =	shalt  }
0x4d: {  	_ =	shalt  }
0x4e: {  	_ =	shalt  }
0x4f: {  	_ =	shalt  }
0x50: {  	_ =	shalt  }
0x51: {  	_ =	shalt  }
0x52: {  	_ =	shalt  }
0x53: {  	_ =	shalt  }
0x54: {  	_ =	shalt  }
0x55: {  	_ =	shalt  }
0x56: {  	_ =	shalt  }
0x57: {  	_ =	shalt  }
0x58: {  	_ =	shalt  }
0x59: {  	_ =	shalt  }
0x5a: {  	_ =	shalt  }
0x5b: {  	_ =	shalt  }
0x5c: {  	_ =	shalt  }
0x5d: {  	_ =	shalt  }
0x5e: {  	_ =	shalt  }
0x5f: {  	_ =	shalt  }
0x60: {  	_ =	shalt  }
0x61: {  	_ =	shalt  }
0x62: {  	_ =	shalt  }
0x63: {  	_ =	shalt  }
0x64: {  	_ =	shalt  }
0x65: {  	_ =	shalt  }
0x66: {  	_ =	shalt  }
0x67: {  	_ =	shalt  }
0x68: {  	_ =	shalt  }
0x69: {  	_ =	shalt  }
0x6a: {  	_ =	shalt  }
0x6b: {  	_ =	shalt  }
0x6c: {  	_ =	shalt  }
0x6d: {  	_ =	shalt  }
0x6e: {  	_ =	shalt  }
0x6f: {  	_ =	shalt  }
0x70: {  	_ =	shalt  }
0x71: {  	_ =	shalt  }
0x72: {  	_ =	shalt  }
0x73: {  	_ =	shalt  }
0x74: {  	_ =	shalt  }
0x75: {  	_ =	shalt  }
0x76: {  	_ =	shalt  }
0x77: {  	_ =	shalt  }
0x78: {  	_ =	shalt  }
0x79: {  	_ =	shalt  }
0x7a: {  	_ =	shalt  }
0x7b: {  	_ =	shalt  }
0x7c: {  	_ =	shalt  }
0x7d: {  	_ =	shalt  }
0x7e: {  	_ =	shalt  }
0x7f: {  	_ =	shalt  }
0x80: {  	_ =	shalt  }
0x81: {  	_ =	shalt  }
0x82: {  	_ =	shalt  }
0x83: {  	_ =	shalt  }
0x84: {  	_ =	shalt  }
0x85: {  	_ =	shalt  }
0x86: {  	_ =	shalt  }
0x87: {  	_ =	shalt  }
.Lfunc_end0:
.L_simem_size_0:
called_computation.2_lowered:
.L_overlay_start_0:
0x88: {  	s2 =	sld [smem:$0x3FD9]  }
0x89: {  	s3 =	sld [smem:$0x3FFE];
	_ =	sdelay $0x1  }
0x8a: {  	s1 =	srdreg.scid  }
0x8b: {  	s0 =	sand.u32 $0x1, s1  }
0x8c: {  	s14 =	sshll.u32 s0, $0xA;
	s2 =	sadd.s32 s3, s2  }
0x8d: {  	s2 =	sadd.s32 s2, s14  }
0x8e: {  	[smem:$0x3FB9] =	sst s2  }
0x8f: {  	_ = 	snop  }
0x90: {  	s2 =	sld [smem:$0x3FD0];
	_ =	sdelay $0x2  }
0x91: {  	s15 =	simm.s32 $0xB;
	s4 =	simm.s32 $0x10  }
0x92: {  	[smem:s4], [sflag:s15] =	dma.local [hbm:s2], $0x1  }
0x93: {  	_ =	swait.eq [sflag:s15], $0x1  }
0x94: {  	[sflag:s15] =	ssyncset.done $0x0  }
0x95: {  	s16 =	sld [smem:$0x10];
	[sflag:s15] =	ssyncadd.s32 $0xFFFFFFFF  }
0x96: {  	s17 =	sld [smem:$0x11];
	(tm) =	ssettm $0x1  }
0x97: {  	s18 =	sld [smem:$0x3FFB];
	_ =	sdelay $0x3  }
0x98: {  	_ =	strace s18  }
0x99: {  	s4 =	sld [smem:$0x3FFC];
	_ =	sdelay $0x3  }
0x9a: {  	_ =	strace s4  }
0x9b: {  	s4 =	sld [smem:$0x3FFD];
	_ =	sdelay $0x3  }
0x9c: {  	_ =	strace s4  }
0x9d: {  	_ =	strace $0x8FFFFFFF  }
0x9e: {  	s19 =	sld [smem:$0x3FDB];
	_ =	sdelay $0x1  }
0x9f: {  	s5 =	simm.s32 $_scs_section_size  }
0xa0: {  	s6 =	simm.s32 $_size__tile_overlayer_lowered;
	s7 =	simm.s32 $_tile_overlayer_lowered  }
0xa1: {  	s22 =	simm.s32 $0x1BFF;
	s21 =	sshll.u32 s7, $0x1;
	s4 =	sadd.s32 s5, s19  }
0xa2: {  	s8 =	simm.s32 $0x0;
	s20 =	sshll.u32 s6, $0x1;
	s6 =	sadd.s32 s21, s4  }
0xa3: {  	[timem:s8], [sflag:s22] =	dma.local [hbm:s6], s20  }
0xa4: {  	_ =	swait.ge [sflag:s22], s20  }
0xa5: {  	s5 =	ssub.s32 $0x0, s20;
	[sflag:s22] =	ssyncset.done $0x0  }
0xa6: {  	[sflag:s22] =	ssyncadd.s32 s5;
	_ =	sdelay $0x1  }
0xa7: {  	s23 =	simm.s32 $0x1B8B  }
0xa8: {  	_ =	swait.ge [sflag:s23], $0x1  }
0xa9: {  	[sflag:s23] =	ssyncset.done $0x0  }
0xaa: {  	s25 =	simm.s32 $0x1B8E;
	s24 =	sld [smem:$0x3FFE];
	[sflag:s23] =	ssyncadd.s32 $0xFFFFFFFF  }
0xab: {  	s26 =	simm.s32 $execute0_lowered;
	[smem:$0x3FD2] =	sst s25  }
0xac: {  	s6 =	sshll.u32 s26, $0x1;
	_ =	strace $0x8000004C;
	[dreg:$0x1] =	wrdreg $0xFFFFFFFF  }
0xad: {  	s28 =	simm.s32 $_size_execute0_lowered;
	s4 =	sadd.s32 s4, s6;
	[dreg:$0x0] =	wrdreg $0x0  }
0xae: {  	s6 =	sshll.u32 s28, $0x1;
	[dreg:$0x2] =	wrdreg s4  }
0xaf: {  	[dreg:$0x3] =	wrdreg s6  }
0xb0: {  	[dreg:$0x4] =	wrdreg $0xC0  }
0xb1: {  	_ =	task [dreg:s8], $0x5FFFF  }
0xb2: {  	[dreg:$0x1] =	wrdreg $0xFFFFFFFF  }
0xb3: {  	[dreg:$0x0] =	wrdreg $0x60  }
0xb4: {  	[dreg:$0x2] =	wrdreg s24  }
0xb5: {  	[dreg:$0x3] =	wrdreg s17  }
0xb6: {  	[dreg:$0x4] =	wrdreg s16  }
0xb7: {  	[dreg:$0x5] =	wrdreg $0x82000  }
0xb8: {  	[dreg:$0x6] =	wrdreg $0x9  }
0xb9: {  	_ =	task.clear_ibuf [dreg:s8], $0x7FFFF;
	_ =	strace $0x9000004C  }
0xba: {  	s29 =	simm.s32 $0x9;
	_ =	strace $0x8000004E  }
0xbb: {  	_ =	swait.ge [sflag:s29], $0x1  }
0xbc: {  	[sflag:s29] =	ssyncadd.s32 $0xFFFFFFFF  }
0xbd: {  	_ =	strace $0x9000004E  }
0xbe: {  	_ =	sfence  }
0xbf: {  	s30 =	sld [smem:$0x0];
	_ =	sdelay $0x2  }
0xc0: {  	s31 =	sshll.u32 s1, $0xD;
	s1 =	sshrl.u32 s1, $0x2  }
0xc1: {  	s3 =	sand.u32 $0x4000, s31;
	s1 =	sadd.s32 s1, s30  }
0xc2: {  	s0 =	sor.u32 s3, s0;
	s1 =	sshll.u32 s1, $0x11  }
0xc3: {  	s0 =	sor.u32 s1, s0  }
0xc4: {  	s0 =	sadd.s32 $0x8F2B, s0  }
0xc5: {  	[sflag:s0] =	ssyncadd.remote.s32 $0x1  }
0xc6: {  	_ =	sfence.sel $0xFFFF  }
0xc7: {  	[dreg:$0x0] =	wrdreg $0xFFFFFFFF;
	(pc) =	sbr.abs _section_cstart, $3  }
0xc8: {  	[dreg:$0x1] =	wrdreg $0xFFFFFFFF  }
0xc9: {  	_ =	task.clear_ibuf [dreg:s8], $0x2FFFF;
	_ =	strace $0x9FFFFFFF  }
0xca: {  	(tm) =	ssettm $0x7FFFFFFF  }
0xcb: {  	_ =	shalt  }
tec
execute0_lowered:
.L_overlay_start_1:
0x0: {  	(tag) =	ssettag $0x1  }
0x1: {  	s0 =	rddreg [dreg:$0x0]  }
0x2: {  	s1 =	rddreg [dreg:$0x1]  }
0x3: {  	s3 =	rddreg [dreg:$0x3];
	s4 =	simm.s32 $0x0  }
0x4: {  	s2 =	srdreg.scid;
	s13 =	stileid.u32;
	s28 =	simm.s32 $0x3  }
0x5: {  	s29 =	simm.s32 $0x100;
	s30 =	simm.s32 $0x1;
	s31 =	simm.s32 $0x80  }
0x6: {  	[smem:$0x7FF] =	sst s4;
	s2 =	sand.u32 $0x1, s2;
	s6 =	sadd.s32 $0xD000, s0  }
0x7: {  	s7 =	sadd.s32 $0x3000, s0;
	s0 =	sadd.s32 $0x35000, s0;
	s10 =	smul.u32 $0x50000, s13  }
0x8: {  	s9 =	sshll.u32 s13, $0xC;
	s11 =	sshll.u32 s13, $0xE;
	s13 =	smul.u32 $0x14000, s13  }
0x9: {  	_ =	strace $0x8000004D;
	s5 =	ssub.s32 $0x2, s2;
	p0 =	seq.s32 s2, $0x0  }
0xa: {  	s12 =	sor.u32 $0x40000, s9;
	s2 =	smul.u32 $0x140000, s2;
	s8 =	sshrl.u32 s5, $0x1  }
0xb: {  	s12 =	smov.u32 @p0 s11;
	s22 =	sshrl.u32 s10, $0x2;
	s14 =	sadd.s32 $0x4000, s13  }
0xc: {  	s15 =	sadd.s32 $0x8000, s13;
	s16 =	sadd.s32 $0xC000, s13;
	s17 =	sadd.s32 $0x10000, s13  }
0xd: {  	s5 =	ssub.s32 s5, s8;
	s8 =	sadd.s32 s22, s3;
	s9 =	sadd.s32 s14, s3  }
0xe: {  	s10 =	sadd.s32 s15, s3;
	s11 =	sadd.s32 s16, s3;
	s18 =	sshrl.u32 s12, $0x3  }
0xf: {  	s12 =	sadd.s32 s17, s3;
	s13 =	sadd.s32 s13, s2;
	s14 =	sadd.s32 s2, s14  }
0x10: {  	s15 =	sadd.s32 s2, s15;
	s16 =	sadd.s32 s2, s16;
	s2 =	sadd.s32 s2, s17  }
0x11: {  	s17 =	simm.s32 $0x3F;
	s19 =	sor.u32 $0x10, s18;
	s20 =	sadd.s32 s1, s18  }
0x12: {  	s23 =	sadd.s32 s7, s18;
	s13 =	sshrl.u32 s13, $0x3;
	s14 =	sshrl.u32 s14, $0x3  }
0x13: {  	s17 =	simm.s32 @!p0 $0xF;
	s25 =	sshrl.u32 s15, $0x3;
	[dreg:$0x5] =	wrdreg s20  }
0x14: {  	s26 =	sshrl.u32 s16, $0x3;
	s2 =	sshrl.u32 s2, $0x3;
	[dreg:$0x6] =	wrdreg s23  }
0x15: {  	s24 =	sadd.s32 s1, s19;
	s19 =	sadd.s32 s7, s19;
	s13 =	sadd.s32 s0, s13  }
0x16: {  	s20 =	sadd.s32 s0, s25;
	s21 =	sadd.s32 s0, s26;
	s22 =	sadd.s32 s0, s2  }
0x17: {  	s23 =	smax.u32 s5, $0x1;
	s25 =	sor.u32 $0x20, s18;
	[dreg:$0x7] =	wrdreg s24  }
0x18: {  	s26 =	simm.s32 $0x200;
	s5 =	simm.s32 $0x4200;
	[dreg:$0x8] =	wrdreg s19  }
0x19: {  	s2 =	simm.s32 $0x2;
	[dreg:$0x9] =	wrdreg s13;
	s19 =	sadd.s32 s0, s14  }
0x1a: {  	s24 =	sor.u32 $0x30, s18;
	s0 =	simm.s32 $0x180;
	s13 =	simm.s32 $0x0  }
.LBB2_1:
0x1b: {  	s14 =	rddreg [dreg:$0x2]  }
0x1c: {  	[tilespmem:s26], [sflag:$0x3] =	stream.linear.gather [hbm4b:s14+s4], $0x4000, $0x38;
	[tilespmem:$0x1C200] =	vst v63  }
0x1d: {  	_ =	swait.ge [sflag:s28], $0x4000  }
0x1e: {  	[sflag:s28] =	ssyncset.done $0x0  }
0x1f: {  	[sflag:s28] =	ssyncadd.s32 $0xFFFFC000  }
0x20: {  	[spmem:s8] =	stream.linear.scatter [tilespmem:s26], [sflag:$0x3], $0x4000, $0x38;
	[tilespmem:$0x1C200] =	vst v63  }
0x21: {  	_ =	swait.ge [sflag:s28], $0x4000  }
0x22: {  	[sflag:s28] =	ssyncset.done $0x0  }
0x23: {  	[sflag:s28] =	ssyncadd.s32 $0xFFFFC000  }
0x24: {  	[spmem:s9] =	stream.linear.scatter [tilespmem:s26], [sflag:$0x3], $0x4000, $0x38;
	[tilespmem:$0x1C200] =	vst v63  }
0x25: {  	_ =	swait.ge [sflag:s28], $0x4000  }
0x26: {  	[sflag:s28] =	ssyncset.done $0x0  }
0x27: {  	[sflag:s28] =	ssyncadd.s32 $0xFFFFC000  }
0x28: {  	[spmem:s10] =	stream.linear.scatter [tilespmem:s26], [sflag:$0x3], $0x4000, $0x38;
	[tilespmem:$0x1C200] =	vst v63  }
0x29: {  	_ =	swait.ge [sflag:s28], $0x4000  }
0x2a: {  	[sflag:s28] =	ssyncset.done $0x0  }
0x2b: {  	[sflag:s28] =	ssyncadd.s32 $0xFFFFC000  }
0x2c: {  	[spmem:s11] =	stream.linear.scatter [tilespmem:s26], [sflag:$0x3], $0x4000, $0x38;
	[tilespmem:$0x1C200] =	vst v63  }
0x2d: {  	_ =	swait.ge [sflag:s28], $0x4000  }
0x2e: {  	[sflag:s28] =	ssyncset.done $0x0  }
0x2f: {  	[sflag:s28] =	ssyncadd.s32 $0xFFFFC000  }
0x30: {  	[spmem:s12] =	stream.linear.scatter [tilespmem:s26], [sflag:$0x3], $0x4000, $0x38;
	[tilespmem:$0x1C200] =	vst v63  }
0x31: {  	_ =	swait.ge [sflag:s28], $0x4000  }
0x32: {  	[sflag:s28] =	ssyncset.done $0x0  }
0x33: {  	[sflag:s28] =	ssyncadd.s32 $0xFFFFC000  }
0x34: {  	[bflag:$0x0] =	sbarrier.arrive $0xFFFF  }
0x35: {  	s18 =	rddreg [dreg:$0x5]  }
0x36: {  	[tilespmem:s4], [sflag:$0x1] =	stream.linear.gather [hbm4b:s18+s4], $0x80, $0x38;
	[tilespmem:$0x1C200] =	vst v63  }
0x37: {  	s15 =	rddreg [dreg:$0x6]  }
0x38: {  	[tilespmem:s29], [sflag:$0x1] =	stream.linear.gather [hbm4b:s15+s4], $0x80, $0x38;
	[tilespmem:$0x1C200] =	vst v63  }
0x39: {  	_ =	swait.ge [sflag:s30], $0x80  }
0x3a: {  	[sflag:s30] =	ssyncset.done $0x0  }
0x3b: {  	[sflag:s30] =	ssyncadd.s32 $0xFFFFFF80  }
0x3c: {  	_ =	swait.ge [sflag:s30], $0x80  }
0x3d: {  	[sflag:s30] =	ssyncset.done $0x0  }
0x3e: {  	[sflag:s30] =	ssyncadd.s32 $0xFFFFFF80  }
0x3f: {  	[tilespmem:s26], [sflag:$0x2] =	stream.indirect.gather [hbm4b:s6+s31], $0x80, s4, s31, $0xb8;
	[tilespmem:$0x1C200] =	vst v63  }
0x40: {  	s16 =	rddreg [dreg:$0x7]  }
0x41: {  	[tilespmem:s31], [sflag:$0x1] =	stream.linear.gather [hbm4b:s16+s4], $0x80, $0x38;
	[tilespmem:$0x1C200] =	vst v63  }
0x42: {  	s18 =	rddreg [dreg:$0x8]  }
0x43: {  	[tilespmem:s0], [sflag:$0x1] =	stream.linear.gather [hbm4b:s18+s4], $0x80, $0x38;
	[tilespmem:$0x1C200] =	vst v63  }
0x44: {  	_ =	swait.ge [sflag:s30], $0x80  }
0x45: {  	[sflag:s30] =	ssyncset.done $0x0  }
0x46: {  	[sflag:s30] =	ssyncadd.s32 $0xFFFFFF80  }
0x47: {  	_ =	swait.ge [sflag:s30], $0x80  }
0x48: {  	[sflag:s30] =	ssyncset.done $0x0  }
0x49: {  	[sflag:s30] =	ssyncadd.s32 $0xFFFFFF80  }
0x4a: {  	[tilespmem:s5], [sflag:$0x2] =	stream.indirect.gather [hbm4b:s6+s31], $0x80, s31, s31, $0xb8;
	[tilespmem:$0x1C200] =	vst v63  }
0x4b: {  	_ =	swait.ge [sflag:s2], $0x4000  }
0x4c: {  	[sflag:s2] =	ssyncset.done $0x0  }
0x4d: {  	[sflag:s2] =	ssyncadd.s32 $0xFFFFC000  }
0x4e: {  	[spmem:s3] =	stream.indirect.scatter.add.f32 [tilespmem:s26], [sflag:$0x3], $0x80, s29, s31, $0xb8;
	[tilespmem:$0x1C200] =	vst v63  }
0x4f: {  	_ =	swait.ge [sflag:s28], $0x4000  }
0x50: {  	[sflag:s28] =	ssyncset.done $0x0  }
0x51: {  	s15 =	sadd.s32 s1, s25;
	[sflag:s28] =	ssyncadd.s32 $0xFFFFC000  }
0x52: {  	[tilespmem:s4], [sflag:$0x1] =	stream.linear.gather [hbm4b:s15+s4], $0x80, $0x38;
	[tilespmem:$0x1C200] =	vst v63  }
0x53: {  	s16 =	sadd.s32 s7, s25  }
0x54: {  	[tilespmem:s29], [sflag:$0x1] =	stream.linear.gather [hbm4b:s16+s4], $0x80, $0x38;
	[tilespmem:$0x1C200] =	vst v63  }
0x55: {  	_ =	swait.ge [sflag:s30], $0x80  }
0x56: {  	[sflag:s30] =	ssyncset.done $0x0  }
0x57: {  	[sflag:s30] =	ssyncadd.s32 $0xFFFFFF80  }
0x58: {  	_ =	swait.ge [sflag:s30], $0x80  }
0x59: {  	[sflag:s30] =	ssyncset.done $0x0  }
0x5a: {  	[sflag:s30] =	ssyncadd.s32 $0xFFFFFF80  }
0x5b: {  	[tilespmem:s26], [sflag:$0x2] =	stream.indirect.gather [hbm4b:s6+s31], $0x80, s4, s31, $0xb8;
	[tilespmem:$0x1C200] =	vst v63  }
0x5c: {  	_ =	swait.ge [sflag:s2], $0x4000  }
0x5d: {  	[sflag:s2] =	ssyncset.done $0x0  }
0x5e: {  	p0 =	sne.s32 s17, $0x1;
	[sflag:s2] =	ssyncadd.s32 $0xFFFFC000  }
0x5f: {  	[spmem:s3] =	stream.indirect.scatter.add.f32 [tilespmem:s5], [sflag:$0x3], $0x80, s0, s31, $0xb8;
	[tilespmem:$0x1C200] =	vst v63  }
.Ltmp0:
0x60: {  	_ =	swait.ge [sflag:s28], $0x4000;
	(pc) =	sbr.rel @!p0 .LBB2_3-.Ltmp0, $4  }
0x61: {  	[sflag:s28] =	ssyncset.done $0x0  }
0x62: {  	s14 =	sadd.s32 $0xFFFFFFFF, s17;
	s18 =	sadd.s32 s1, s24;
	[sflag:s28] =	ssyncadd.s32 $0xFFFFC000  }
0x63: {  	[tilespmem:s31], [sflag:$0x1] =	stream.linear.gather [hbm4b:s18+s4], $0x80, $0x38;
	[tilespmem:$0x1C200] =	vst v63  }
0x64: {  	s15 =	sadd.s32 $0x20, s7;
	s16 =	sadd.s32 $0x20, s1;
	s18 =	sadd.s32 s7, s24  }
.LBB2_2:
0x65: {  	[tilespmem:s0], [sflag:$0x1] =	stream.linear.gather [hbm4b:s18+s4], $0x80, $0x38;
	[tilespmem:$0x1C200] =	vst v63  }
0x66: {  	p0 =	sne.s32 s14, $0x1;
	s14 =	sadd.s32 $0xFFFFFFFF, s14;
	_ =	swait.ge [sflag:s30], $0x80  }
0x67: {  	[sflag:s30] =	ssyncset.done $0x0  }
0x68: {  	[sflag:s30] =	ssyncadd.s32 $0xFFFFFF80  }
0x69: {  	_ =	swait.ge [sflag:s30], $0x80  }
0x6a: {  	[sflag:s30] =	ssyncset.done $0x0  }
0x6b: {  	[sflag:s30] =	ssyncadd.s32 $0xFFFFFF80  }
0x6c: {  	[tilespmem:s5], [sflag:$0x2] =	stream.indirect.gather [hbm4b:s6+s31], $0x80, s31, s31, $0xb8;
	[tilespmem:$0x1C200] =	vst v63  }
0x6d: {  	_ =	swait.ge [sflag:s2], $0x4000  }
0x6e: {  	[sflag:s2] =	ssyncset.done $0x0  }
0x6f: {  	[sflag:s2] =	ssyncadd.s32 $0xFFFFC000  }
0x70: {  	[spmem:s3] =	stream.indirect.scatter.add.f32 [tilespmem:s26], [sflag:$0x3], $0x80, s29, s31, $0xb8;
	[tilespmem:$0x1C200] =	vst v63  }
0x71: {  	_ =	swait.ge [sflag:s28], $0x4000  }
0x72: {  	[sflag:s28] =	ssyncset.done $0x0  }
0x73: {  	s18 =	sadd.s32 s16, s25;
	[sflag:s28] =	ssyncadd.s32 $0xFFFFC000  }
0x74: {  	[tilespmem:s4], [sflag:$0x1] =	stream.linear.gather [hbm4b:s18+s4], $0x80, $0x38;
	[tilespmem:$0x1C200] =	vst v63  }
0x75: {  	s18 =	sadd.s32 s15, s25  }
0x76: {  	[tilespmem:s29], [sflag:$0x1] =	stream.linear.gather [hbm4b:s18+s4], $0x80, $0x38;
	[tilespmem:$0x1C200] =	vst v63  }
0x77: {  	_ =	swait.ge [sflag:s30], $0x80  }
0x78: {  	[sflag:s30] =	ssyncset.done $0x0  }
0x79: {  	[sflag:s30] =	ssyncadd.s32 $0xFFFFFF80  }
0x7a: {  	_ =	swait.ge [sflag:s30], $0x80  }
0x7b: {  	[sflag:s30] =	ssyncset.done $0x0  }
0x7c: {  	[sflag:s30] =	ssyncadd.s32 $0xFFFFFF80  }
0x7d: {  	[tilespmem:s26], [sflag:$0x2] =	stream.indirect.gather [hbm4b:s6+s31], $0x80, s4, s31, $0xb8;
	[tilespmem:$0x1C200] =	vst v63  }
0x7e: {  	_ =	swait.ge [sflag:s2], $0x4000  }
0x7f: {  	[sflag:s2] =	ssyncset.done $0x0  }
0x80: {  	[sflag:s2] =	ssyncadd.s32 $0xFFFFC000  }
0x81: {  	[spmem:s3] =	stream.indirect.scatter.add.f32 [tilespmem:s5], [sflag:$0x3], $0x80, s0, s31, $0xb8;
	[tilespmem:$0x1C200] =	vst v63  }
.Ltmp1:
0x82: {  	_ =	swait.ge [sflag:s28], $0x4000;
	(pc) =	sbr.rel @p0 .LBB2_2-.Ltmp1, $4  }
0x83: {  	[sflag:s28] =	ssyncset.done $0x0  }
0x84: {  	s18 =	sadd.s32 s16, s24;
	[sflag:s28] =	ssyncadd.s32 $0xFFFFC000  }
0x85: {  	[tilespmem:s31], [sflag:$0x1] =	stream.linear.gather [hbm4b:s18+s4], $0x80, $0x38;
	[tilespmem:$0x1C200] =	vst v63  }
0x86: {  	s16 =	sadd.s32 $0x20, s16;
	s18 =	sadd.s32 s15, s24;
	s15 =	sadd.s32 $0x20, s15  }
.LBB2_3:
0x87: {  	[tilespmem:s0], [sflag:$0x1] =	stream.linear.gather [hbm4b:s18+s4], $0x80, $0x38;
	[tilespmem:$0x1C200] =	vst v63  }
0x88: {  	_ =	swait.ge [sflag:s30], $0x80  }
0x89: {  	[sflag:s30] =	ssyncset.done $0x0  }
0x8a: {  	[sflag:s30] =	ssyncadd.s32 $0xFFFFFF80  }
0x8b: {  	_ =	swait.ge [sflag:s30], $0x80  }
0x8c: {  	[sflag:s30] =	ssyncset.done $0x0  }
0x8d: {  	[sflag:s30] =	ssyncadd.s32 $0xFFFFFF80  }
0x8e: {  	[tilespmem:s5], [sflag:$0x2] =	stream.indirect.gather [hbm4b:s6+s31], $0x80, s31, s31, $0xb8;
	[tilespmem:$0x1C200] =	vst v63  }
0x8f: {  	_ =	swait.ge [sflag:s2], $0x4000  }
0x90: {  	[sflag:s2] =	ssyncset.done $0x0  }
0x91: {  	[sflag:s2] =	ssyncadd.s32 $0xFFFFC000  }
0x92: {  	[spmem:s3] =	stream.indirect.scatter.add.f32 [tilespmem:s26], [sflag:$0x3], $0x80, s29, s31, $0xb8;
	[tilespmem:$0x1C200] =	vst v63  }
0x93: {  	_ =	swait.ge [sflag:s28], $0x4000  }
0x94: {  	[sflag:s28] =	ssyncset.done $0x0  }
0x95: {  	[sflag:s28] =	ssyncadd.s32 $0xFFFFC000  }
0x96: {  	_ =	swait.ge [sflag:s2], $0x4000  }
0x97: {  	[sflag:s2] =	ssyncset.done $0x0  }
0x98: {  	[sflag:s2] =	ssyncadd.s32 $0xFFFFC000  }
0x99: {  	[spmem:s3] =	stream.indirect.scatter.add.f32 [tilespmem:s5], [sflag:$0x3], $0x80, s0, s31, $0xb8;
	[tilespmem:$0x1C200] =	vst v63  }
0x9a: {  	_ =	swait.ge [sflag:s28], $0x4000  }
0x9b: {  	[sflag:s28] =	ssyncset.done $0x0  }
0x9c: {  	[sflag:s28] =	ssyncadd.s32 $0xFFFFC000  }
0x9d: {  	[bflag:$0x0] =	sbarrier.arrive $0xFFFF  }
0x9e: {  	[tilespmem:s26], [sflag:$0x3] =	stream.linear.gather [spmem:s8], $0x4000, $0x38;
	[tilespmem:$0x1C200] =	vst v63  }
0x9f: {  	_ =	swait.ge [sflag:s28], $0x4000  }
0xa0: {  	[sflag:s28] =	ssyncset.done $0x0  }
0xa1: {  	s14 =	rddreg [dreg:$0x9];
	[sflag:s28] =	ssyncadd.s32 $0xFFFFC000  }
0xa2: {  	[hbm4b:s14+s4] =	stream.linear.scatter [tilespmem:s26], [sflag:$0x3], $0x4000, $0x38;
	[tilespmem:$0x1C200] =	vst v63  }
0xa3: {  	_ =	swait.ge [sflag:s28], $0x4000  }
0xa4: {  	[sflag:s28] =	ssyncset.done $0x0  }
0xa5: {  	[sflag:s28] =	ssyncadd.s32 $0xFFFFC000  }
0xa6: {  	[tilespmem:s26], [sflag:$0x3] =	stream.linear.gather [spmem:s9], $0x4000, $0x38;
	[tilespmem:$0x1C200] =	vst v63  }
0xa7: {  	_ =	swait.ge [sflag:s28], $0x4000  }
0xa8: {  	[sflag:s28] =	ssyncset.done $0x0  }
0xa9: {  	[sflag:s28] =	ssyncadd.s32 $0xFFFFC000  }
0xaa: {  	[hbm4b:s19+s4] =	stream.linear.scatter [tilespmem:s26], [sflag:$0x3], $0x4000, $0x38;
	[tilespmem:$0x1C200] =	vst v63  }
0xab: {  	_ =	swait.ge [sflag:s28], $0x4000  }
0xac: {  	[sflag:s28] =	ssyncset.done $0x0  }
0xad: {  	[sflag:s28] =	ssyncadd.s32 $0xFFFFC000  }
0xae: {  	[tilespmem:s26], [sflag:$0x3] =	stream.linear.gather [spmem:s10], $0x4000, $0x38;
	[tilespmem:$0x1C200] =	vst v63  }
0xaf: {  	_ =	swait.ge [sflag:s28], $0x4000  }
0xb0: {  	[sflag:s28] =	ssyncset.done $0x0  }
0xb1: {  	[sflag:s28] =	ssyncadd.s32 $0xFFFFC000  }
0xb2: {  	[hbm4b:s20+s4] =	stream.linear.scatter [tilespmem:s26], [sflag:$0x3], $0x4000, $0x38;
	[tilespmem:$0x1C200] =	vst v63  }
0xb3: {  	_ =	swait.ge [sflag:s28], $0x4000  }
0xb4: {  	[sflag:s28] =	ssyncset.done $0x0  }
0xb5: {  	[sflag:s28] =	ssyncadd.s32 $0xFFFFC000  }
0xb6: {  	[tilespmem:s26], [sflag:$0x3] =	stream.linear.gather [spmem:s11], $0x4000, $0x38;
	[tilespmem:$0x1C200] =	vst v63  }
0xb7: {  	_ =	swait.ge [sflag:s28], $0x4000  }
0xb8: {  	[sflag:s28] =	ssyncset.done $0x0  }
0xb9: {  	[sflag:s28] =	ssyncadd.s32 $0xFFFFC000  }
0xba: {  	[hbm4b:s21+s4] =	stream.linear.scatter [tilespmem:s26], [sflag:$0x3], $0x4000, $0x38;
	[tilespmem:$0x1C200] =	vst v63  }
0xbb: {  	_ =	swait.ge [sflag:s28], $0x4000  }
0xbc: {  	[sflag:s28] =	ssyncset.done $0x0  }
0xbd: {  	[sflag:s28] =	ssyncadd.s32 $0xFFFFC000  }
0xbe: {  	[tilespmem:s26], [sflag:$0x3] =	stream.linear.gather [spmem:s12], $0x4000, $0x38;
	[tilespmem:$0x1C200] =	vst v63  }
0xbf: {  	s13 =	sadd.s32 $0x1, s13;
	_ =	swait.ge [sflag:s28], $0x4000  }
0xc0: {  	p0 =	sne.s32 s13, s23;
	[sflag:s28] =	ssyncset.done $0x0  }
.Ltmp2:
0xc1: {  	[sflag:s28] =	ssyncadd.s32 $0xFFFFC000;
	(pc) =	sbr.rel @p0 .LBB2_1-.Ltmp2, $4  }
0xc2: {  	[hbm4b:s22+s4] =	stream.linear.scatter [tilespmem:s26], [sflag:$0x3], $0x4000, $0x38;
	[tilespmem:$0x1C200] =	vst v63  }
0xc3: {  	_ =	swait.ge [sflag:s28], $0x4000  }
0xc4: {  	[sflag:s28] =	ssyncset.done $0x0  }
0xc5: {  	[sflag:s28] =	ssyncadd.s32 $0xFFFFC000  }
0xc6: {  	_ =	sfence.sel $0x180000  }
0xc7: {  	[bflag:$0x0] =	sbarrier.arrive $0xFFFF  }
0xc8: {  	_ =	strace $0x9000004D  }
0xc9: {  	s0 =	stileid.u32;
	[bflag:$0x2] =	sbarrier.arrive $0xFFFF  }
0xca: {  	p0 =	sne.s32 s0, $0x0;
	s0 =	rddreg [dreg:$0x4]  }
0xcb: {  	s0 =	sadd.s32 @!p0 $0x100000, s0  }
0xcc: {  	[sflag:s0] =	ssyncadd.tile.s32 @!p0 $0x1;
	_ =	shalt  }
.Lfunc_end2:
_tile_overlayer_lowered:
.L_overlay_start_2:
0xcd: {  	(tag) =	ssettag $0x2  }
0xce: {  	s0 =	rddreg [dreg:$0x0];
	s2 =	stileid.u32  }
0xcf: {  	s1 =	rddreg [dreg:$0x1];
	p0 =	sne.s32 s2, $0x0  }
0xd0: {  	s3 =	rddreg [dreg:$0x2];
	[bflag:$0x3] =	sbarrier.arrive $0xFFFF;
	s2 =	simm.s32 @!p0 $0x1C03  }
0xd1: {  	[timem:s3], [sflag:s2] =	dma.local @!p0 [hbm:s0], s1  }
0xd2: {  	s0 =	simm.s32 @!p0 $0x3  }
0xd3: {  	_ =	swait.ge @!p0 [sflag:s0], s1  }
0xd4: {  	s1 =	ssub.s32 @!p0 $0x0, s1;
	[sflag:s0] =	ssyncset.done @!p0 $0x0  }
0xd5: {  	[sflag:s0] =	ssyncadd.s32 @!p0 s1  }
0xd6: {  	[bflag:$0x3] =	sbarrier.arrive $0xFFFF  }
0xd7: {  	_ =	shalt  }

// kernel: kernel.18.cloned.1.call-start
scs
__scs_entry_jumppad:
0x0: {  	(pc) =	sbr.rel $0x88, $3  }
0x1: {  	(tag) =	ssettag $0x0;
	lr =	simm.s32 $0x1  }
0x2: {  	[smem:$0x3F92] =	sst lr;
	_ =	strace $0xD0000000  }
0x3: {  	_ = 	snop  }
0x4: {  	_ = 	snop  }
0x5: {  	_ = 	snop  }
0x6: {  	_ = 	snop  }
0x7: {  	_ = 	snop  }
__scs_overlays_trampoline_lowered:
0x8: {  	[smem:$0x3FA1] =	sst s0  }
0x9: {  	[smem:$0x3FA2] =	sst s1  }
0xa: {  	[smem:$0x3FA3] =	sst s2  }
0xb: {  	[smem:$0x3FA4] =	sst s3  }
0xc: {  	[smem:$0x3FA5] =	sst s4  }
0xd: {  	[smem:$0x3FA6] =	sst s5  }
0xe: {  	[smem:$0x3FA7] =	sst s6  }
0xf: {  	[smem:$0x3FA8] =	sst s7  }
0x10: {  	[smem:$0x3FA9] =	sst s8  }
0x11: {  	[smem:$0x3FAA] =	sst s9;
	s0 =	simm.s32 @!p0 $0x0  }
0x12: {  	s1 =	sld [smem:$0x3F90];
	s0 =	simm.s32 @p0 $0x1  }
0x13: {  	[smem:$0x3FAB] =	sst s0;
	s0 =	simm.s32 @!p1 $0x0  }
0x14: {  	s2 =	sld [smem:$0x3F8F];
	s0 =	simm.s32 @p1 $0x1  }
0x15: {  	[smem:$0x3FAC] =	sst s0;
	s0 =	simm.s32 @!p2 $0x0  }
0x16: {  	s3 =	sld [smem:$0x3FDB];
	s0 =	simm.s32 @p2 $0x1  }
0x17: {  	s4 =	simm.s32 $0x1BF5;
	[smem:$0x3FAE] =	sst s0  }
0x18: {  	s0 =	sld [smem:$0x3F91];
	_ =	swait.ge [sflag:s4], $0x0  }
0x19: {  	s7 =	sld [smem:$0x3F92]  }
0x1a: {  	s8 =	sadd.s32 $0xFFFFE003, lr  }
0x1b: {  	s9 =	sadd.s32 $0xFFFFFEF7, lr;
	s5 =	simm.s32 $0xFFFFFFFF;
	p2 =	slt.u32 s8, $0xFFFFF086  }
0x1c: {  	p1 =	slt.u32 s9, $0xF7A;
	s5 =	simm.s32 @!p2 $0x0  }
0x1d: {  	s5 =	simm.s32 @p1 $0x1;
	p0 =	seq.s32 s7, s2  }
0x1e: {  	s7 =	smul.u32 @!p0 $0xF7A, s2;
	p2 =	seq.s32 @!p0 s5, $0x0  }
0x1f: {  	s9 =	smul.u32 $0xF7A, s1;
	s8 =	simm.s32 @!p0 $0x1BF5;
	p2 =	por !p2, p0  }
0x20: {  	[sflag:s8] =	ssyncset.s32 @!p0 $0xFFFFF086;
	s6 =	sadd.s32 @!p0 s3, s7;
	s7 =	simm.s32 @!p0 $0x108  }
0x21: {  	s3 =	sadd.s32 s3, s9;
	s6 =	sadd.s32 @!p0 $0x88, s6;
	s7 =	simm.s32 @p2 $0x1082  }
0x22: {  	[simem:s7], [sflag:s8] =	dma.local @!p0 [hbm:s6], $0xF7A  }
0x23: {  	s9 =	sor.u32 $0xD0000000, s2;
	s6 =	simm.s32 $0x108;
	_ =	swait.ge @!p0 [sflag:s8], $0x0  }
0x24: {  	s3 =	sadd.s32 $0x88, s3;
	s6 =	simm.s32 @!p1 $0x1082;
	[sflag:s4] =	ssyncset.s32 $0xFFFFF086  }
0x25: {  	[simem:s6], [sflag:s4] =	dma.local [hbm:s3], $0xF7A  }
0x26: {  	[smem:$0x3F92] =	sst s1;
	(tag) =	ssettag s2;
	_ =	strace s9  }
0x27: {  	s1 =	sld [smem:$0x3FA2]  }
0x28: {  	s2 =	sld [smem:$0x3FA3]  }
0x29: {  	s4 =	sld [smem:$0x3FA5]  }
0x2a: {  	p0 =	seq.s32 s5, $0x0;
	s5 =	sld [smem:$0x3FA6]  }
0x2b: {  	s6 =	sld [smem:$0x3FA7]  }
0x2c: {  	s7 =	sld [smem:$0x3FA8]  }
0x2d: {  	s3 =	simm.s32 $0x108;
	s8 =	sld [smem:$0x3FA9]  }
0x2e: {  	s3 =	simm.s32 @!p0 $0x1082;
	s9 =	sld [smem:$0x3FAA]  }
0x2f: {  	lr =	sadd.s32 s0, s3;
	s0 =	sld [smem:$0x3FA1]  }
0x30: {  	s3 =	sld [smem:$0x3FA4]  }
0x31: {  	[smem:$0x3FAD] =	sst s10  }
0x32: {  	s10 =	sld [smem:$0x3FAB];
	_ =	sdelay $0x3  }
0x33: {  	p0 =	seq.s32 s10, $0x1;
	s10 =	sld [smem:$0x3FAD];
	_ =	sdelay $0x3  }
0x34: {  	[smem:$0x3FAD] =	sst s10  }
0x35: {  	s10 =	sld [smem:$0x3FAC];
	_ =	sdelay $0x3  }
0x36: {  	p1 =	seq.s32 s10, $0x1;
	s10 =	sld [smem:$0x3FAD];
	_ =	sdelay $0x3  }
0x37: {  	[smem:$0x3FAD] =	sst s10  }
0x38: {  	s10 =	sld [smem:$0x3FAE]  }
0x39: {  	_ = 	snop;
	(pc) =	sbr.ind lr, $3  }
0x3a: {  	_ = 	snop  }
0x3b: {  	_ = 	snop  }
0x3c: {  	p2 =	seq.s32 s10, $0x1;
	s10 =	sld [smem:$0x3FAD]  }
0x3d: {  	_ =	shalt  }
0x3e: {  	_ =	shalt  }
0x3f: {  	_ =	shalt  }
0x40: {  	_ =	shalt  }
0x41: {  	_ =	shalt  }
0x42: {  	_ =	shalt  }
0x43: {  	_ =	shalt  }
0x44: {  	_ =	shalt  }
0x45: {  	_ =	shalt  }
0x46: {  	_ =	shalt  }
0x47: {  	_ =	shalt  }
0x48: {  	_ =	shalt  }
0x49: {  	_ =	shalt  }
0x4a: {  	_ =	shalt  }
0x4b: {  	_ =	shalt  }
0x4c: {  	_ =	shalt  }
0x4d: {  	_ =	shalt  }
0x4e: {  	_ =	shalt  }
0x4f: {  	_ =	shalt  }
0x50: {  	_ =	shalt  }
0x51: {  	_ =	shalt  }
0x52: {  	_ =	shalt  }
0x53: {  	_ =	shalt  }
0x54: {  	_ =	shalt  }
0x55: {  	_ =	shalt  }
0x56: {  	_ =	shalt  }
0x57: {  	_ =	shalt  }
0x58: {  	_ =	shalt  }
0x59: {  	_ =	shalt  }
0x5a: {  	_ =	shalt  }
0x5b: {  	_ =	shalt  }
0x5c: {  	_ =	shalt  }
0x5d: {  	_ =	shalt  }
0x5e: {  	_ =	shalt  }
0x5f: {  	_ =	shalt  }
0x60: {  	_ =	shalt  }
0x61: {  	_ =	shalt  }
0x62: {  	_ =	shalt  }
0x63: {  	_ =	shalt  }
0x64: {  	_ =	shalt  }
0x65: {  	_ =	shalt  }
0x66: {  	_ =	shalt  }
0x67: {  	_ =	shalt  }
0x68: {  	_ =	shalt  }
0x69: {  	_ =	shalt  }
0x6a: {  	_ =	shalt  }
0x6b: {  	_ =	shalt  }
0x6c: {  	_ =	shalt  }
0x6d: {  	_ =	shalt  }
0x6e: {  	_ =	shalt  }
0x6f: {  	_ =	shalt  }
0x70: {  	_ =	shalt  }
0x71: {  	_ =	shalt  }
0x72: {  	_ =	shalt  }
0x73: {  	_ =	shalt  }
0x74: {  	_ =	shalt  }
0x75: {  	_ =	shalt  }
0x76: {  	_ =	shalt  }
0x77: {  	_ =	shalt  }
0x78: {  	_ =	shalt  }
0x79: {  	_ =	shalt  }
0x7a: {  	_ =	shalt  }
0x7b: {  	_ =	shalt  }
0x7c: {  	_ =	shalt  }
0x7d: {  	_ =	shalt  }
0x7e: {  	_ =	shalt  }
0x7f: {  	_ =	shalt  }
0x80: {  	_ =	shalt  }
0x81: {  	_ =	shalt  }
0x82: {  	_ =	shalt  }
0x83: {  	_ =	shalt  }
0x84: {  	_ =	shalt  }
0x85: {  	_ =	shalt  }
0x86: {  	_ =	shalt  }
0x87: {  	_ =	shalt  }
.Lfunc_end0:
.L_simem_size_0:
called_computation.3_lowered:
.L_overlay_start_0:
0x88: {  	s2 =	sld [smem:$0x3FD9]  }
0x89: {  	s3 =	sld [smem:$0x3FFE];
	_ =	sdelay $0x1  }
0x8a: {  	s1 =	srdreg.scid  }
0x8b: {  	s0 =	sand.u32 $0x1, s1  }
0x8c: {  	s14 =	sshll.u32 s0, $0xA;
	s2 =	sadd.s32 s3, s2  }
0x8d: {  	s2 =	sadd.s32 s2, s14  }
0x8e: {  	[smem:$0x3FB9] =	sst s2  }
0x8f: {  	_ = 	snop  }
0x90: {  	s2 =	sld [smem:$0x3FD0];
	_ =	sdelay $0x2  }
0x91: {  	s15 =	simm.s32 $0xB;
	s4 =	simm.s32 $0x10  }
0x92: {  	[smem:s4], [sflag:s15] =	dma.local [hbm:s2], $0x1  }
0x93: {  	_ =	swait.eq [sflag:s15], $0x1  }
0x94: {  	[sflag:s15] =	ssyncset.done $0x0  }
0x95: {  	[sflag:s15] =	ssyncadd.s32 $0xFFFFFFFF  }
0x96: {  	s16 =	sld [smem:$0x10];
	(tm) =	ssettm $0x1  }
0x97: {  	s17 =	sld [smem:$0x3FFB];
	_ =	sdelay $0x3  }
0x98: {  	_ =	strace s17  }
0x99: {  	s3 =	sld [smem:$0x3FFC];
	_ =	sdelay $0x3  }
0x9a: {  	_ =	strace s3  }
0x9b: {  	s3 =	sld [smem:$0x3FFD];
	_ =	sdelay $0x3  }
0x9c: {  	_ =	strace s3  }
0x9d: {  	_ =	strace $0x8FFFFFFF  }
0x9e: {  	s18 =	sld [smem:$0x3FDB];
	_ =	sdelay $0x1  }
0x9f: {  	s19 =	simm.s32 $_scs_section_size  }
0xa0: {  	s5 =	simm.s32 $_size__tile_overlayer_lowered;
	s6 =	simm.s32 $_tile_overlayer_lowered  }
0xa1: {  	s22 =	simm.s32 $0x1BFF;
	s21 =	sshll.u32 s6, $0x1;
	s3 =	sadd.s32 s19, s18  }
0xa2: {  	s7 =	simm.s32 $0x0;
	s20 =	sshll.u32 s5, $0x1;
	s5 =	sadd.s32 s21, s3  }
0xa3: {  	[timem:s7], [sflag:s22] =	dma.local [hbm:s5], s20  }
0xa4: {  	_ =	swait.ge [sflag:s22], s20  }
0xa5: {  	s4 =	ssub.s32 $0x0, s20;
	[sflag:s22] =	ssyncset.done $0x0  }
0xa6: {  	[sflag:s22] =	ssyncadd.s32 s4;
	_ =	sdelay $0x1  }
0xa7: {  	s23 =	simm.s32 $0x1B8B  }
0xa8: {  	_ =	swait.ge [sflag:s23], $0x1  }
0xa9: {  	[sflag:s23] =	ssyncset.done $0x0  }
0xaa: {  	s25 =	simm.s32 $0x1B8E;
	s24 =	sld [smem:$0x3FFE];
	[sflag:s23] =	ssyncadd.s32 $0xFFFFFFFF  }
0xab: {  	s26 =	simm.s32 $execute0_lowered;
	[smem:$0x3FD2] =	sst s25  }
0xac: {  	s5 =	sshll.u32 s26, $0x1;
	_ =	strace $0x8000004F;
	[dreg:$0x1] =	wrdreg $0xFFFFFFFF  }
0xad: {  	s28 =	simm.s32 $_size_execute0_lowered;
	s3 =	sadd.s32 s3, s5;
	[dreg:$0x0] =	wrdreg $0x0  }
0xae: {  	s5 =	sshll.u32 s28, $0x1;
	[dreg:$0x2] =	wrdreg s3  }
0xaf: {  	[dreg:$0x3] =	wrdreg s5  }
0xb0: {  	[dreg:$0x4] =	wrdreg $0xC0  }
0xb1: {  	_ =	task [dreg:s7], $0x5FFFF  }
0xb2: {  	[dreg:$0x1] =	wrdreg $0xFFFFFFFF  }
0xb3: {  	[dreg:$0x0] =	wrdreg $0x60  }
0xb4: {  	[dreg:$0x2] =	wrdreg s24  }
0xb5: {  	[dreg:$0x3] =	wrdreg s16  }
0xb6: {  	[dreg:$0x4] =	wrdreg $0x9  }
0xb7: {  	_ =	task.clear_ibuf [dreg:s7], $0x5FFFF;
	_ =	strace $0x9000004F  }
0xb8: {  	s29 =	simm.s32 $0x9;
	_ =	strace $0x80000051  }
0xb9: {  	_ =	swait.ge [sflag:s29], $0x1  }
0xba: {  	[sflag:s29] =	ssyncadd.s32 $0xFFFFFFFF  }
0xbb: {  	_ =	strace $0x90000051  }
0xbc: {  	_ =	sfence  }
0xbd: {  	s30 =	sld [smem:$0x0];
	_ =	sdelay $0x2  }
0xbe: {  	s31 =	sshll.u32 s1, $0xD;
	s1 =	sshrl.u32 s1, $0x2  }
0xbf: {  	s3 =	sand.u32 $0x4000, s31;
	s1 =	sadd.s32 s1, s30  }
0xc0: {  	s0 =	sor.u32 s3, s0;
	s1 =	sshll.u32 s1, $0x11  }
0xc1: {  	s0 =	sor.u32 s1, s0  }
0xc2: {  	s0 =	sadd.s32 $0x8F2B, s0  }
0xc3: {  	[sflag:s0] =	ssyncadd.remote.s32 $0x1  }
0xc4: {  	_ =	sfence.sel $0xFFFF  }
0xc5: {  	[dreg:$0x0] =	wrdreg $0xFFFFFFFF;
	(pc) =	sbr.abs _section_cstart, $3  }
0xc6: {  	[dreg:$0x1] =	wrdreg $0xFFFFFFFF  }
0xc7: {  	_ =	task.clear_ibuf [dreg:s7], $0x2FFFF;
	_ =	strace $0x9FFFFFFF  }
0xc8: {  	(tm) =	ssettm $0x7FFFFFFF  }
0xc9: {  	_ =	shalt  }
tec
execute0_lowered:
.L_overlay_start_1:
0x0: {  	(tag) =	ssettag $0x1  }
0x1: {  	s1 =	srdreg.scid  }
0x2: {  	s0 =	stileid.u32;
	s6 =	sand.u32 $0x1, s1  }
0x3: {  	s5 =	rddreg [dreg:$0x0];
	s30 =	sshll.u32 s0, $0x7;
	s2 =	sshll.u32 s6, $0x6  }
0x4: {  	s9 =	rddreg [dreg:$0x1];
	s7 =	simm.s32 $0x80;
	s10 =	sor.u32 s2, s30  }
0x5: {  	s1 =	rddreg [dreg:$0x2];
	s2 =	simm.s32 $0x0;
	s3 =	sshrl.u32 s10, $0x3  }
0x6: {  	s11 =	ssub.s32 $0x2, s6;
	[smem:$0x7FF] =	sst s2;
	s3 =	sadd.s32 s3, s5  }
0x7: {  	_ =	strace $0x80000050;
	s4 =	sadd.s32 $0x85000, s3;
	s3 =	simm.s32 $0x2  }
0x8: {  	[tilespmem:s2], [sflag:$0x2] =	stream.linear.gather [hbm4b:s4+s2], $0x40, $0x38;
	[tilespmem:$0x2080] =	vst v63  }
0x9: {  	s8 =	simm.s32 $0x1;
	s12 =	sshrl.u32 s11, $0x1;
	_ =	swait.ge [sflag:s3], $0x40  }
0xa: {  	s6 =	simm.s32 $0x40;
	s11 =	ssub.s32 s11, s12;
	[sflag:s3] =	ssyncset.done $0x0  }
0xb: {  	s5 =	sadd.s32 $0x3000, s5;
	s31 =	smax.u32 s11, $0x1;
	[sflag:s3] =	ssyncadd.s32 $0xFFFFFFC0  }
0xc: {  	[tilespmem:s7], [sflag:$0x1] =	stream.indirect.gather [hbm4b:s5+s6], $0x80, s2, s6, $0xb8;
	[tilespmem:$0x2080] =	vst v63  }
0xd: {  	p0 =	sne.s32 s31, $0x1;
	_ =	swait.ge [sflag:s8], $0x2000  }
.Ltmp0:
0xe: {  	s10 =	sshll.u32 s10, $0x4;
	[sflag:s8] =	ssyncset.done $0x0;
	(pc) =	sbr.rel @!p0 .LBB2_2-.Ltmp0, $4  }
0xf: {  	s9 =	sadd.s32 s9, s10;
	[sflag:s8] =	ssyncadd.s32 $0xFFFFE000  }
0x10: {  	[hbm4b:s9+s2] =	stream.linear.scatter [tilespmem:s7], [sflag:$0x2], $0x2000, $0x38;
	[tilespmem:$0x2080] =	vst v63  }
0x11: {  	_ =	swait.ge [sflag:s3], $0x2000  }
0x12: {  	s10 =	sadd.s32 $0xFFFFFFFF, s31;
	[sflag:s3] =	ssyncset.done $0x0  }
.LBB2_1:
0x13: {  	p0 =	sne.s32 s10, $0x1;
	s10 =	sadd.s32 $0xFFFFFFFF, s10;
	[sflag:s3] =	ssyncadd.s32 $0xFFFFE000  }
0x14: {  	[tilespmem:s2], [sflag:$0x2] =	stream.linear.gather [hbm4b:s4+s2], $0x40, $0x38;
	[tilespmem:$0x2080] =	vst v63  }
0x15: {  	_ =	swait.ge [sflag:s3], $0x40  }
0x16: {  	[sflag:s3] =	ssyncset.done $0x0  }
0x17: {  	[sflag:s3] =	ssyncadd.s32 $0xFFFFFFC0  }
0x18: {  	[tilespmem:s7], [sflag:$0x1] =	stream.indirect.gather [hbm4b:s5+s6], $0x80, s2, s6, $0xb8;
	[tilespmem:$0x2080] =	vst v63  }
0x19: {  	_ =	swait.ge [sflag:s8], $0x2000  }
.Ltmp1:
0x1a: {  	[sflag:s8] =	ssyncset.done $0x0;
	(pc) =	sbr.rel @p0 .LBB2_1-.Ltmp1, $4  }
0x1b: {  	[sflag:s8] =	ssyncadd.s32 $0xFFFFE000  }
0x1c: {  	[hbm4b:s9+s2] =	stream.linear.scatter [tilespmem:s7], [sflag:$0x2], $0x2000, $0x38;
	[tilespmem:$0x2080] =	vst v63  }
0x1d: {  	_ =	swait.ge [sflag:s3], $0x2000  }
0x1e: {  	[sflag:s3] =	ssyncset.done $0x0  }
.LBB2_2:
0x1f: {  	[sflag:s3] =	ssyncadd.s32 $0xFFFFE000  }
0x20: {  	_ =	sfence.sel $0x180000  }
0x21: {  	[bflag:$0x0] =	sbarrier.arrive $0xFFFF  }
0x22: {  	p0 =	sne.s32 s0, $0x0;
	_ =	strace $0x90000050  }
0x23: {  	s0 =	sadd.s32 @!p0 $0x100000, s1;
	[bflag:$0x2] =	sbarrier.arrive $0xFFFF  }
0x24: {  	[sflag:s0] =	ssyncadd.tile.s32 @!p0 $0x1;
	_ =	shalt  }
.Lfunc_end2:
_tile_overlayer_lowered:
.L_overlay_start_2:
0x25: {  	(tag) =	ssettag $0x2  }
0x26: {  	s0 =	rddreg [dreg:$0x0];
	s2 =	stileid.u32  }
0x27: {  	s1 =	rddreg [dreg:$0x1];
	p0 =	sne.s32 s2, $0x0  }
0x28: {  	s3 =	rddreg [dreg:$0x2];
	[bflag:$0x3] =	sbarrier.arrive $0xFFFF;
	s2 =	simm.s32 @!p0 $0x1C02  }
0x29: {  	[timem:s3], [sflag:s2] =	dma.local @!p0 [hbm:s0], s1  }
0x2a: {  	s0 =	simm.s32 @!p0 $0x2  }
0x2b: {  	_ =	swait.ge @!p0 [sflag:s0], s1  }
0x2c: {  	s1 =	ssub.s32 @!p0 $0x0, s1;
	[sflag:s0] =	ssyncset.done @!p0 $0x0  }
0x2d: {  	[sflag:s0] =	ssyncadd.s32 @!p0 s1  }
0x2e: {  	[bflag:$0x3] =	sbarrier.arrive $0xFFFF  }
0x2f: {  	_ =	shalt  }

// kernel: kernel.9.cloned.1.call-start
scs
__scs_entry_jumppad:
0x0: {  	(pc) =	sbr.rel $0x88, $3  }
0x1: {  	(tag) =	ssettag $0x0;
	lr =	simm.s32 $0x1  }
0x2: {  	[smem:$0x3F92] =	sst lr;
	_ =	strace $0xD0000000  }
0x3: {  	_ = 	snop  }
0x4: {  	_ = 	snop  }
0x5: {  	_ = 	snop  }
0x6: {  	_ = 	snop  }
0x7: {  	_ = 	snop  }
__scs_overlays_trampoline_lowered:
0x8: {  	[smem:$0x3FA1] =	sst s0  }
0x9: {  	[smem:$0x3FA2] =	sst s1  }
0xa: {  	[smem:$0x3FA3] =	sst s2  }
0xb: {  	[smem:$0x3FA4] =	sst s3  }
0xc: {  	[smem:$0x3FA5] =	sst s4  }
0xd: {  	[smem:$0x3FA6] =	sst s5  }
0xe: {  	[smem:$0x3FA7] =	sst s6  }
0xf: {  	[smem:$0x3FA8] =	sst s7  }
0x10: {  	[smem:$0x3FA9] =	sst s8  }
0x11: {  	[smem:$0x3FAA] =	sst s9;
	s0 =	simm.s32 @!p0 $0x0  }
0x12: {  	s1 =	sld [smem:$0x3F90];
	s0 =	simm.s32 @p0 $0x1  }
0x13: {  	[smem:$0x3FAB] =	sst s0;
	s0 =	simm.s32 @!p1 $0x0  }
0x14: {  	s2 =	sld [smem:$0x3F8F];
	s0 =	simm.s32 @p1 $0x1  }
0x15: {  	[smem:$0x3FAC] =	sst s0;
	s0 =	simm.s32 @!p2 $0x0  }
0x16: {  	s3 =	sld [smem:$0x3FDB];
	s0 =	simm.s32 @p2 $0x1  }
0x17: {  	s4 =	simm.s32 $0x1BF5;
	[smem:$0x3FAE] =	sst s0  }
0x18: {  	s0 =	sld [smem:$0x3F91];
	_ =	swait.ge [sflag:s4], $0x0  }
0x19: {  	s7 =	sld [smem:$0x3F92]  }
0x1a: {  	s8 =	sadd.s32 $0xFFFFE003, lr  }
0x1b: {  	s9 =	sadd.s32 $0xFFFFFEF7, lr;
	s5 =	simm.s32 $0xFFFFFFFF;
	p2 =	slt.u32 s8, $0xFFFFF086  }
0x1c: {  	p1 =	slt.u32 s9, $0xF7A;
	s5 =	simm.s32 @!p2 $0x0  }
0x1d: {  	s5 =	simm.s32 @p1 $0x1;
	p0 =	seq.s32 s7, s2  }
0x1e: {  	s7 =	smul.u32 @!p0 $0xF7A, s2;
	p2 =	seq.s32 @!p0 s5, $0x0  }
0x1f: {  	s9 =	smul.u32 $0xF7A, s1;
	s8 =	simm.s32 @!p0 $0x1BF5;
	p2 =	por !p2, p0  }
0x20: {  	[sflag:s8] =	ssyncset.s32 @!p0 $0xFFFFF086;
	s6 =	sadd.s32 @!p0 s3, s7;
	s7 =	simm.s32 @!p0 $0x108  }
0x21: {  	s3 =	sadd.s32 s3, s9;
	s6 =	sadd.s32 @!p0 $0x88, s6;
	s7 =	simm.s32 @p2 $0x1082  }
0x22: {  	[simem:s7], [sflag:s8] =	dma.local @!p0 [hbm:s6], $0xF7A  }
0x23: {  	s9 =	sor.u32 $0xD0000000, s2;
	s6 =	simm.s32 $0x108;
	_ =	swait.ge @!p0 [sflag:s8], $0x0  }
0x24: {  	s3 =	sadd.s32 $0x88, s3;
	s6 =	simm.s32 @!p1 $0x1082;
	[sflag:s4] =	ssyncset.s32 $0xFFFFF086  }
0x25: {  	[simem:s6], [sflag:s4] =	dma.local [hbm:s3], $0xF7A  }
0x26: {  	[smem:$0x3F92] =	sst s1;
	(tag) =	ssettag s2;
	_ =	strace s9  }
0x27: {  	s1 =	sld [smem:$0x3FA2]  }
0x28: {  	s2 =	sld [smem:$0x3FA3]  }
0x29: {  	s4 =	sld [smem:$0x3FA5]  }
0x2a: {  	p0 =	seq.s32 s5, $0x0;
	s5 =	sld [smem:$0x3FA6]  }
0x2b: {  	s6 =	sld [smem:$0x3FA7]  }
0x2c: {  	s7 =	sld [smem:$0x3FA8]  }
0x2d: {  	s3 =	simm.s32 $0x108;
	s8 =	sld [smem:$0x3FA9]  }
0x2e: {  	s3 =	simm.s32 @!p0 $0x1082;
	s9 =	sld [smem:$0x3FAA]  }
0x2f: {  	lr =	sadd.s32 s0, s3;
	s0 =	sld [smem:$0x3FA1]  }
0x30: {  	s3 =	sld [smem:$0x3FA4]  }
0x31: {  	[smem:$0x3FAD] =	sst s10  }
0x32: {  	s10 =	sld [smem:$0x3FAB];
	_ =	sdelay $0x3  }
0x33: {  	p0 =	seq.s32 s10, $0x1;
	s10 =	sld [smem:$0x3FAD];
	_ =	sdelay $0x3  }
0x34: {  	[smem:$0x3FAD] =	sst s10  }
0x35: {  	s10 =	sld [smem:$0x3FAC];
	_ =	sdelay $0x3  }
0x36: {  	p1 =	seq.s32 s10, $0x1;
	s10 =	sld [smem:$0x3FAD];
	_ =	sdelay $0x3  }
0x37: {  	[smem:$0x3FAD] =	sst s10  }
0x38: {  	s10 =	sld [smem:$0x3FAE]  }
0x39: {  	_ = 	snop;
	(pc) =	sbr.ind lr, $3  }
0x3a: {  	_ = 	snop  }
0x3b: {  	_ = 	snop  }
0x3c: {  	p2 =	seq.s32 s10, $0x1;
	s10 =	sld [smem:$0x3FAD]  }
0x3d: {  	_ =	shalt  }
0x3e: {  	_ =	shalt  }
0x3f: {  	_ =	shalt  }
0x40: {  	_ =	shalt  }
0x41: {  	_ =	shalt  }
0x42: {  	_ =	shalt  }
0x43: {  	_ =	shalt  }
0x44: {  	_ =	shalt  }
0x45: {  	_ =	shalt  }
0x46: {  	_ =	shalt  }
0x47: {  	_ =	shalt  }
0x48: {  	_ =	shalt  }
0x49: {  	_ =	shalt  }
0x4a: {  	_ =	shalt  }
0x4b: {  	_ =	shalt  }
0x4c: {  	_ =	shalt  }
0x4d: {  	_ =	shalt  }
0x4e: {  	_ =	shalt  }
0x4f: {  	_ =	shalt  }
0x50: {  	_ =	shalt  }
0x51: {  	_ =	shalt  }
0x52: {  	_ =	shalt  }
0x53: {  	_ =	shalt  }
0x54: {  	_ =	shalt  }
0x55: {  	_ =	shalt  }
0x56: {  	_ =	shalt  }
0x57: {  	_ =	shalt  }
0x58: {  	_ =	shalt  }
0x59: {  	_ =	shalt  }
0x5a: {  	_ =	shalt  }
0x5b: {  	_ =	shalt  }
0x5c: {  	_ =	shalt  }
0x5d: {  	_ =	shalt  }
0x5e: {  	_ =	shalt  }
0x5f: {  	_ =	shalt  }
0x60: {  	_ =	shalt  }
0x61: {  	_ =	shalt  }
0x62: {  	_ =	shalt  }
0x63: {  	_ =	shalt  }
0x64: {  	_ =	shalt  }
0x65: {  	_ =	shalt  }
0x66: {  	_ =	shalt  }
0x67: {  	_ =	shalt  }
0x68: {  	_ =	shalt  }
0x69: {  	_ =	shalt  }
0x6a: {  	_ =	shalt  }
0x6b: {  	_ =	shalt  }
0x6c: {  	_ =	shalt  }
0x6d: {  	_ =	shalt  }
0x6e: {  	_ =	shalt  }
0x6f: {  	_ =	shalt  }
0x70: {  	_ =	shalt  }
0x71: {  	_ =	shalt  }
0x72: {  	_ =	shalt  }
0x73: {  	_ =	shalt  }
0x74: {  	_ =	shalt  }
0x75: {  	_ =	shalt  }
0x76: {  	_ =	shalt  }
0x77: {  	_ =	shalt  }
0x78: {  	_ =	shalt  }
0x79: {  	_ =	shalt  }
0x7a: {  	_ =	shalt  }
0x7b: {  	_ =	shalt  }
0x7c: {  	_ =	shalt  }
0x7d: {  	_ =	shalt  }
0x7e: {  	_ =	shalt  }
0x7f: {  	_ =	shalt  }
0x80: {  	_ =	shalt  }
0x81: {  	_ =	shalt  }
0x82: {  	_ =	shalt  }
0x83: {  	_ =	shalt  }
0x84: {  	_ =	shalt  }
0x85: {  	_ =	shalt  }
0x86: {  	_ =	shalt  }
0x87: {  	_ =	shalt  }
.Lfunc_end0:
.L_simem_size_0:
called_computation_lowered:
.L_overlay_start_0:
0x88: {  	s2 =	sld [smem:$0x3FD9]  }
0x89: {  	s3 =	sld [smem:$0x3FFE];
	_ =	sdelay $0x1  }
0x8a: {  	s1 =	srdreg.scid  }
0x8b: {  	s0 =	sand.u32 $0x1, s1  }
0x8c: {  	s15 =	sshll.u32 s0, $0xA;
	s2 =	sadd.s32 s3, s2  }
0x8d: {  	s2 =	sadd.s32 s2, s15  }
0x8e: {  	[smem:$0x3FB9] =	sst s2  }
0x8f: {  	_ = 	snop  }
0x90: {  	s2 =	sld [smem:$0x3FD0];
	_ =	sdelay $0x2  }
0x91: {  	s16 =	simm.s32 $0xB;
	s4 =	simm.s32 $0x10  }
0x92: {  	[smem:s4], [sflag:s16] =	dma.local [hbm:s2], $0x1  }
0x93: {  	_ =	swait.eq [sflag:s16], $0x1  }
0x94: {  	[sflag:s16] =	ssyncset.done $0x0  }
0x95: {  	[sflag:s16] =	ssyncadd.s32 $0xFFFFFFFF  }
0x96: {  	s17 =	sld [smem:$0x10];
	(tm) =	ssettm $0x1  }
0x97: {  	s18 =	sld [smem:$0x3FFB];
	_ =	sdelay $0x3  }
0x98: {  	_ =	strace s18  }
0x99: {  	s2 =	sld [smem:$0x3FFC];
	_ =	sdelay $0x3  }
0x9a: {  	_ =	strace s2  }
0x9b: {  	s2 =	sld [smem:$0x3FFD];
	_ =	sdelay $0x3  }
0x9c: {  	_ =	strace s2  }
0x9d: {  	_ =	strace $0x8FFFFFFF  }
0x9e: {  	s19 =	sld [smem:$0x3FDB];
	_ =	sdelay $0x1  }
0x9f: {  	s20 =	simm.s32 $_scs_section_size  }
0xa0: {  	s5 =	simm.s32 $_size__tile_overlayer_lowered;
	s6 =	simm.s32 $_tile_overlayer_lowered  }
0xa1: {  	s7 =	simm.s32 $0x1BFF;
	s21 =	sshll.u32 s6, $0x1;
	s4 =	sadd.s32 s20, s19  }
0xa2: {  	s22 =	simm.s32 $0x0;
	s5 =	sshll.u32 s5, $0x1;
	s6 =	sadd.s32 s21, s4  }
0xa3: {  	[timem:s22], [sflag:s7] =	dma.local [hbm:s6], s5  }
0xa4: {  	_ =	swait.ge [sflag:s7], s5  }
0xa5: {  	s5 =	ssub.s32 $0x0, s5;
	[sflag:s7] =	ssyncset.done $0x0  }
0xa6: {  	[sflag:s7] =	ssyncadd.s32 s5;
	_ =	sdelay $0x1  }
0xa7: {  	s23 =	simm.s32 $0x1B8B  }
0xa8: {  	_ =	swait.ge [sflag:s23], $0x1  }
0xa9: {  	[sflag:s23] =	ssyncset.done $0x0  }
0xaa: {  	[sflag:s23] =	ssyncadd.s32 $0xFFFFFFFF  }
0xab: {  	s5 =	sld [smem:$0x0]  }
0xac: {  	s6 =	sand.u32 $0xFFFFFFFE, s1  }
0xad: {  	p0 =	sne.s32 s1, s6  }
0xae: {  	s6 =	sshll.u32 @p0 s6, $0xE  }
0xaf: {  	s6 =	sadd.s32 @p0 $0x11B8D, s6;
	s7 =	sshll.u32 @p0 s5, $0x11  }
0xb0: {  	s6 =	sor.u32 @p0 s7, s6  }
0xb1: {  	[sflag:s6] =	ssyncadd.remote.s32 @p0 $0x1;
	_ =	sdelay $0x1  }
0xb2: {  	s6 =	simm.s32 @p0 $0x1B8D  }
0xb3: {  	_ =	swait.eq @p0 [sflag:s6], $0x1  }
0xb4: {  	[sflag:s6] =	ssyncadd.s32 @p0 $0xFFFFFFFF  }
0xb5: {  	s7 =	sshll.u32 @!p0 s1, $0xE  }
0xb6: {  	s7 =	sor.u32 @!p0 $0x4000, s7;
	s6 =	simm.s32 @!p0 $0x1B8D  }
0xb7: {  	s5 =	sshll.u32 @!p0 s5, $0x11;
	s7 =	sadd.s32 @!p0 $0x11B8D, s7;
	_ =	swait.eq @!p0 [sflag:s6], $0x1  }
0xb8: {  	s5 =	sor.u32 @!p0 s5, s7;
	[sflag:s6] =	ssyncadd.s32 @!p0 $0xFFFFFFFF  }
0xb9: {  	s25 =	simm.s32 $0x1B8E;
	s24 =	sld [smem:$0x3FFE];
	[sflag:s5] =	ssyncadd.remote.s32 @!p0 $0x1  }
0xba: {  	s26 =	simm.s32 $execute0_lowered;
	[smem:$0x3FD2] =	sst s25  }
0xbb: {  	s6 =	sshll.u32 s26, $0x1;
	_ =	strace $0x80000049;
	[dreg:$0x1] =	wrdreg $0xFFFFFFFF  }
0xbc: {  	s28 =	simm.s32 $_size_execute0_lowered;
	s4 =	sadd.s32 s4, s6;
	[dreg:$0x0] =	wrdreg $0x0  }
0xbd: {  	s6 =	sshll.u32 s28, $0x1;
	[dreg:$0x2] =	wrdreg s4  }
0xbe: {  	[dreg:$0x3] =	wrdreg s6  }
0xbf: {  	[dreg:$0x4] =	wrdreg $0xC0  }
0xc0: {  	_ =	task [dreg:s22], $0x5FFFF  }
0xc1: {  	[dreg:$0x1] =	wrdreg $0xFFFFFFFF  }
0xc2: {  	[dreg:$0x0] =	wrdreg $0x60  }
0xc3: {  	[dreg:$0x2] =	wrdreg s24  }
0xc4: {  	[dreg:$0x3] =	wrdreg s17  }
0xc5: {  	[dreg:$0x4] =	wrdreg $0x41000  }
0xc6: {  	[dreg:$0x5] =	wrdreg $0x9  }
0xc7: {  	_ =	task.clear_ibuf [dreg:s22], $0x6FFFF;
	_ =	strace $0x90000049  }
0xc8: {  	s29 =	simm.s32 $0x9;
	_ =	strace $0x8000004B  }
0xc9: {  	_ =	swait.ge [sflag:s29], $0x1  }
0xca: {  	[sflag:s29] =	ssyncadd.s32 $0xFFFFFFFF  }
0xcb: {  	_ =	strace $0x9000004B  }
0xcc: {  	_ =	sfence  }
0xcd: {  	s30 =	sld [smem:$0x0];
	_ =	sdelay $0x2  }
0xce: {  	s31 =	sshll.u32 s1, $0xD;
	s1 =	sshrl.u32 s1, $0x2  }
0xcf: {  	s4 =	sand.u32 $0x4000, s31;
	s1 =	sadd.s32 s1, s30  }
0xd0: {  	s0 =	sor.u32 s4, s0;
	s1 =	sshll.u32 s1, $0x11  }
0xd1: {  	s0 =	sor.u32 s1, s0  }
0xd2: {  	s0 =	sadd.s32 $0x8F2B, s0  }
0xd3: {  	[sflag:s0] =	ssyncadd.remote.s32 $0x1  }
0xd4: {  	_ =	sfence.sel $0xFFFF  }
0xd5: {  	[dreg:$0x0] =	wrdreg $0xFFFFFFFF;
	(pc) =	sbr.abs _section_cstart, $3  }
0xd6: {  	[dreg:$0x1] =	wrdreg $0xFFFFFFFF  }
0xd7: {  	_ =	task.clear_ibuf [dreg:s22], $0x2FFFF;
	_ =	strace $0x9FFFFFFF  }
0xd8: {  	(tm) =	ssettm $0x7FFFFFFF  }
0xd9: {  	_ =	shalt  }
tec
execute0_lowered:
.L_overlay_start_1:
0x0: {  	(tag) =	ssettag $0x1  }
0x1: {  	s6 =	rddreg [dreg:$0x0]  }
0x2: {  	s1 =	rddreg [dreg:$0x1]  }
0x3: {  	s2 =	rddreg [dreg:$0x2]  }
0x4: {  	s0 =	rddreg [dreg:$0x3];
	s3 =	simm.s32 $0x0  }
0x5: {  	s5 =	srdreg.scid;
	s4 =	stileid.u32;
	s25 =	simm.s32 $0x0  }
0x6: {  	[smem:$0x7FF] =	sst s3;
	s20 =	sadd.s32 $0x3000, s6;
	s8 =	smul.u32 $0x50000, s4  }
0x7: {  	s14 =	sand.u32 $0x1, s5;
	s5 =	sadd.s32 $0x85000, s6;
	s10 =	smul.u32 $0x14000, s4  }
0x8: {  	s17 =	sadd.s32 $0x85800, s6;
	s9 =	sshll.u32 s4, $0x1;
	s23 =	smul.u32 $0x5000, s4  }
0x9: {  	_ =	strace $0x8000004A;
	s7 =	ssub.s32 $0x2, s14;
	s19 =	smul.u32 $0x140000, s14  }
0xa: {  	s9 =	sor.u32 s14, s9;
	s24 =	smul.u32 $0x2800, s14;
	s26 =	sshrl.u32 s7, $0x1  }
0xb: {  	s8 =	sshrl.u32 s8, $0x2;
	s11 =	smul.u32 $0x2800, s9;
	s15 =	sadd.s32 $0x4000, s10  }
0xc: {  	s16 =	sadd.s32 $0x8000, s10;
	s21 =	sadd.s32 $0xC000, s10;
	s22 =	sadd.s32 $0x10000, s10  }
0xd: {  	s18 =	ssub.s32 s7, s26;
	s6 =	sadd.s32 s8, s2;
	s7 =	sadd.s32 s15, s2  }
0xe: {  	s8 =	sadd.s32 s16, s2;
	s9 =	sadd.s32 s21, s2;
	s12 =	sadd.s32 s10, s19  }
0xf: {  	s15 =	sadd.s32 s19, s15;
	s16 =	sadd.s32 s19, s16;
	s28 =	sadd.s32 s19, s21  }
0x10: {  	s19 =	sadd.s32 s19, s22;
	s29 =	sadd.s32 s24, s23;
	s23 =	simm.s32 $0x80  }
0x11: {  	s24 =	simm.s32 $0x1;
	s11 =	sshrl.u32 s11, $0x3;
	s13 =	sshrl.u32 s12, $0x3  }
0x12: {  	s15 =	sshrl.u32 s15, $0x3;
	s16 =	sshrl.u32 s16, $0x3;
	s19 =	sshrl.u32 s19, $0x3  }
0x13: {  	s30 =	sor.u32 $0x180, s29;
	s21 =	sor.u32 $0x100, s29;
	s18 =	smax.u32 s18, $0x1  }
0x14: {  	s10 =	sadd.s32 s20, s11;
	s11 =	sadd.s32 s22, s2;
	s13 =	sadd.s32 s17, s13  }
0x15: {  	s14 =	sadd.s32 s17, s15;
	s15 =	sadd.s32 s17, s16;
	s16 =	sshrl.u32 s28, $0x3  }
0x16: {  	s31 =	sshrl.u32 s30, $0x3;
	s21 =	sshrl.u32 s21, $0x3;
	s22 =	simm.s32 $0x2  }
0x17: {  	s12 =	sadd.s32 $0x10, s10;
	s16 =	sadd.s32 s17, s16;
	s17 =	sadd.s32 s17, s19  }
0x18: {  	s19 =	sadd.s32 s31, s20;
	s20 =	sadd.s32 s21, s20;
	s21 =	simm.s32 $0x100  }
.LBB2_1:
0x19: {  	[tilespmem:s21], [sflag:$0x2] =	stream.linear.gather [hbm4b:s1+s3], $0x4000, $0x38;
	[tilespmem:$0x18100] =	vst v63  }
0x1a: {  	_ =	swait.ge [sflag:s22], $0x4000  }
0x1b: {  	[sflag:s22] =	ssyncset.done $0x0  }
0x1c: {  	[sflag:s22] =	ssyncadd.s32 $0xFFFFC000  }
0x1d: {  	[spmem:s6] =	stream.linear.scatter [tilespmem:s21], [sflag:$0x2], $0x4000, $0x38;
	[tilespmem:$0x18100] =	vst v63  }
0x1e: {  	_ =	swait.ge [sflag:s22], $0x4000  }
0x1f: {  	[sflag:s22] =	ssyncset.done $0x0  }
0x20: {  	[sflag:s22] =	ssyncadd.s32 $0xFFFFC000  }
0x21: {  	[spmem:s7] =	stream.linear.scatter [tilespmem:s21], [sflag:$0x2], $0x4000, $0x38;
	[tilespmem:$0x18100] =	vst v63  }
0x22: {  	_ =	swait.ge [sflag:s22], $0x4000  }
0x23: {  	[sflag:s22] =	ssyncset.done $0x0  }
0x24: {  	[sflag:s22] =	ssyncadd.s32 $0xFFFFC000  }
0x25: {  	[spmem:s8] =	stream.linear.scatter [tilespmem:s21], [sflag:$0x2], $0x4000, $0x38;
	[tilespmem:$0x18100] =	vst v63  }
0x26: {  	_ =	swait.ge [sflag:s22], $0x4000  }
0x27: {  	[sflag:s22] =	ssyncset.done $0x0  }
0x28: {  	[sflag:s22] =	ssyncadd.s32 $0xFFFFC000  }
0x29: {  	[spmem:s9] =	stream.linear.scatter [tilespmem:s21], [sflag:$0x2], $0x4000, $0x38;
	[tilespmem:$0x18100] =	vst v63  }
0x2a: {  	_ =	swait.ge [sflag:s22], $0x4000  }
0x2b: {  	[sflag:s22] =	ssyncset.done $0x0  }
0x2c: {  	[sflag:s22] =	ssyncadd.s32 $0xFFFFC000  }
0x2d: {  	[spmem:s11] =	stream.linear.scatter [tilespmem:s21], [sflag:$0x2], $0x4000, $0x38;
	[tilespmem:$0x18100] =	vst v63  }
0x2e: {  	_ =	swait.ge [sflag:s22], $0x4000  }
0x2f: {  	[sflag:s22] =	ssyncset.done $0x0  }
0x30: {  	[sflag:s22] =	ssyncadd.s32 $0xFFFFC000  }
0x31: {  	[tilespmem:s21], [sflag:$0x2] =	stream.linear.gather [hbm4b:s5+s3], $0x4000, $0x38;
	[tilespmem:$0x18100] =	vst v63  }
0x32: {  	_ =	swait.ge [sflag:s22], $0x4000  }
0x33: {  	[sflag:s22] =	ssyncset.done $0x0  }
0x34: {  	[sflag:s22] =	ssyncadd.s32 $0xFFFFC000  }
0x35: {  	[bflag:$0x0] =	sbarrier.arrive $0xFFFF  }
0x36: {  	[tilespmem:s3], [sflag:$0x1] =	stream.linear.gather [hbm4b:s10+s3], $0x80, $0x38;
	[tilespmem:$0x18100] =	vst v63  }
0x37: {  	_ = 	snop  }
0x38: {  	[tilespmem:s23], [sflag:$0x1] =	stream.linear.gather [hbm4b:s12+s3], $0x80, $0x38;
	[tilespmem:$0x18100] =	vst v63  }
0x39: {  	_ =	swait.ge [sflag:s24], $0x80  }
0x3a: {  	[sflag:s24] =	ssyncset.done $0x0  }
0x3b: {  	[sflag:s24] =	ssyncadd.s32 $0xFFFFFF80  }
0x3c: {  	[spmem:s2] =	stream.indirect.scatter.add.f32 [tilespmem:s21], [sflag:$0x2], $0x80, s3, s23, $0xb8;
	[tilespmem:$0x18100] =	vst v63  }
0x3d: {  	_ =	swait.ge [sflag:s22], $0x4000  }
0x3e: {  	[sflag:s22] =	ssyncset.done $0x0  }
0x3f: {  	s26 =	sadd.s32 $0x0, s20;
	[sflag:s22] =	ssyncadd.s32 $0xFFFFC000  }
0x40: {  	[tilespmem:s3], [sflag:$0x1] =	stream.linear.gather [hbm4b:s26+s3], $0x80, $0x38;
	[tilespmem:$0x18100] =	vst v63  }
0x41: {  	_ =	swait.ge [sflag:s24], $0x80  }
0x42: {  	[sflag:s24] =	ssyncset.done $0x0  }
0x43: {  	[sflag:s24] =	ssyncadd.s32 $0xFFFFFF80  }
0x44: {  	[spmem:s2] =	stream.indirect.scatter.add.f32 [tilespmem:s21], [sflag:$0x2], $0x80, s23, s23, $0xb8;
	[tilespmem:$0x18100] =	vst v63  }
0x45: {  	_ =	swait.ge [sflag:s22], $0x4000  }
0x46: {  	[sflag:s22] =	ssyncset.done $0x0  }
0x47: {  	s28 =	sadd.s32 $0x0, s19;
	s26 =	simm.s32 $0x20;
	[sflag:s22] =	ssyncadd.s32 $0xFFFFC000  }
.LBB2_2:
0x48: {  	[tilespmem:s23], [sflag:$0x1] =	stream.linear.gather [hbm4b:s28+s3], $0x80, $0x38;
	[tilespmem:$0x18100] =	vst v63  }
0x49: {  	s28 =	smov.u32 s26  }
0x4a: {  	p0 =	sne.s32 s26, $0x4C0;
	s26 =	sadd.s32 $0x20, s26;
	_ =	swait.ge [sflag:s24], $0x80  }
0x4b: {  	[sflag:s24] =	ssyncset.done $0x0  }
0x4c: {  	[sflag:s24] =	ssyncadd.s32 $0xFFFFFF80  }
0x4d: {  	[spmem:s2] =	stream.indirect.scatter.add.f32 [tilespmem:s21], [sflag:$0x2], $0x80, s3, s23, $0xb8;
	[tilespmem:$0x18100] =	vst v63  }
0x4e: {  	_ =	swait.ge [sflag:s22], $0x4000  }
0x4f: {  	[sflag:s22] =	ssyncset.done $0x0  }
0x50: {  	s29 =	sadd.s32 s28, s20;
	[sflag:s22] =	ssyncadd.s32 $0xFFFFC000  }
0x51: {  	[tilespmem:s3], [sflag:$0x1] =	stream.linear.gather [hbm4b:s29+s3], $0x80, $0x38;
	[tilespmem:$0x18100] =	vst v63  }
0x52: {  	_ =	swait.ge [sflag:s24], $0x80  }
0x53: {  	[sflag:s24] =	ssyncset.done $0x0  }
.Ltmp0:
0x54: {  	[sflag:s24] =	ssyncadd.s32 $0xFFFFFF80;
	(pc) =	sbr.rel @p0 .LBB2_2-.Ltmp0, $4  }
0x55: {  	[spmem:s2] =	stream.indirect.scatter.add.f32 [tilespmem:s21], [sflag:$0x2], $0x80, s23, s23, $0xb8;
	[tilespmem:$0x18100] =	vst v63  }
0x56: {  	_ =	swait.ge [sflag:s22], $0x4000  }
0x57: {  	[sflag:s22] =	ssyncset.done $0x0  }
0x58: {  	s28 =	sadd.s32 s28, s19;
	[sflag:s22] =	ssyncadd.s32 $0xFFFFC000  }
0x59: {  	[tilespmem:s23], [sflag:$0x1] =	stream.linear.gather [hbm4b:s28+s3], $0x80, $0x38;
	[tilespmem:$0x18100] =	vst v63  }
0x5a: {  	_ =	swait.ge [sflag:s24], $0x80  }
0x5b: {  	[sflag:s24] =	ssyncset.done $0x0  }
0x5c: {  	[sflag:s24] =	ssyncadd.s32 $0xFFFFFF80  }
0x5d: {  	[spmem:s2] =	stream.indirect.scatter.add.f32 [tilespmem:s21], [sflag:$0x2], $0x80, s3, s23, $0xb8;
	[tilespmem:$0x18100] =	vst v63  }
0x5e: {  	_ =	swait.ge [sflag:s22], $0x4000  }
0x5f: {  	[sflag:s22] =	ssyncset.done $0x0  }
0x60: {  	[sflag:s22] =	ssyncadd.s32 $0xFFFFC000  }
0x61: {  	_ =	swait.ge [sflag:s24], $0x80  }
0x62: {  	[sflag:s24] =	ssyncset.done $0x0  }
0x63: {  	[sflag:s24] =	ssyncadd.s32 $0xFFFFFF80  }
0x64: {  	[spmem:s2] =	stream.indirect.scatter.add.f32 [tilespmem:s21], [sflag:$0x2], $0x80, s23, s23, $0xb8;
	[tilespmem:$0x18100] =	vst v63  }
0x65: {  	_ =	swait.ge [sflag:s22], $0x4000  }
0x66: {  	[sflag:s22] =	ssyncset.done $0x0  }
0x67: {  	[sflag:s22] =	ssyncadd.s32 $0xFFFFC000  }
0x68: {  	[bflag:$0x0] =	sbarrier.arrive $0xFFFF  }
0x69: {  	[tilespmem:s21], [sflag:$0x2] =	stream.linear.gather [spmem:s6], $0x4000, $0x38;
	[tilespmem:$0x18100] =	vst v63  }
0x6a: {  	_ =	swait.ge [sflag:s22], $0x4000  }
0x6b: {  	[sflag:s22] =	ssyncset.done $0x0  }
0x6c: {  	[sflag:s22] =	ssyncadd.s32 $0xFFFFC000  }
0x6d: {  	[hbm4b:s13+s3] =	stream.linear.scatter [tilespmem:s21], [sflag:$0x2], $0x4000, $0x38;
	[tilespmem:$0x18100] =	vst v63  }
0x6e: {  	_ =	swait.ge [sflag:s22], $0x4000  }
0x6f: {  	[sflag:s22] =	ssyncset.done $0x0  }
0x70: {  	[sflag:s22] =	ssyncadd.s32 $0xFFFFC000  }
0x71: {  	[tilespmem:s21], [sflag:$0x2] =	stream.linear.gather [spmem:s7], $0x4000, $0x38;
	[tilespmem:$0x18100] =	vst v63  }
0x72: {  	_ =	swait.ge [sflag:s22], $0x4000  }
0x73: {  	[sflag:s22] =	ssyncset.done $0x0  }
0x74: {  	[sflag:s22] =	ssyncadd.s32 $0xFFFFC000  }
0x75: {  	[hbm4b:s14+s3] =	stream.linear.scatter [tilespmem:s21], [sflag:$0x2], $0x4000, $0x38;
	[tilespmem:$0x18100] =	vst v63  }
0x76: {  	_ =	swait.ge [sflag:s22], $0x4000  }
0x77: {  	[sflag:s22] =	ssyncset.done $0x0  }
0x78: {  	[sflag:s22] =	ssyncadd.s32 $0xFFFFC000  }
0x79: {  	[tilespmem:s21], [sflag:$0x2] =	stream.linear.gather [spmem:s8], $0x4000, $0x38;
	[tilespmem:$0x18100] =	vst v63  }
0x7a: {  	_ =	swait.ge [sflag:s22], $0x4000  }
0x7b: {  	[sflag:s22] =	ssyncset.done $0x0  }
0x7c: {  	[sflag:s22] =	ssyncadd.s32 $0xFFFFC000  }
0x7d: {  	[hbm4b:s15+s3] =	stream.linear.scatter [tilespmem:s21], [sflag:$0x2], $0x4000, $0x38;
	[tilespmem:$0x18100] =	vst v63  }
0x7e: {  	_ =	swait.ge [sflag:s22], $0x4000  }
0x7f: {  	[sflag:s22] =	ssyncset.done $0x0  }
0x80: {  	[sflag:s22] =	ssyncadd.s32 $0xFFFFC000  }
0x81: {  	[tilespmem:s21], [sflag:$0x2] =	stream.linear.gather [spmem:s9], $0x4000, $0x38;
	[tilespmem:$0x18100] =	vst v63  }
0x82: {  	_ =	swait.ge [sflag:s22], $0x4000  }
0x83: {  	[sflag:s22] =	ssyncset.done $0x0  }
0x84: {  	[sflag:s22] =	ssyncadd.s32 $0xFFFFC000  }
0x85: {  	[hbm4b:s16+s3] =	stream.linear.scatter [tilespmem:s21], [sflag:$0x2], $0x4000, $0x38;
	[tilespmem:$0x18100] =	vst v63  }
0x86: {  	_ =	swait.ge [sflag:s22], $0x4000  }
0x87: {  	[sflag:s22] =	ssyncset.done $0x0  }
0x88: {  	[sflag:s22] =	ssyncadd.s32 $0xFFFFC000  }
0x89: {  	[tilespmem:s21], [sflag:$0x2] =	stream.linear.gather [spmem:s11], $0x4000, $0x38;
	[tilespmem:$0x18100] =	vst v63  }
0x8a: {  	s25 =	sadd.s32 $0x1, s25;
	_ =	swait.ge [sflag:s22], $0x4000  }
0x8b: {  	p0 =	sne.s32 s25, s18;
	[sflag:s22] =	ssyncset.done $0x0  }
.Ltmp1:
0x8c: {  	[sflag:s22] =	ssyncadd.s32 $0xFFFFC000;
	(pc) =	sbr.rel @p0 .LBB2_1-.Ltmp1, $4  }
0x8d: {  	[hbm4b:s17+s3] =	stream.linear.scatter [tilespmem:s21], [sflag:$0x2], $0x4000, $0x38;
	[tilespmem:$0x18100] =	vst v63  }
0x8e: {  	_ =	swait.ge [sflag:s22], $0x4000  }
0x8f: {  	[sflag:s22] =	ssyncset.done $0x0  }
0x90: {  	[sflag:s22] =	ssyncadd.s32 $0xFFFFC000  }
0x91: {  	_ =	sfence.sel $0x180000  }
0x92: {  	[bflag:$0x0] =	sbarrier.arrive $0xFFFF  }
0x93: {  	p0 =	sne.s32 s4, $0x0;
	_ =	strace $0x9000004A  }
0x94: {  	s0 =	sadd.s32 @!p0 $0x100000, s0;
	[bflag:$0x2] =	sbarrier.arrive $0xFFFF  }
0x95: {  	[sflag:s0] =	ssyncadd.tile.s32 @!p0 $0x1;
	_ =	shalt  }
.Lfunc_end2:
_tile_overlayer_lowered:
.L_overlay_start_2:
0x96: {  	(tag) =	ssettag $0x2  }
0x97: {  	s0 =	rddreg [dreg:$0x0];
	s2 =	stileid.u32  }
0x98: {  	s1 =	rddreg [dreg:$0x1];
	p0 =	sne.s32 s2, $0x0  }
0x99: {  	s3 =	rddreg [dreg:$0x2];
	[bflag:$0x3] =	sbarrier.arrive $0xFFFF;
	s2 =	simm.s32 @!p0 $0x1C02  }
0x9a: {  	[timem:s3], [sflag:s2] =	dma.local @!p0 [hbm:s0], s1  }
0x9b: {  	s0 =	simm.s32 @!p0 $0x2  }
0x9c: {  	_ =	swait.ge @!p0 [sflag:s0], s1  }
0x9d: {  	s1 =	ssub.s32 @!p0 $0x0, s1;
	[sflag:s0] =	ssyncset.done @!p0 $0x0  }
0x9e: {  	[sflag:s0] =	ssyncadd.s32 @!p0 s1  }
0x9f: {  	[bflag:$0x3] =	sbarrier.arrive $0xFFFF  }
0xa0: {  	_ =	shalt  }

</sc_bundles>
